<compile_context>
chip_gen: v7x
topology: tpu7x:2x2x1
jax: 0.10.2.dev20260603
libtpu: 0.0.44.dev20260713+nightly
codegen_flags: <defaults>
</compile_context>

<pallas_src>
import functools

import jax
import jax.numpy as jnp
from jax import lax
from jax.experimental import pallas as pl
from jax.experimental.pallas import tpu as pltpu
from jax.experimental.pallas import tpu_sc as plsc

_B = 4096
_D = 16
_C = 16
_K = 15

_NC = 2
_NS = 16
_NW = _NC * _NS
_RW = _B // _NW
_CH = 8
_NCHUNK = _RW // _CH
_GS = 4
_NG = _B // (16 * _GS)
_SG = _NG // 16
_Q = _B // _GS



def _dist_body(e_ref, et_ref, o_ref, gm_ref):
    e = e_ref[...]
    et = et_ref[...]
    x2i = jnp.sum(e * e, axis=1, keepdims=True)
    x2j = jnp.sum(et * et, axis=0, keepdims=True)
    d2 = x2i + x2j - 2.0 * jnp.dot(e, et, preferred_element_type=jnp.float32)
    d = jnp.sqrt(jnp.maximum(d2, 0.0))
    o_ref[...] = d
    q = jnp.minimum(
        jnp.minimum(d[:, 0:_Q], d[:, _Q:2 * _Q]),
        jnp.minimum(d[:, 2 * _Q:3 * _Q], d[:, 3 * _Q:4 * _Q]))
    gm_ref[...] = jnp.min(q.reshape(q.shape[0], _NG, 16), axis=2)


def _dist_matrix(encodings, encodings_t):
    rb = 256
    return pl.pallas_call(
        _dist_body,
        grid=(_B // rb,),
        in_specs=[
            pl.BlockSpec((rb, _D), lambda i: (i, 0)),
            pl.BlockSpec((_D, _B), lambda i: (0, 0)),
        ],
        out_specs=[
            pl.BlockSpec((rb, _B), lambda i: (i, 0)),
            pl.BlockSpec((rb, _NG), lambda i: (i, 0)),
        ],
        out_shape=(
            jax.ShapeDtypeStruct((_B, _B), jnp.float32),
            jax.ShapeDtypeStruct((_B, _NG), jnp.float32),
        ),
    )(encodings, encodings_t)



def _labels_body(cat_ref, lab_ref, e0_ref, e1_ref, gent_ref, npop_ref):
    cat = cat_ref[...]
    mx = jnp.max(cat, axis=1, keepdims=True)
    iota = lax.broadcasted_iota(jnp.int32, (_B, _C), 1)
    ismax = cat == mx
    lab = jnp.min(jnp.where(ismax, iota, _C), axis=1, keepdims=True)
    lab_ref[...] = lab
    one = jnp.ones_like(lab)
    sh0 = 4 * jnp.minimum(lab, 7)
    sh1 = 4 * jnp.clip(lab - 8, 0, 7)
    e0_ref[...] = jnp.where(lab < 8, one << sh0, 0)
    e1_ref[...] = jnp.where(lab >= 8, one << sh1, 0)
    onehot = (iota == lab).astype(jnp.float32)
    g = jnp.sum(onehot, axis=0)
    gb = g * jnp.float32(1.0 / _B)
    gent_ref[...] = (-jnp.sum(gb * jnp.log(gb + 1e-5)))[None, None]
    npop_ref[...] = jnp.sum((g > 0).astype(jnp.float32))[None, None]


def _labels_call(categorical):
    return pl.pallas_call(
        _labels_body,
        out_shape=(
            jax.ShapeDtypeStruct((_B, 1), jnp.int32),
            jax.ShapeDtypeStruct((_B, 1), jnp.int32),
            jax.ShapeDtypeStruct((_B, 1), jnp.int32),
            jax.ShapeDtypeStruct((1, 1), jnp.float32),
            jax.ShapeDtypeStruct((1, 1), jnp.float32),
        ),
    )(categorical)



def _sc_counts(dist_flat, gm_flat, enc0, enc1):
    mesh = plsc.VectorSubcoreMesh(core_axis_name="c", subcore_axis_name="s")

    @functools.partial(
        pl.kernel,
        mesh=mesh,
        compiler_params=pltpu.CompilerParams(needs_layout_passes=False),
        out_type=jax.ShapeDtypeStruct((_B * _C,), jnp.float32),
        scratch_types=[
            pltpu.VMEM((_CH * _B,), jnp.float32),
            pltpu.VMEM((_CH * _B,), jnp.float32),
            pltpu.VMEM((_CH * _NG,), jnp.float32),
            pltpu.VMEM((_CH * _NG,), jnp.float32),
            pltpu.VMEM((_B,), jnp.int32),
            pltpu.VMEM((_B,), jnp.int32),
            pltpu.VMEM((_RW * _C,), jnp.float32),
            pltpu.SemaphoreType.DMA,
            pltpu.SemaphoreType.DMA,
        ],
    )
    def body(dist_hbm, gm_hbm, enc0_hbm, enc1_hbm, out_hbm, row_a, row_b,
             gm_a, gm_b, e0_v, e1_v, out_v, sem_a, sem_b):
        wid = lax.axis_index("s") * _NC + lax.axis_index("c")
        base = wid * _RW
        pltpu.sync_copy(enc0_hbm, e0_v)
        pltpu.sync_copy(enc1_hbm, e1_v)
        iota16 = lax.iota(jnp.int32, 16)
        bufs = ((row_a, gm_a, sem_a), (row_b, gm_b, sem_b))

        def start_chunk(c, row_buf, gm_buf, sem):
            cc = jnp.minimum(c, _NCHUNK - 1)
            st = base + cc * _CH
            pltpu.async_copy(dist_hbm.at[pl.ds(st * _B, _CH * _B)], row_buf, sem)
            pltpu.async_copy(gm_hbm.at[pl.ds(st * _NG, _CH * _NG)], gm_buf, sem)

        def wait_chunk(row_buf, gm_buf, sem):
            pltpu.make_async_copy(
                dist_hbm.at[pl.ds(0, _CH * _B)], row_buf, sem).wait()
            pltpu.make_async_copy(
                gm_hbm.at[pl.ds(0, _CH * _NG)], gm_buf, sem).wait()

        start_chunk(jnp.int32(0), *bufs[0])
        start_chunk(jnp.int32(1), *bufs[1])

        def process_chunk(c, row_v, gm_v):
            def row_body(r, _r):
                roff = r * _B
                goff = r * _NG

                gsv = [gm_v[pl.ds(goff + s * 16, 16)] for s in range(_SG)]

                s0 = lax.sort(gsv[0])
                s1 = lax.sort(gsv[1])
                s2 = lax.sort(gsv[2])
                s3 = lax.sort(gsv[3])
                m01 = lax.sort(jnp.minimum(s0, lax.rev(s1, (0,))))
                m23 = lax.sort(jnp.minimum(s2, lax.rev(s3, (0,))))
                mm = lax.sort(jnp.minimum(m01, lax.rev(m23, (0,))))
                t0 = jnp.max(mm)

                top = jnp.full((16,), jnp.inf, jnp.float32)
                mt = t0
                for s in range(_SG):
                    sg = gsv[s]
                    sb = roff + s * 256

                    def p1_cond(carry):
                        mk, _t, _m = carry
                        return jnp.any(mk)

                    def p1_body(carry, sg=sg, sb=sb):
                        mk, tp, m_ = carry
                        g = jnp.max(plsc.all_reduce_ffs(mk))
                        b = sb + g * 16
                        for j in range(_GS):
                            cv = row_v[pl.ds(b + j * _Q, 16)]
                            tp = lax.sort(jnp.minimum(
                                tp, lax.rev(lax.sort(cv), (0,))))
                        m_ = jnp.minimum(m_, jnp.max(tp))
                        mk = mk & (iota16 != g) & (sg <= m_)
                        return mk, tp, m_

                    mask0 = sg <= mt
                    _mk, top, mt = lax.while_loop(
                        p1_cond, p1_body, (mask0, top, mt))
                t = jnp.max(top)

                z = jnp.zeros((16,), jnp.int32)
                a0 = z
                a1 = z
                for s in range(_SG):
                    sg = gsv[s]
                    sb = roff + s * 256
                    eb = s * 256

                    def p2_cond(carry):
                        mk, _a, _b2 = carry
                        return jnp.any(mk)

                    def p2_body(carry, sb=sb, eb=eb):
                        mk, x0, x1 = carry
                        g = jnp.max(plsc.all_reduce_ffs(mk))
                        b = sb + g * 16
                        e = eb + g * 16
                        for j in range(_GS):
                            cv = row_v[pl.ds(b + j * _Q, 16)]
                            m = cv < t
                            x0 = x0 + jnp.where(
                                m, e0_v[pl.ds(e + j * _Q, 16)], z)
                            x1 = x1 + jnp.where(
                                m, e1_v[pl.ds(e + j * _Q, 16)], z)
                        return mk & (iota16 != g), x0, x1

                    _mk, a0, a1 = lax.while_loop(
                        p2_cond, p2_body, (sg < t, a0, a1))

                s0i = jnp.sum(a0)
                s1i = jnp.sum(a1)
                sh = 4 * (iota16 & 7)
                c0 = (s0i >> sh) & 15
                c1 = (s1i >> sh) & 15
                cv16 = jnp.where(iota16 < 8, c0, c1).astype(jnp.float32)
                out_v[pl.ds((c * _CH + r) * _C, _C)] = cv16
                return 0

            lax.fori_loop(0, _CH, row_body, 0)

        def pair_body(p, _):
            for par in range(2):
                row_buf, gm_buf, sem = bufs[par]
                c = 2 * p + par
                wait_chunk(row_buf, gm_buf, sem)
                process_chunk(c, row_buf, gm_buf)
                start_chunk(c + 2, row_buf, gm_buf, sem)
            return 0

        lax.fori_loop(0, _NCHUNK // 2, pair_body, 0)
        wait_chunk(*bufs[0])
        wait_chunk(*bufs[1])
        pltpu.sync_copy(out_v, out_hbm.at[pl.ds(base * _C, _RW * _C)])

    return body(dist_flat, gm_flat, enc0, enc1)



def _entropy_body(cnt_ref, nent_ref):
    cnt = cnt_ref[...]
    ns = jnp.sum(cnt, axis=1, keepdims=True)
    bins = cnt / ns
    nent_ref[...] = -jnp.sum(bins * jnp.log(bins + 1e-5), axis=1, keepdims=True)


def _entropy_call(counts):
    return pl.pallas_call(
        _entropy_body,
        out_shape=jax.ShapeDtypeStruct((_B, 1), jnp.float32),
    )(counts)



def kernel(encodings, categorical):
    dist, gmat = _dist_matrix(encodings, encodings.T)
    lab, enc0, enc1, gent, npop = _labels_call(categorical)
    del lab
    counts_flat = _sc_counts(
        dist.reshape(_B * _B),
        gmat.reshape(_B * _NG),
        enc0.reshape(_B),
        enc1.reshape(_B),
    )
    nent = _entropy_call(counts_flat.reshape(_B, _C))
    return (
        encodings,
        nent.reshape(_B),
        gent.reshape(()),
        npop.reshape(()),
    )

# --- scband reference (transcript-rebuilt; emitter-appended) ---
"""Pipeline reference for scband-cluster-control-90348932038710 (READ-ONLY COPY).

The authoritative reference and input builder live on the scoring server;
editing this copy changes nothing except your own understanding.
"""

import jax, jax.numpy as jnp
import numpy as np

BATCH = 4096
ENC_DIM = 16
N_COMPONENTS = 16
K = 15


def setup_inputs(seed: int = 0) -> dict:
    key = jax.random.key(seed)
    k1, k2 = jax.random.split(key)
    encodings = jax.random.normal(k1, (BATCH, ENC_DIM), dtype=jnp.float32)
    categorical = jax.random.uniform(k2, (BATCH, N_COMPONENTS), dtype=jnp.float32)
    return {"encodings": encodings, "categorical": categorical}


def reference(encodings, categorical):
    k = K
    if k >= BATCH // 4:
        k = BATCH // 4
    # hard cluster assignment and confidence
    hard_groups = jnp.argmax(categorical, axis=1)            # int [B]
    max_groups = jnp.max(categorical, axis=1)                # float [B]
    # all-pairs distances (vectorized form of the per-row map_fn in the TF code)
    x2 = jnp.sum(encodings * encodings, axis=1)
    d2 = x2[:, None] + x2[None, :] - 2.0 * (encodings @ encodings.T)
    d2 = jnp.maximum(d2, 0.0)
    dist = jnp.sqrt(d2)                                      # [B, B]
    # k-th smallest distance per row (tf.gather(tf.sort(distances), k))
    thresh = jnp.sort(dist, axis=1)[:, k]                    # [B]
    # neighbourhood mask: distances strictly below the k-th smallest
    mask = dist < thresh[:, None]                            # bool [B, B]
    # Shannon entropy of cluster labels within each neighbourhood
    onehot = jax.nn.one_hot(hard_groups, N_COMPONENTS, dtype=jnp.float32)  # [B, C]
    counts = mask.astype(jnp.float32) @ onehot               # [B, C]
    nsize = jnp.sum(mask, axis=1).astype(jnp.float32)        # [B]
    bins = counts / nsize[:, None]
    neighbourhood_entropy = -jnp.sum(bins * jnp.log(bins + 1e-05), axis=1)  # [B]
    # global cluster-size entropy (zero-count bins contribute exactly 0, so
    # fixed-length bincount matches tf.math.bincount semantics here)
    gcounts = jnp.bincount(hard_groups, length=N_COMPONENTS)
    gbins = gcounts.astype(jnp.float32) / jnp.float32(BATCH)
    cluster_size_entropy = -jnp.sum(gbins * jnp.log(gbins + 1e-05))
    # number of populated clusters (tf.unique count)
    n_populated = jnp.sum((gcounts > 0).astype(jnp.float32))
    # the layer is an identity on encodings; metrics are returned alongside so
    # the kNN/entropy computation is observable
    return encodings, neighbourhood_entropy, cluster_size_entropy, n_populated

if __name__ == "__main__":
    import jax
    _d = setup_inputs()
    print(jax.jit(kernel)(*tuple(_d.values())))

</pallas_src>

<mosaic_0001>
#map = affine_map<(d0, d1) -> (0)>
module attributes {stable_mosaic.version = 14 : i64} {
  func.func @body(%arg0: i32, %arg1: i32, %arg2: memref<16777216xf32, #tpu.memory_space<hbm>>, %arg3: memref<262144xf32, #tpu.memory_space<hbm>>, %arg4: memref<4096xi32, #tpu.memory_space<hbm>>, %arg5: memref<4096xi32, #tpu.memory_space<hbm>>, %arg6: memref<65536xf32, #tpu.memory_space<hbm>>, %arg7: memref<32768xf32, #tpu.memory_space<vmem>>, %arg8: memref<32768xf32, #tpu.memory_space<vmem>>, %arg9: memref<512xf32, #tpu.memory_space<vmem>>, %arg10: memref<512xf32, #tpu.memory_space<vmem>>, %arg11: memref<4096xi32, #tpu.memory_space<vmem>>, %arg12: memref<4096xi32, #tpu.memory_space<vmem>>, %arg13: memref<2048xf32, #tpu.memory_space<vmem>>, %arg14: memref<!tpu.dma_semaphore, #tpu.memory_space<semaphore_mem>>, %arg15: memref<!tpu.dma_semaphore, #tpu.memory_space<semaphore_mem>>) attributes {dimension_semantics = [#tpu.dimension_semantics<core_parallel>, #tpu.dimension_semantics<subcore_parallel>], iteration_bounds = array<i64: 2, 16>, scalar_prefetch = 0 : i64, scratch_operands = 9 : i64, tpu.core_type = #tpu.core_type<sc_vector_subcore>, window_params = [{transform_indices = #map}, {transform_indices = #map}, {transform_indices = #map}, {transform_indices = #map}, {transform_indices = #map}]} {
    %mul3A = arith.constant 2 : i32
    %mul3A_0 = arith.muli %arg1, %mul3A : i32
    %add3A = arith.addi %mul3A_0, %arg0 : i32
    %mul3A_1 = arith.constant 128 : i32
    %mul3A_2 = arith.muli %add3A, %mul3A_1 : i32
    "tpu.region"() ({
      %run_scoped3A = tpu.sem_alloc : memref<!tpu.dma_semaphore, #tpu.memory_space<semaphore_mem>>
      tpu.enqueue_dma source(%arg4 : memref<4096xi32, #tpu.memory_space<hbm>>) target(%arg11 : memref<4096xi32, #tpu.memory_space<vmem>>) target_semaphore(%run_scoped3A : memref<!tpu.dma_semaphore, #tpu.memory_space<semaphore_mem>>)
      tpu.wait_dma2 semaphore(%run_scoped3A : memref<!tpu.dma_semaphore, #tpu.memory_space<semaphore_mem>>) src(%arg4 : memref<4096xi32, #tpu.memory_space<hbm>>) dst(%arg11 : memref<4096xi32, #tpu.memory_space<vmem>>)
      tpu.yield
    }) : () -> ()
    "tpu.region"() ({
      %run_scoped3A = tpu.sem_alloc : memref<!tpu.dma_semaphore, #tpu.memory_space<semaphore_mem>>
      tpu.enqueue_dma source(%arg5 : memref<4096xi32, #tpu.memory_space<hbm>>) target(%arg12 : memref<4096xi32, #tpu.memory_space<vmem>>) target_semaphore(%run_scoped3A : memref<!tpu.dma_semaphore, #tpu.memory_space<semaphore_mem>>)
      tpu.wait_dma2 semaphore(%run_scoped3A : memref<!tpu.dma_semaphore, #tpu.memory_space<semaphore_mem>>) src(%arg5 : memref<4096xi32, #tpu.memory_space<hbm>>) dst(%arg12 : memref<4096xi32, #tpu.memory_space<vmem>>)
      tpu.yield
    }) : () -> ()
    %iota3A = tpu.iota {dimensions = array<i32: 0>} : vector<16xi32>
    %min3A = arith.constant 0 : i32
    %min3A_3 = arith.constant 15 : i32
    %min3A_4 = arith.minsi %min3A, %min3A_3 : i32
    %mul3A_5 = arith.constant 8 : i32
    %mul3A_6 = arith.muli %min3A_4, %mul3A_5 : i32
    %add3A_7 = arith.addi %mul3A_2, %mul3A_6 : i32
    %mul3A_8 = arith.constant 4096 : i32
    %mul3A_9 = arith.muli %add3A_7, %mul3A_8 : i32
    %dma_start3A = tpu.memref_slice %arg2[%mul3A_9] : memref<16777216xf32, #tpu.memory_space<hbm>> -> memref<32768xf32, #tpu.memory_space<hbm>>
    %dma_start3A_10 = tpu.memref_slice %arg2[%mul3A_9] : memref<16777216xf32, #tpu.memory_space<hbm>> -> memref<32768xf32, #tpu.memory_space<hbm>>
    tpu.enqueue_dma source(%dma_start3A_10 : memref<32768xf32, #tpu.memory_space<hbm>>) target(%arg7 : memref<32768xf32, #tpu.memory_space<vmem>>) target_semaphore(%arg14 : memref<!tpu.dma_semaphore, #tpu.memory_space<semaphore_mem>>)
    %mul3A_11 = arith.constant 64 : i32
    %mul3A_12 = arith.muli %add3A_7, %mul3A_11 : i32
    %dma_start3A_13 = tpu.memref_slice %arg3[%mul3A_12] : memref<262144xf32, #tpu.memory_space<hbm>> -> memref<512xf32, #tpu.memory_space<hbm>>
    %dma_start3A_14 = tpu.memref_slice %arg3[%mul3A_12] : memref<262144xf32, #tpu.memory_space<hbm>> -> memref<512xf32, #tpu.memory_space<hbm>>
    tpu.enqueue_dma source(%dma_start3A_14 : memref<512xf32, #tpu.memory_space<hbm>>) target(%arg9 : memref<512xf32, #tpu.memory_space<vmem>>) target_semaphore(%arg14 : memref<!tpu.dma_semaphore, #tpu.memory_space<semaphore_mem>>)
    %min3A_15 = arith.constant 1 : i32
    %min3A_16 = arith.constant 15 : i32
    %min3A_17 = arith.minsi %min3A_15, %min3A_16 : i32
    %mul3A_18 = arith.constant 8 : i32
    %mul3A_19 = arith.muli %min3A_17, %mul3A_18 : i32
    %add3A_20 = arith.addi %mul3A_2, %mul3A_19 : i32
    %mul3A_21 = arith.constant 4096 : i32
    %mul3A_22 = arith.muli %add3A_20, %mul3A_21 : i32
    %dma_start3A_23 = tpu.memref_slice %arg2[%mul3A_22] : memref<16777216xf32, #tpu.memory_space<hbm>> -> memref<32768xf32, #tpu.memory_space<hbm>>
    %dma_start3A_24 = tpu.memref_slice %arg2[%mul3A_22] : memref<16777216xf32, #tpu.memory_space<hbm>> -> memref<32768xf32, #tpu.memory_space<hbm>>
    tpu.enqueue_dma source(%dma_start3A_24 : memref<32768xf32, #tpu.memory_space<hbm>>) target(%arg8 : memref<32768xf32, #tpu.memory_space<vmem>>) target_semaphore(%arg15 : memref<!tpu.dma_semaphore, #tpu.memory_space<semaphore_mem>>)
    %mul3A_25 = arith.constant 64 : i32
    %mul3A_26 = arith.muli %add3A_20, %mul3A_25 : i32
    %dma_start3A_27 = tpu.memref_slice %arg3[%mul3A_26] : memref<262144xf32, #tpu.memory_space<hbm>> -> memref<512xf32, #tpu.memory_space<hbm>>
    %dma_start3A_28 = tpu.memref_slice %arg3[%mul3A_26] : memref<262144xf32, #tpu.memory_space<hbm>> -> memref<512xf32, #tpu.memory_space<hbm>>
    tpu.enqueue_dma source(%dma_start3A_28 : memref<512xf32, #tpu.memory_space<hbm>>) target(%arg10 : memref<512xf32, #tpu.memory_space<vmem>>) target_semaphore(%arg15 : memref<!tpu.dma_semaphore, #tpu.memory_space<semaphore_mem>>)
    %scan3A = arith.constant 0 : i32
    %scan3A_29 = arith.constant 0 : i32
    %scan3A_30 = arith.constant 8 : i32
    %scan3A_31 = arith.addi %scan3A_29, %scan3A_30 : i32
    %scan3A_32 = arith.constant 1 : i32
    %scan3A_33 = scf.for %scan3A_52 = %scan3A_29 to %scan3A_31 step %scan3A_32 iter_args(%scan3A_53 = %scan3A) -> (i32)  : i32 {
      %mul3A_54 = arith.constant 2 : i32
      %mul3A_55 = arith.muli %mul3A_54, %scan3A_52 : i32
      %add3A_56 = arith.constant 0 : i32
      %add3A_57 = arith.addi %mul3A_55, %add3A_56 : i32
      %dma_wait3A_58 = arith.constant 0 : i32
      %dma_wait3A_59 = tpu.memref_slice %arg2[%dma_wait3A_58] : memref<16777216xf32, #tpu.memory_space<hbm>> -> memref<32768xf32, #tpu.memory_space<hbm>>
      %dma_wait3A_60 = arith.constant 0 : i32
      %dma_wait3A_61 = tpu.memref_slice %arg2[%dma_wait3A_60] : memref<16777216xf32, #tpu.memory_space<hbm>> -> memref<32768xf32, #tpu.memory_space<hbm>>
      tpu.wait_dma2 semaphore(%arg14 : memref<!tpu.dma_semaphore, #tpu.memory_space<semaphore_mem>>) src(%dma_wait3A_61 : memref<32768xf32, #tpu.memory_space<hbm>>) dst(%arg7 : memref<32768xf32, #tpu.memory_space<vmem>>)
      %dma_wait3A_62 = arith.constant 0 : i32
      %dma_wait3A_63 = tpu.memref_slice %arg3[%dma_wait3A_62] : memref<262144xf32, #tpu.memory_space<hbm>> -> memref<512xf32, #tpu.memory_space<hbm>>
      %dma_wait3A_64 = arith.constant 0 : i32
      %dma_wait3A_65 = tpu.memref_slice %arg3[%dma_wait3A_64] : memref<262144xf32, #tpu.memory_space<hbm>> -> memref<512xf32, #tpu.memory_space<hbm>>
      tpu.wait_dma2 semaphore(%arg14 : memref<!tpu.dma_semaphore, #tpu.memory_space<semaphore_mem>>) src(%dma_wait3A_65 : memref<512xf32, #tpu.memory_space<hbm>>) dst(%arg9 : memref<512xf32, #tpu.memory_space<vmem>>)
      %scan3A_66 = arith.constant 0 : i32
      %scan3A_67 = arith.constant 0 : i32
      %scan3A_68 = arith.constant 8 : i32
      %scan3A_69 = arith.addi %scan3A_67, %scan3A_68 : i32
      %scan3A_70 = arith.constant 1 : i32
      %scan3A_71 = scf.for %scan3A_123 = %scan3A_67 to %scan3A_69 step %scan3A_70 iter_args(%scan3A_124 = %scan3A_66) -> (i32)  : i32 {
        %mul3A_125 = arith.constant 4096 : i32
        %mul3A_126 = arith.muli %scan3A_123, %mul3A_125 : i32
        %mul3A_127 = arith.constant 64 : i32
        %mul3A_128 = arith.muli %scan3A_123, %mul3A_127 : i32
        %add3A_129 = arith.constant 0 : i32
        %add3A_130 = arith.addi %mul3A_128, %add3A_129 : i32
        %get3A = arith.index_cast %add3A_130 : i32 to index
        %get3A_131 = tpu.vector_load %arg9[%get3A] {strides = array<i32>} : memref<512xf32, #tpu.memory_space<vmem>>, vector<16xf32>,
        %add3A_132 = arith.constant 16 : i32
        %add3A_133 = arith.addi %mul3A_128, %add3A_132 : i32
        %get3A_134 = arith.index_cast %add3A_133 : i32 to index
        %get3A_135 = tpu.vector_load %arg9[%get3A_134] {strides = array<i32>} : memref<512xf32, #tpu.memory_space<vmem>>, vector<16xf32>,
        %add3A_136 = arith.constant 32 : i32
        %add3A_137 = arith.addi %mul3A_128, %add3A_136 : i32
        %get3A_138 = arith.index_cast %add3A_137 : i32 to index
        %get3A_139 = tpu.vector_load %arg9[%get3A_138] {strides = array<i32>} : memref<512xf32, #tpu.memory_space<vmem>>, vector<16xf32>,
        %add3A_140 = arith.constant 48 : i32
        %add3A_141 = arith.addi %mul3A_128, %add3A_140 : i32
        %get3A_142 = arith.index_cast %add3A_141 : i32 to index
        %get3A_143 = tpu.vector_load %arg9[%get3A_142] {strides = array<i32>} : memref<512xf32, #tpu.memory_space<vmem>>, vector<16xf32>,
        %sort3A = arith.constant dense<true> : vector<16xi1>
        %sort3A_144, %sort3A_145, %sort3A_146 = tpu.sort %get3A_131, %get3A_131 masked %sort3A : (vector<16xf32>, vector<16xf32>, vector<16xi1>) -> (vector<16xi1>, vector<16xf32>, vector<16xf32>)
        %sort3A_147 = arith.constant dense<true> : vector<16xi1>
        %sort3A_148, %sort3A_149, %sort3A_150 = tpu.sort %get3A_135, %get3A_135 masked %sort3A_147 : (vector<16xf32>, vector<16xf32>, vector<16xi1>) -> (vector<16xi1>, vector<16xf32>, vector<16xf32>)
        %sort3A_151 = arith.constant dense<true> : vector<16xi1>
        %sort3A_152, %sort3A_153, %sort3A_154 = tpu.sort %get3A_139, %get3A_139 masked %sort3A_151 : (vector<16xf32>, vector<16xf32>, vector<16xi1>) -> (vector<16xi1>, vector<16xf32>, vector<16xf32>)
        %sort3A_155 = arith.constant dense<true> : vector<16xi1>
        %sort3A_156, %sort3A_157, %sort3A_158 = tpu.sort %get3A_143, %get3A_143 masked %sort3A_155 : (vector<16xf32>, vector<16xf32>, vector<16xi1>) -> (vector<16xi1>, vector<16xf32>, vector<16xf32>)
        %rev3A = arith.constant 15 : i32
        %rev3A_159 = vector.broadcast %rev3A : i32 to vector<16xi32>
        %rev3A_160 = tpu.iota {dimensions = array<i32: 0>} : vector<16xi32>
        %rev3A_161 = arith.subi %rev3A_159, %rev3A_160 : vector<16xi32>
        %rev3A_162 = tpu.dynamic_gather %sort3A_149[%rev3A_161] in [0] : vector<16xf32>, vector<16xi32> -> vector<16xf32>
        %min3A_163 = arith.minimumf %sort3A_145, %rev3A_162 : vector<16xf32>
        %sort3A_164 = arith.constant dense<true> : vector<16xi1>
        %sort3A_165, %sort3A_166, %sort3A_167 = tpu.sort %min3A_163, %min3A_163 masked %sort3A_164 : (vector<16xf32>, vector<16xf32>, vector<16xi1>) -> (vector<16xi1>, vector<16xf32>, vector<16xf32>)
        %rev3A_168 = arith.constant 15 : i32
        %rev3A_169 = vector.broadcast %rev3A_168 : i32 to vector<16xi32>
        %rev3A_170 = tpu.iota {dimensions = array<i32: 0>} : vector<16xi32>
        %rev3A_171 = arith.subi %rev3A_169, %rev3A_170 : vector<16xi32>
        %rev3A_172 = tpu.dynamic_gather %sort3A_157[%rev3A_171] in [0] : vector<16xf32>, vector<16xi32> -> vector<16xf32>
        %min3A_173 = arith.minimumf %sort3A_153, %rev3A_172 : vector<16xf32>
        %sort3A_174 = arith.constant dense<true> : vector<16xi1>
        %sort3A_175, %sort3A_176, %sort3A_177 = tpu.sort %min3A_173, %min3A_173 masked %sort3A_174 : (vector<16xf32>, vector<16xf32>, vector<16xi1>) -> (vector<16xi1>, vector<16xf32>, vector<16xf32>)
        %rev3A_178 = arith.constant 15 : i32
        %rev3A_179 = vector.broadcast %rev3A_178 : i32 to vector<16xi32>
        %rev3A_180 = tpu.iota {dimensions = array<i32: 0>} : vector<16xi32>
        %rev3A_181 = arith.subi %rev3A_179, %rev3A_180 : vector<16xi32>
        %rev3A_182 = tpu.dynamic_gather %sort3A_176[%rev3A_181] in [0] : vector<16xf32>, vector<16xi32> -> vector<16xf32>
        %min3A_183 = arith.minimumf %sort3A_166, %rev3A_182 : vector<16xf32>
        %sort3A_184 = arith.constant dense<true> : vector<16xi1>
        %sort3A_185, %sort3A_186, %sort3A_187 = tpu.sort %min3A_183, %min3A_183 masked %sort3A_184 : (vector<16xf32>, vector<16xf32>, vector<16xi1>) -> (vector<16xi1>, vector<16xf32>, vector<16xf32>)
        %reduce_max3A = arith.constant true
        %reduce_max3A_188 = vector.broadcast %reduce_max3A : i1 to vector<16xi1>
        %reduce_max3A_189 = tpu.scan <max>, %sort3A_186 masked %reduce_max3A_188 : vector<16xf32>, vector<16xi1> -> vector<16xf32>
        %reduce_max3A_190 = vector.extract %reduce_max3A_189[15] : f32 from vector<16xf32>
        %broadcast_in_dim3A = arith.constant 0x7F800000 : f32
        %broadcast_in_dim3A_191 = vector.broadcast %broadcast_in_dim3A : f32 to vector<16xf32>
        %add3A_192 = arith.constant 0 : i32
        %add3A_193 = arith.addi %mul3A_126, %add3A_192 : i32
        %le3A = vector.broadcast %reduce_max3A_190 : f32 to vector<16xf32>
        %le3A_194 = arith.cmpf ole, %get3A_131, %le3A : vector<16xf32>
        %while3A:3 = scf.while (%while3A_266 = %le3A_194, %while3A_267 = %broadcast_in_dim3A_191, %while3A_268 = %reduce_max3A_190) : (vector<16xi1>, vector<16xf32>, f32) -> (vector<16xi1>, vector<16xf32>, f32) {
          %reduce_or3A = arith.constant 1.000000e+00 : f32
          %reduce_or3A_269 = arith.constant 0.000000e+00 : f32
          %reduce_or3A_270 = vector.broadcast %reduce_or3A : f32 to vector<16xf32>
          %reduce_or3A_271 = vector.broadcast %reduce_or3A_269 : f32 to vector<16xf32>
          %reduce_or3A_272 = arith.select %while3A_266, %reduce_or3A_270, %reduce_or3A_271 : vector<16xi1>, vector<16xf32>
          %reduce_or3A_273 = arith.constant true
          %reduce_or3A_274 = vector.broadcast %reduce_or3A_273 : i1 to vector<16xi1>
          %reduce_or3A_275 = tpu.scan <max>, %reduce_or3A_272 masked %reduce_or3A_274 : vector<16xf32>, vector<16xi1> -> vector<16xf32>
          %reduce_or3A_276 = vector.extract %reduce_or3A_275[15] : f32 from vector<16xf32>
          %reduce_or3A_277 = arith.constant 0.000000e+00 : f32
          %reduce_or3A_278 = arith.cmpf ogt, %reduce_or3A_276, %reduce_or3A_277 : f32
          scf.condition(%reduce_or3A_278) %while3A_266, %while3A_267, %while3A_268 : vector<16xi1>, vector<16xf32>, f32
        } do {
        ^bb0(%while3A_266: vector<16xi1>, %while3A_267: vector<16xf32>, %while3A_268: f32):
          %all_reduce_ffs3A = tpu.all_reduce %while3A_266 {dim = 0 : i64, kind = #tpu.reduction_kind<find_first_set>} : vector<16xi1> -> vector<16xi32>
          %reduce_max3A_269 = arith.constant true
          %reduce_max3A_270 = vector.broadcast %reduce_max3A_269 : i1 to vector<16xi1>
          %reduce_max3A_271 = arith.constant -2147483648 : i32
          %reduce_max3A_272 = vector.broadcast %reduce_max3A_271 : i32 to vector<16xi32>
          %reduce_max3A_273 = arith.xori %all_reduce_ffs3A, %reduce_max3A_272 : vector<16xi32>
          %reduce_max3A_274 = tpu.scan <max>, %reduce_max3A_273 masked %reduce_max3A_270 : vector<16xi32>, vector<16xi1> -> vector<16xi32>
          %reduce_max3A_275 = arith.xori %reduce_max3A_274, %reduce_max3A_272 : vector<16xi32>
          %reduce_max3A_276 = vector.extract %reduce_max3A_275[15] : i32 from vector<16xi32>
          %mul3A_277 = arith.constant 16 : i32
          %mul3A_278 = arith.muli %reduce_max3A_276, %mul3A_277 : i32
          %add3A_279 = arith.addi %add3A_193, %mul3A_278 : i32
          %add3A_280 = arith.constant 0 : i32
          %add3A_281 = arith.addi %add3A_279, %add3A_280 : i32
          %get3A_282 = arith.index_cast %add3A_281 : i32 to index
          %get3A_283 = tpu.vector_load %arg7[%get3A_282] {strides = array<i32>} : memref<32768xf32, #tpu.memory_space<vmem>>, vector<16xf32>,
          %sort3A_284 = arith.constant dense<true> : vector<16xi1>
          %sort3A_285, %sort3A_286, %sort3A_287 = tpu.sort %get3A_283, %get3A_283 masked %sort3A_284 : (vector<16xf32>, vector<16xf32>, vector<16xi1>) -> (vector<16xi1>, vector<16xf32>, vector<16xf32>)
          %rev3A_288 = arith.constant 15 : i32
          %rev3A_289 = vector.broadcast %rev3A_288 : i32 to vector<16xi32>
          %rev3A_290 = tpu.iota {dimensions = array<i32: 0>} : vector<16xi32>
          %rev3A_291 = arith.subi %rev3A_289, %rev3A_290 : vector<16xi32>
          %rev3A_292 = tpu.dynamic_gather %sort3A_286[%rev3A_291] in [0] : vector<16xf32>, vector<16xi32> -> vector<16xf32>
          %min3A_293 = arith.minimumf %while3A_267, %rev3A_292 : vector<16xf32>
          %sort3A_294 = arith.constant dense<true> : vector<16xi1>
          %sort3A_295, %sort3A_296, %sort3A_297 = tpu.sort %min3A_293, %min3A_293 masked %sort3A_294 : (vector<16xf32>, vector<16xf32>, vector<16xi1>) -> (vector<16xi1>, vector<16xf32>, vector<16xf32>)
          %add3A_298 = arith.constant 1024 : i32
          %add3A_299 = arith.addi %add3A_279, %add3A_298 : i32
          %get3A_300 = arith.index_cast %add3A_299 : i32 to index
          %get3A_301 = tpu.vector_load %arg7[%get3A_300] {strides = array<i32>} : memref<32768xf32, #tpu.memory_space<vmem>>, vector<16xf32>,
          %sort3A_302 = arith.constant dense<true> : vector<16xi1>
          %sort3A_303, %sort3A_304, %sort3A_305 = tpu.sort %get3A_301, %get3A_301 masked %sort3A_302 : (vector<16xf32>, vector<16xf32>, vector<16xi1>) -> (vector<16xi1>, vector<16xf32>, vector<16xf32>)
          %rev3A_306 = arith.constant 15 : i32
          %rev3A_307 = vector.broadcast %rev3A_306 : i32 to vector<16xi32>
          %rev3A_308 = tpu.iota {dimensions = array<i32: 0>} : vector<16xi32>
          %rev3A_309 = arith.subi %rev3A_307, %rev3A_308 : vector<16xi32>
          %rev3A_310 = tpu.dynamic_gather %sort3A_304[%rev3A_309] in [0] : vector<16xf32>, vector<16xi32> -> vector<16xf32>
          %min3A_311 = arith.minimumf %sort3A_296, %rev3A_310 : vector<16xf32>
          %sort3A_312 = arith.constant dense<true> : vector<16xi1>
          %sort3A_313, %sort3A_314, %sort3A_315 = tpu.sort %min3A_311, %min3A_311 masked %sort3A_312 : (vector<16xf32>, vector<16xf32>, vector<16xi1>) -> (vector<16xi1>, vector<16xf32>, vector<16xf32>)
          %add3A_316 = arith.constant 2048 : i32
          %add3A_317 = arith.addi %add3A_279, %add3A_316 : i32
          %get3A_318 = arith.index_cast %add3A_317 : i32 to index
          %get3A_319 = tpu.vector_load %arg7[%get3A_318] {strides = array<i32>} : memref<32768xf32, #tpu.memory_space<vmem>>, vector<16xf32>,
          %sort3A_320 = arith.constant dense<true> : vector<16xi1>
          %sort3A_321, %sort3A_322, %sort3A_323 = tpu.sort %get3A_319, %get3A_319 masked %sort3A_320 : (vector<16xf32>, vector<16xf32>, vector<16xi1>) -> (vector<16xi1>, vector<16xf32>, vector<16xf32>)
          %rev3A_324 = arith.constant 15 : i32
          %rev3A_325 = vector.broadcast %rev3A_324 : i32 to vector<16xi32>
          %rev3A_326 = tpu.iota {dimensions = array<i32: 0>} : vector<16xi32>
          %rev3A_327 = arith.subi %rev3A_325, %rev3A_326 : vector<16xi32>
          %rev3A_328 = tpu.dynamic_gather %sort3A_322[%rev3A_327] in [0] : vector<16xf32>, vector<16xi32> -> vector<16xf32>
          %min3A_329 = arith.minimumf %sort3A_314, %rev3A_328 : vector<16xf32>
          %sort3A_330 = arith.constant dense<true> : vector<16xi1>
          %sort3A_331, %sort3A_332, %sort3A_333 = tpu.sort %min3A_329, %min3A_329 masked %sort3A_330 : (vector<16xf32>, vector<16xf32>, vector<16xi1>) -> (vector<16xi1>, vector<16xf32>, vector<16xf32>)
          %add3A_334 = arith.constant 3072 : i32
          %add3A_335 = arith.addi %add3A_279, %add3A_334 : i32
          %get3A_336 = arith.index_cast %add3A_335 : i32 to index
          %get3A_337 = tpu.vector_load %arg7[%get3A_336] {strides = array<i32>} : memref<32768xf32, #tpu.memory_space<vmem>>, vector<16xf32>,
          %sort3A_338 = arith.constant dense<true> : vector<16xi1>
          %sort3A_339, %sort3A_340, %sort3A_341 = tpu.sort %get3A_337, %get3A_337 masked %sort3A_338 : (vector<16xf32>, vector<16xf32>, vector<16xi1>) -> (vector<16xi1>, vector<16xf32>, vector<16xf32>)
          %rev3A_342 = arith.constant 15 : i32
          %rev3A_343 = vector.broadcast %rev3A_342 : i32 to vector<16xi32>
          %rev3A_344 = tpu.iota {dimensions = array<i32: 0>} : vector<16xi32>
          %rev3A_345 = arith.subi %rev3A_343, %rev3A_344 : vector<16xi32>
          %rev3A_346 = tpu.dynamic_gather %sort3A_340[%rev3A_345] in [0] : vector<16xf32>, vector<16xi32> -> vector<16xf32>
          %min3A_347 = arith.minimumf %sort3A_332, %rev3A_346 : vector<16xf32>
          %sort3A_348 = arith.constant dense<true> : vector<16xi1>
          %sort3A_349, %sort3A_350, %sort3A_351 = tpu.sort %min3A_347, %min3A_347 masked %sort3A_348 : (vector<16xf32>, vector<16xf32>, vector<16xi1>) -> (vector<16xi1>, vector<16xf32>, vector<16xf32>)
          %reduce_max3A_352 = arith.constant true
          %reduce_max3A_353 = vector.broadcast %reduce_max3A_352 : i1 to vector<16xi1>
          %reduce_max3A_354 = tpu.scan <max>, %sort3A_350 masked %reduce_max3A_353 : vector<16xf32>, vector<16xi1> -> vector<16xf32>
          %reduce_max3A_355 = vector.extract %reduce_max3A_354[15] : f32 from vector<16xf32>
          %min3A_356 = arith.minimumf %while3A_268, %reduce_max3A_355 : f32
          %ne3A = vector.broadcast %reduce_max3A_276 : i32 to vector<16xi32>
          %ne3A_357 = arith.cmpi ne, %iota3A, %ne3A : vector<16xi32>
          %and3A_358 = arith.andi %while3A_266, %ne3A_357 : vector<16xi1>
          %le3A_359 = vector.broadcast %min3A_356 : f32 to vector<16xf32>
          %le3A_360 = arith.cmpf ole, %get3A_131, %le3A_359 : vector<16xf32>
          %and3A_361 = arith.andi %and3A_358, %le3A_360 : vector<16xi1>
          scf.yield %and3A_361, %sort3A_350, %min3A_356 : vector<16xi1>, vector<16xf32>, f32
        }
        %add3A_195 = arith.constant 256 : i32
        %add3A_196 = arith.addi %mul3A_126, %add3A_195 : i32
        %le3A_197 = vector.broadcast %while3A#2 : f32 to vector<16xf32>
        %le3A_198 = arith.cmpf ole, %get3A_135, %le3A_197 : vector<16xf32>
        %while3A_199:3 = scf.while (%while3A_266 = %le3A_198, %while3A_267 = %while3A#1, %while3A_268 = %while3A#2) : (vector<16xi1>, vector<16xf32>, f32) -> (vector<16xi1>, vector<16xf32>, f32) {
          %reduce_or3A = arith.constant 1.000000e+00 : f32
          %reduce_or3A_269 = arith.constant 0.000000e+00 : f32
          %reduce_or3A_270 = vector.broadcast %reduce_or3A : f32 to vector<16xf32>
          %reduce_or3A_271 = vector.broadcast %reduce_or3A_269 : f32 to vector<16xf32>
          %reduce_or3A_272 = arith.select %while3A_266, %reduce_or3A_270, %reduce_or3A_271 : vector<16xi1>, vector<16xf32>
          %reduce_or3A_273 = arith.constant true
          %reduce_or3A_274 = vector.broadcast %reduce_or3A_273 : i1 to vector<16xi1>
          %reduce_or3A_275 = tpu.scan <max>, %reduce_or3A_272 masked %reduce_or3A_274 : vector<16xf32>, vector<16xi1> -> vector<16xf32>
          %reduce_or3A_276 = vector.extract %reduce_or3A_275[15] : f32 from vector<16xf32>
          %reduce_or3A_277 = arith.constant 0.000000e+00 : f32
          %reduce_or3A_278 = arith.cmpf ogt, %reduce_or3A_276, %reduce_or3A_277 : f32
          scf.condition(%reduce_or3A_278) %while3A_266, %while3A_267, %while3A_268 : vector<16xi1>, vector<16xf32>, f32
        } do {
        ^bb0(%while3A_266: vector<16xi1>, %while3A_267: vector<16xf32>, %while3A_268: f32):
          %all_reduce_ffs3A = tpu.all_reduce %while3A_266 {dim = 0 : i64, kind = #tpu.reduction_kind<find_first_set>} : vector<16xi1> -> vector<16xi32>
          %reduce_max3A_269 = arith.constant true
          %reduce_max3A_270 = vector.broadcast %reduce_max3A_269 : i1 to vector<16xi1>
          %reduce_max3A_271 = arith.constant -2147483648 : i32
          %reduce_max3A_272 = vector.broadcast %reduce_max3A_271 : i32 to vector<16xi32>
          %reduce_max3A_273 = arith.xori %all_reduce_ffs3A, %reduce_max3A_272 : vector<16xi32>
          %reduce_max3A_274 = tpu.scan <max>, %reduce_max3A_273 masked %reduce_max3A_270 : vector<16xi32>, vector<16xi1> -> vector<16xi32>
          %reduce_max3A_275 = arith.xori %reduce_max3A_274, %reduce_max3A_272 : vector<16xi32>
          %reduce_max3A_276 = vector.extract %reduce_max3A_275[15] : i32 from vector<16xi32>
          %mul3A_277 = arith.constant 16 : i32
          %mul3A_278 = arith.muli %reduce_max3A_276, %mul3A_277 : i32
          %add3A_279 = arith.addi %add3A_196, %mul3A_278 : i32
          %add3A_280 = arith.constant 0 : i32
          %add3A_281 = arith.addi %add3A_279, %add3A_280 : i32
          %get3A_282 = arith.index_cast %add3A_281 : i32 to index
          %get3A_283 = tpu.vector_load %arg7[%get3A_282] {strides = array<i32>} : memref<32768xf32, #tpu.memory_space<vmem>>, vector<16xf32>,
          %sort3A_284 = arith.constant dense<true> : vector<16xi1>
          %sort3A_285, %sort3A_286, %sort3A_287 = tpu.sort %get3A_283, %get3A_283 masked %sort3A_284 : (vector<16xf32>, vector<16xf32>, vector<16xi1>) -> (vector<16xi1>, vector<16xf32>, vector<16xf32>)
          %rev3A_288 = arith.constant 15 : i32
          %rev3A_289 = vector.broadcast %rev3A_288 : i32 to vector<16xi32>
          %rev3A_290 = tpu.iota {dimensions = array<i32: 0>} : vector<16xi32>
          %rev3A_291 = arith.subi %rev3A_289, %rev3A_290 : vector<16xi32>
          %rev3A_292 = tpu.dynamic_gather %sort3A_286[%rev3A_291] in [0] : vector<16xf32>, vector<16xi32> -> vector<16xf32>
          %min3A_293 = arith.minimumf %while3A_267, %rev3A_292 : vector<16xf32>
          %sort3A_294 = arith.constant dense<true> : vector<16xi1>
          %sort3A_295, %sort3A_296, %sort3A_297 = tpu.sort %min3A_293, %min3A_293 masked %sort3A_294 : (vector<16xf32>, vector<16xf32>, vector<16xi1>) -> (vector<16xi1>, vector<16xf32>, vector<16xf32>)
          %add3A_298 = arith.constant 1024 : i32
          %add3A_299 = arith.addi %add3A_279, %add3A_298 : i32
          %get3A_300 = arith.index_cast %add3A_299 : i32 to index
          %get3A_301 = tpu.vector_load %arg7[%get3A_300] {strides = array<i32>} : memref<32768xf32, #tpu.memory_space<vmem>>, vector<16xf32>,
          %sort3A_302 = arith.constant dense<true> : vector<16xi1>
          %sort3A_303, %sort3A_304, %sort3A_305 = tpu.sort %get3A_301, %get3A_301 masked %sort3A_302 : (vector<16xf32>, vector<16xf32>, vector<16xi1>) -> (vector<16xi1>, vector<16xf32>, vector<16xf32>)
          %rev3A_306 = arith.constant 15 : i32
          %rev3A_307 = vector.broadcast %rev3A_306 : i32 to vector<16xi32>
          %rev3A_308 = tpu.iota {dimensions = array<i32: 0>} : vector<16xi32>
          %rev3A_309 = arith.subi %rev3A_307, %rev3A_308 : vector<16xi32>
          %rev3A_310 = tpu.dynamic_gather %sort3A_304[%rev3A_309] in [0] : vector<16xf32>, vector<16xi32> -> vector<16xf32>
          %min3A_311 = arith.minimumf %sort3A_296, %rev3A_310 : vector<16xf32>
          %sort3A_312 = arith.constant dense<true> : vector<16xi1>
          %sort3A_313, %sort3A_314, %sort3A_315 = tpu.sort %min3A_311, %min3A_311 masked %sort3A_312 : (vector<16xf32>, vector<16xf32>, vector<16xi1>) -> (vector<16xi1>, vector<16xf32>, vector<16xf32>)
          %add3A_316 = arith.constant 2048 : i32
          %add3A_317 = arith.addi %add3A_279, %add3A_316 : i32
          %get3A_318 = arith.index_cast %add3A_317 : i32 to index
          %get3A_319 = tpu.vector_load %arg7[%get3A_318] {strides = array<i32>} : memref<32768xf32, #tpu.memory_space<vmem>>, vector<16xf32>,
          %sort3A_320 = arith.constant dense<true> : vector<16xi1>
          %sort3A_321, %sort3A_322, %sort3A_323 = tpu.sort %get3A_319, %get3A_319 masked %sort3A_320 : (vector<16xf32>, vector<16xf32>, vector<16xi1>) -> (vector<16xi1>, vector<16xf32>, vector<16xf32>)
          %rev3A_324 = arith.constant 15 : i32
          %rev3A_325 = vector.broadcast %rev3A_324 : i32 to vector<16xi32>
          %rev3A_326 = tpu.iota {dimensions = array<i32: 0>} : vector<16xi32>
          %rev3A_327 = arith.subi %rev3A_325, %rev3A_326 : vector<16xi32>
          %rev3A_328 = tpu.dynamic_gather %sort3A_322[%rev3A_327] in [0] : vector<16xf32>, vector<16xi32> -> vector<16xf32>
          %min3A_329 = arith.minimumf %sort3A_314, %rev3A_328 : vector<16xf32>
          %sort3A_330 = arith.constant dense<true> : vector<16xi1>
          %sort3A_331, %sort3A_332, %sort3A_333 = tpu.sort %min3A_329, %min3A_329 masked %sort3A_330 : (vector<16xf32>, vector<16xf32>, vector<16xi1>) -> (vector<16xi1>, vector<16xf32>, vector<16xf32>)
          %add3A_334 = arith.constant 3072 : i32
          %add3A_335 = arith.addi %add3A_279, %add3A_334 : i32
          %get3A_336 = arith.index_cast %add3A_335 : i32 to index
          %get3A_337 = tpu.vector_load %arg7[%get3A_336] {strides = array<i32>} : memref<32768xf32, #tpu.memory_space<vmem>>, vector<16xf32>,
          %sort3A_338 = arith.constant dense<true> : vector<16xi1>
          %sort3A_339, %sort3A_340, %sort3A_341 = tpu.sort %get3A_337, %get3A_337 masked %sort3A_338 : (vector<16xf32>, vector<16xf32>, vector<16xi1>) -> (vector<16xi1>, vector<16xf32>, vector<16xf32>)
          %rev3A_342 = arith.constant 15 : i32
          %rev3A_343 = vector.broadcast %rev3A_342 : i32 to vector<16xi32>
          %rev3A_344 = tpu.iota {dimensions = array<i32: 0>} : vector<16xi32>
          %rev3A_345 = arith.subi %rev3A_343, %rev3A_344 : vector<16xi32>
          %rev3A_346 = tpu.dynamic_gather %sort3A_340[%rev3A_345] in [0] : vector<16xf32>, vector<16xi32> -> vector<16xf32>
          %min3A_347 = arith.minimumf %sort3A_332, %rev3A_346 : vector<16xf32>
          %sort3A_348 = arith.constant dense<true> : vector<16xi1>
          %sort3A_349, %sort3A_350, %sort3A_351 = tpu.sort %min3A_347, %min3A_347 masked %sort3A_348 : (vector<16xf32>, vector<16xf32>, vector<16xi1>) -> (vector<16xi1>, vector<16xf32>, vector<16xf32>)
          %reduce_max3A_352 = arith.constant true
          %reduce_max3A_353 = vector.broadcast %reduce_max3A_352 : i1 to vector<16xi1>
          %reduce_max3A_354 = tpu.scan <max>, %sort3A_350 masked %reduce_max3A_353 : vector<16xf32>, vector<16xi1> -> vector<16xf32>
          %reduce_max3A_355 = vector.extract %reduce_max3A_354[15] : f32 from vector<16xf32>
          %min3A_356 = arith.minimumf %while3A_268, %reduce_max3A_355 : f32
          %ne3A = vector.broadcast %reduce_max3A_276 : i32 to vector<16xi32>
          %ne3A_357 = arith.cmpi ne, %iota3A, %ne3A : vector<16xi32>
          %and3A_358 = arith.andi %while3A_266, %ne3A_357 : vector<16xi1>
          %le3A_359 = vector.broadcast %min3A_356 : f32 to vector<16xf32>
          %le3A_360 = arith.cmpf ole, %get3A_135, %le3A_359 : vector<16xf32>
          %and3A_361 = arith.andi %and3A_358, %le3A_360 : vector<16xi1>
          scf.yield %and3A_361, %sort3A_350, %min3A_356 : vector<16xi1>, vector<16xf32>, f32
        }
        %add3A_200 = arith.constant 512 : i32
        %add3A_201 = arith.addi %mul3A_126, %add3A_200 : i32
        %le3A_202 = vector.broadcast %while3A_199#2 : f32 to vector<16xf32>
        %le3A_203 = arith.cmpf ole, %get3A_139, %le3A_202 : vector<16xf32>
        %while3A_204:3 = scf.while (%while3A_266 = %le3A_203, %while3A_267 = %while3A_199#1, %while3A_268 = %while3A_199#2) : (vector<16xi1>, vector<16xf32>, f32) -> (vector<16xi1>, vector<16xf32>, f32) {
          %reduce_or3A = arith.constant 1.000000e+00 : f32
          %reduce_or3A_269 = arith.constant 0.000000e+00 : f32
          %reduce_or3A_270 = vector.broadcast %reduce_or3A : f32 to vector<16xf32>
          %reduce_or3A_271 = vector.broadcast %reduce_or3A_269 : f32 to vector<16xf32>
          %reduce_or3A_272 = arith.select %while3A_266, %reduce_or3A_270, %reduce_or3A_271 : vector<16xi1>, vector<16xf32>
          %reduce_or3A_273 = arith.constant true
          %reduce_or3A_274 = vector.broadcast %reduce_or3A_273 : i1 to vector<16xi1>
          %reduce_or3A_275 = tpu.scan <max>, %reduce_or3A_272 masked %reduce_or3A_274 : vector<16xf32>, vector<16xi1> -> vector<16xf32>
          %reduce_or3A_276 = vector.extract %reduce_or3A_275[15] : f32 from vector<16xf32>
          %reduce_or3A_277 = arith.constant 0.000000e+00 : f32
          %reduce_or3A_278 = arith.cmpf ogt, %reduce_or3A_276, %reduce_or3A_277 : f32
          scf.condition(%reduce_or3A_278) %while3A_266, %while3A_267, %while3A_268 : vector<16xi1>, vector<16xf32>, f32
        } do {
        ^bb0(%while3A_266: vector<16xi1>, %while3A_267: vector<16xf32>, %while3A_268: f32):
          %all_reduce_ffs3A = tpu.all_reduce %while3A_266 {dim = 0 : i64, kind = #tpu.reduction_kind<find_first_set>} : vector<16xi1> -> vector<16xi32>
          %reduce_max3A_269 = arith.constant true
          %reduce_max3A_270 = vector.broadcast %reduce_max3A_269 : i1 to vector<16xi1>
          %reduce_max3A_271 = arith.constant -2147483648 : i32
          %reduce_max3A_272 = vector.broadcast %reduce_max3A_271 : i32 to vector<16xi32>
          %reduce_max3A_273 = arith.xori %all_reduce_ffs3A, %reduce_max3A_272 : vector<16xi32>
          %reduce_max3A_274 = tpu.scan <max>, %reduce_max3A_273 masked %reduce_max3A_270 : vector<16xi32>, vector<16xi1> -> vector<16xi32>
          %reduce_max3A_275 = arith.xori %reduce_max3A_274, %reduce_max3A_272 : vector<16xi32>
          %reduce_max3A_276 = vector.extract %reduce_max3A_275[15] : i32 from vector<16xi32>
          %mul3A_277 = arith.constant 16 : i32
          %mul3A_278 = arith.muli %reduce_max3A_276, %mul3A_277 : i32
          %add3A_279 = arith.addi %add3A_201, %mul3A_278 : i32
          %add3A_280 = arith.constant 0 : i32
          %add3A_281 = arith.addi %add3A_279, %add3A_280 : i32
          %get3A_282 = arith.index_cast %add3A_281 : i32 to index
          %get3A_283 = tpu.vector_load %arg7[%get3A_282] {strides = array<i32>} : memref<32768xf32, #tpu.memory_space<vmem>>, vector<16xf32>,
          %sort3A_284 = arith.constant dense<true> : vector<16xi1>
          %sort3A_285, %sort3A_286, %sort3A_287 = tpu.sort %get3A_283, %get3A_283 masked %sort3A_284 : (vector<16xf32>, vector<16xf32>, vector<16xi1>) -> (vector<16xi1>, vector<16xf32>, vector<16xf32>)
          %rev3A_288 = arith.constant 15 : i32
          %rev3A_289 = vector.broadcast %rev3A_288 : i32 to vector<16xi32>
          %rev3A_290 = tpu.iota {dimensions = array<i32: 0>} : vector<16xi32>
          %rev3A_291 = arith.subi %rev3A_289, %rev3A_290 : vector<16xi32>
          %rev3A_292 = tpu.dynamic_gather %sort3A_286[%rev3A_291] in [0] : vector<16xf32>, vector<16xi32> -> vector<16xf32>
          %min3A_293 = arith.minimumf %while3A_267, %rev3A_292 : vector<16xf32>
          %sort3A_294 = arith.constant dense<true> : vector<16xi1>
          %sort3A_295, %sort3A_296, %sort3A_297 = tpu.sort %min3A_293, %min3A_293 masked %sort3A_294 : (vector<16xf32>, vector<16xf32>, vector<16xi1>) -> (vector<16xi1>, vector<16xf32>, vector<16xf32>)
          %add3A_298 = arith.constant 1024 : i32
          %add3A_299 = arith.addi %add3A_279, %add3A_298 : i32
          %get3A_300 = arith.index_cast %add3A_299 : i32 to index
          %get3A_301 = tpu.vector_load %arg7[%get3A_300] {strides = array<i32>} : memref<32768xf32, #tpu.memory_space<vmem>>, vector<16xf32>,
          %sort3A_302 = arith.constant dense<true> : vector<16xi1>
          %sort3A_303, %sort3A_304, %sort3A_305 = tpu.sort %get3A_301, %get3A_301 masked %sort3A_302 : (vector<16xf32>, vector<16xf32>, vector<16xi1>) -> (vector<16xi1>, vector<16xf32>, vector<16xf32>)
          %rev3A_306 = arith.constant 15 : i32
          %rev3A_307 = vector.broadcast %rev3A_306 : i32 to vector<16xi32>
          %rev3A_308 = tpu.iota {dimensions = array<i32: 0>} : vector<16xi32>
          %rev3A_309 = arith.subi %rev3A_307, %rev3A_308 : vector<16xi32>
          %rev3A_310 = tpu.dynamic_gather %sort3A_304[%rev3A_309] in [0] : vector<16xf32>, vector<16xi32> -> vector<16xf32>
          %min3A_311 = arith.minimumf %sort3A_296, %rev3A_310 : vector<16xf32>
          %sort3A_312 = arith.constant dense<true> : vector<16xi1>
          %sort3A_313, %sort3A_314, %sort3A_315 = tpu.sort %min3A_311, %min3A_311 masked %sort3A_312 : (vector<16xf32>, vector<16xf32>, vector<16xi1>) -> (vector<16xi1>, vector<16xf32>, vector<16xf32>)
          %add3A_316 = arith.constant 2048 : i32
          %add3A_317 = arith.addi %add3A_279, %add3A_316 : i32
          %get3A_318 = arith.index_cast %add3A_317 : i32 to index
          %get3A_319 = tpu.vector_load %arg7[%get3A_318] {strides = array<i32>} : memref<32768xf32, #tpu.memory_space<vmem>>, vector<16xf32>,
          %sort3A_320 = arith.constant dense<true> : vector<16xi1>
          %sort3A_321, %sort3A_322, %sort3A_323 = tpu.sort %get3A_319, %get3A_319 masked %sort3A_320 : (vector<16xf32>, vector<16xf32>, vector<16xi1>) -> (vector<16xi1>, vector<16xf32>, vector<16xf32>)
          %rev3A_324 = arith.constant 15 : i32
          %rev3A_325 = vector.broadcast %rev3A_324 : i32 to vector<16xi32>
          %rev3A_326 = tpu.iota {dimensions = array<i32: 0>} : vector<16xi32>
          %rev3A_327 = arith.subi %rev3A_325, %rev3A_326 : vector<16xi32>
          %rev3A_328 = tpu.dynamic_gather %sort3A_322[%rev3A_327] in [0] : vector<16xf32>, vector<16xi32> -> vector<16xf32>
          %min3A_329 = arith.minimumf %sort3A_314, %rev3A_328 : vector<16xf32>
          %sort3A_330 = arith.constant dense<true> : vector<16xi1>
          %sort3A_331, %sort3A_332, %sort3A_333 = tpu.sort %min3A_329, %min3A_329 masked %sort3A_330 : (vector<16xf32>, vector<16xf32>, vector<16xi1>) -> (vector<16xi1>, vector<16xf32>, vector<16xf32>)
          %add3A_334 = arith.constant 3072 : i32
          %add3A_335 = arith.addi %add3A_279, %add3A_334 : i32
          %get3A_336 = arith.index_cast %add3A_335 : i32 to index
          %get3A_337 = tpu.vector_load %arg7[%get3A_336] {strides = array<i32>} : memref<32768xf32, #tpu.memory_space<vmem>>, vector<16xf32>,
          %sort3A_338 = arith.constant dense<true> : vector<16xi1>
          %sort3A_339, %sort3A_340, %sort3A_341 = tpu.sort %get3A_337, %get3A_337 masked %sort3A_338 : (vector<16xf32>, vector<16xf32>, vector<16xi1>) -> (vector<16xi1>, vector<16xf32>, vector<16xf32>)
          %rev3A_342 = arith.constant 15 : i32
          %rev3A_343 = vector.broadcast %rev3A_342 : i32 to vector<16xi32>
          %rev3A_344 = tpu.iota {dimensions = array<i32: 0>} : vector<16xi32>
          %rev3A_345 = arith.subi %rev3A_343, %rev3A_344 : vector<16xi32>
          %rev3A_346 = tpu.dynamic_gather %sort3A_340[%rev3A_345] in [0] : vector<16xf32>, vector<16xi32> -> vector<16xf32>
          %min3A_347 = arith.minimumf %sort3A_332, %rev3A_346 : vector<16xf32>
          %sort3A_348 = arith.constant dense<true> : vector<16xi1>
          %sort3A_349, %sort3A_350, %sort3A_351 = tpu.sort %min3A_347, %min3A_347 masked %sort3A_348 : (vector<16xf32>, vector<16xf32>, vector<16xi1>) -> (vector<16xi1>, vector<16xf32>, vector<16xf32>)
          %reduce_max3A_352 = arith.constant true
          %reduce_max3A_353 = vector.broadcast %reduce_max3A_352 : i1 to vector<16xi1>
          %reduce_max3A_354 = tpu.scan <max>, %sort3A_350 masked %reduce_max3A_353 : vector<16xf32>, vector<16xi1> -> vector<16xf32>
          %reduce_max3A_355 = vector.extract %reduce_max3A_354[15] : f32 from vector<16xf32>
          %min3A_356 = arith.minimumf %while3A_268, %reduce_max3A_355 : f32
          %ne3A = vector.broadcast %reduce_max3A_276 : i32 to vector<16xi32>
          %ne3A_357 = arith.cmpi ne, %iota3A, %ne3A : vector<16xi32>
          %and3A_358 = arith.andi %while3A_266, %ne3A_357 : vector<16xi1>
          %le3A_359 = vector.broadcast %min3A_356 : f32 to vector<16xf32>
          %le3A_360 = arith.cmpf ole, %get3A_139, %le3A_359 : vector<16xf32>
          %and3A_361 = arith.andi %and3A_358, %le3A_360 : vector<16xi1>
          scf.yield %and3A_361, %sort3A_350, %min3A_356 : vector<16xi1>, vector<16xf32>, f32
        }
        %add3A_205 = arith.constant 768 : i32
        %add3A_206 = arith.addi %mul3A_126, %add3A_205 : i32
        %le3A_207 = vector.broadcast %while3A_204#2 : f32 to vector<16xf32>
        %le3A_208 = arith.cmpf ole, %get3A_143, %le3A_207 : vector<16xf32>
        %while3A_209:3 = scf.while (%while3A_266 = %le3A_208, %while3A_267 = %while3A_204#1, %while3A_268 = %while3A_204#2) : (vector<16xi1>, vector<16xf32>, f32) -> (vector<16xi1>, vector<16xf32>, f32) {
          %reduce_or3A = arith.constant 1.000000e+00 : f32
          %reduce_or3A_269 = arith.constant 0.000000e+00 : f32
          %reduce_or3A_270 = vector.broadcast %reduce_or3A : f32 to vector<16xf32>
          %reduce_or3A_271 = vector.broadcast %reduce_or3A_269 : f32 to vector<16xf32>
          %reduce_or3A_272 = arith.select %while3A_266, %reduce_or3A_270, %reduce_or3A_271 : vector<16xi1>, vector<16xf32>
          %reduce_or3A_273 = arith.constant true
          %reduce_or3A_274 = vector.broadcast %reduce_or3A_273 : i1 to vector<16xi1>
          %reduce_or3A_275 = tpu.scan <max>, %reduce_or3A_272 masked %reduce_or3A_274 : vector<16xf32>, vector<16xi1> -> vector<16xf32>
          %reduce_or3A_276 = vector.extract %reduce_or3A_275[15] : f32 from vector<16xf32>
          %reduce_or3A_277 = arith.constant 0.000000e+00 : f32
          %reduce_or3A_278 = arith.cmpf ogt, %reduce_or3A_276, %reduce_or3A_277 : f32
          scf.condition(%reduce_or3A_278) %while3A_266, %while3A_267, %while3A_268 : vector<16xi1>, vector<16xf32>, f32
        } do {
        ^bb0(%while3A_266: vector<16xi1>, %while3A_267: vector<16xf32>, %while3A_268: f32):
          %all_reduce_ffs3A = tpu.all_reduce %while3A_266 {dim = 0 : i64, kind = #tpu.reduction_kind<find_first_set>} : vector<16xi1> -> vector<16xi32>
          %reduce_max3A_269 = arith.constant true
          %reduce_max3A_270 = vector.broadcast %reduce_max3A_269 : i1 to vector<16xi1>
          %reduce_max3A_271 = arith.constant -2147483648 : i32
          %reduce_max3A_272 = vector.broadcast %reduce_max3A_271 : i32 to vector<16xi32>
          %reduce_max3A_273 = arith.xori %all_reduce_ffs3A, %reduce_max3A_272 : vector<16xi32>
          %reduce_max3A_274 = tpu.scan <max>, %reduce_max3A_273 masked %reduce_max3A_270 : vector<16xi32>, vector<16xi1> -> vector<16xi32>
          %reduce_max3A_275 = arith.xori %reduce_max3A_274, %reduce_max3A_272 : vector<16xi32>
          %reduce_max3A_276 = vector.extract %reduce_max3A_275[15] : i32 from vector<16xi32>
          %mul3A_277 = arith.constant 16 : i32
          %mul3A_278 = arith.muli %reduce_max3A_276, %mul3A_277 : i32
          %add3A_279 = arith.addi %add3A_206, %mul3A_278 : i32
          %add3A_280 = arith.constant 0 : i32
          %add3A_281 = arith.addi %add3A_279, %add3A_280 : i32
          %get3A_282 = arith.index_cast %add3A_281 : i32 to index
          %get3A_283 = tpu.vector_load %arg7[%get3A_282] {strides = array<i32>} : memref<32768xf32, #tpu.memory_space<vmem>>, vector<16xf32>,
          %sort3A_284 = arith.constant dense<true> : vector<16xi1>
          %sort3A_285, %sort3A_286, %sort3A_287 = tpu.sort %get3A_283, %get3A_283 masked %sort3A_284 : (vector<16xf32>, vector<16xf32>, vector<16xi1>) -> (vector<16xi1>, vector<16xf32>, vector<16xf32>)
          %rev3A_288 = arith.constant 15 : i32
          %rev3A_289 = vector.broadcast %rev3A_288 : i32 to vector<16xi32>
          %rev3A_290 = tpu.iota {dimensions = array<i32: 0>} : vector<16xi32>
          %rev3A_291 = arith.subi %rev3A_289, %rev3A_290 : vector<16xi32>
          %rev3A_292 = tpu.dynamic_gather %sort3A_286[%rev3A_291] in [0] : vector<16xf32>, vector<16xi32> -> vector<16xf32>
          %min3A_293 = arith.minimumf %while3A_267, %rev3A_292 : vector<16xf32>
          %sort3A_294 = arith.constant dense<true> : vector<16xi1>
          %sort3A_295, %sort3A_296, %sort3A_297 = tpu.sort %min3A_293, %min3A_293 masked %sort3A_294 : (vector<16xf32>, vector<16xf32>, vector<16xi1>) -> (vector<16xi1>, vector<16xf32>, vector<16xf32>)
          %add3A_298 = arith.constant 1024 : i32
          %add3A_299 = arith.addi %add3A_279, %add3A_298 : i32
          %get3A_300 = arith.index_cast %add3A_299 : i32 to index
          %get3A_301 = tpu.vector_load %arg7[%get3A_300] {strides = array<i32>} : memref<32768xf32, #tpu.memory_space<vmem>>, vector<16xf32>,
          %sort3A_302 = arith.constant dense<true> : vector<16xi1>
          %sort3A_303, %sort3A_304, %sort3A_305 = tpu.sort %get3A_301, %get3A_301 masked %sort3A_302 : (vector<16xf32>, vector<16xf32>, vector<16xi1>) -> (vector<16xi1>, vector<16xf32>, vector<16xf32>)
          %rev3A_306 = arith.constant 15 : i32
          %rev3A_307 = vector.broadcast %rev3A_306 : i32 to vector<16xi32>
          %rev3A_308 = tpu.iota {dimensions = array<i32: 0>} : vector<16xi32>
          %rev3A_309 = arith.subi %rev3A_307, %rev3A_308 : vector<16xi32>
          %rev3A_310 = tpu.dynamic_gather %sort3A_304[%rev3A_309] in [0] : vector<16xf32>, vector<16xi32> -> vector<16xf32>
          %min3A_311 = arith.minimumf %sort3A_296, %rev3A_310 : vector<16xf32>
          %sort3A_312 = arith.constant dense<true> : vector<16xi1>
          %sort3A_313, %sort3A_314, %sort3A_315 = tpu.sort %min3A_311, %min3A_311 masked %sort3A_312 : (vector<16xf32>, vector<16xf32>, vector<16xi1>) -> (vector<16xi1>, vector<16xf32>, vector<16xf32>)
          %add3A_316 = arith.constant 2048 : i32
          %add3A_317 = arith.addi %add3A_279, %add3A_316 : i32
          %get3A_318 = arith.index_cast %add3A_317 : i32 to index
          %get3A_319 = tpu.vector_load %arg7[%get3A_318] {strides = array<i32>} : memref<32768xf32, #tpu.memory_space<vmem>>, vector<16xf32>,
          %sort3A_320 = arith.constant dense<true> : vector<16xi1>
          %sort3A_321, %sort3A_322, %sort3A_323 = tpu.sort %get3A_319, %get3A_319 masked %sort3A_320 : (vector<16xf32>, vector<16xf32>, vector<16xi1>) -> (vector<16xi1>, vector<16xf32>, vector<16xf32>)
          %rev3A_324 = arith.constant 15 : i32
          %rev3A_325 = vector.broadcast %rev3A_324 : i32 to vector<16xi32>
          %rev3A_326 = tpu.iota {dimensions = array<i32: 0>} : vector<16xi32>
          %rev3A_327 = arith.subi %rev3A_325, %rev3A_326 : vector<16xi32>
          %rev3A_328 = tpu.dynamic_gather %sort3A_322[%rev3A_327] in [0] : vector<16xf32>, vector<16xi32> -> vector<16xf32>
          %min3A_329 = arith.minimumf %sort3A_314, %rev3A_328 : vector<16xf32>
          %sort3A_330 = arith.constant dense<true> : vector<16xi1>
          %sort3A_331, %sort3A_332, %sort3A_333 = tpu.sort %min3A_329, %min3A_329 masked %sort3A_330 : (vector<16xf32>, vector<16xf32>, vector<16xi1>) -> (vector<16xi1>, vector<16xf32>, vector<16xf32>)
          %add3A_334 = arith.constant 3072 : i32
          %add3A_335 = arith.addi %add3A_279, %add3A_334 : i32
          %get3A_336 = arith.index_cast %add3A_335 : i32 to index
          %get3A_337 = tpu.vector_load %arg7[%get3A_336] {strides = array<i32>} : memref<32768xf32, #tpu.memory_space<vmem>>, vector<16xf32>,
          %sort3A_338 = arith.constant dense<true> : vector<16xi1>
          %sort3A_339, %sort3A_340, %sort3A_341 = tpu.sort %get3A_337, %get3A_337 masked %sort3A_338 : (vector<16xf32>, vector<16xf32>, vector<16xi1>) -> (vector<16xi1>, vector<16xf32>, vector<16xf32>)
          %rev3A_342 = arith.constant 15 : i32
          %rev3A_343 = vector.broadcast %rev3A_342 : i32 to vector<16xi32>
          %rev3A_344 = tpu.iota {dimensions = array<i32: 0>} : vector<16xi32>
          %rev3A_345 = arith.subi %rev3A_343, %rev3A_344 : vector<16xi32>
          %rev3A_346 = tpu.dynamic_gather %sort3A_340[%rev3A_345] in [0] : vector<16xf32>, vector<16xi32> -> vector<16xf32>
          %min3A_347 = arith.minimumf %sort3A_332, %rev3A_346 : vector<16xf32>
          %sort3A_348 = arith.constant dense<true> : vector<16xi1>
          %sort3A_349, %sort3A_350, %sort3A_351 = tpu.sort %min3A_347, %min3A_347 masked %sort3A_348 : (vector<16xf32>, vector<16xf32>, vector<16xi1>) -> (vector<16xi1>, vector<16xf32>, vector<16xf32>)
          %reduce_max3A_352 = arith.constant true
          %reduce_max3A_353 = vector.broadcast %reduce_max3A_352 : i1 to vector<16xi1>
          %reduce_max3A_354 = tpu.scan <max>, %sort3A_350 masked %reduce_max3A_353 : vector<16xf32>, vector<16xi1> -> vector<16xf32>
          %reduce_max3A_355 = vector.extract %reduce_max3A_354[15] : f32 from vector<16xf32>
          %min3A_356 = arith.minimumf %while3A_268, %reduce_max3A_355 : f32
          %ne3A = vector.broadcast %reduce_max3A_276 : i32 to vector<16xi32>
          %ne3A_357 = arith.cmpi ne, %iota3A, %ne3A : vector<16xi32>
          %and3A_358 = arith.andi %while3A_266, %ne3A_357 : vector<16xi1>
          %le3A_359 = vector.broadcast %min3A_356 : f32 to vector<16xf32>
          %le3A_360 = arith.cmpf ole, %get3A_143, %le3A_359 : vector<16xf32>
          %and3A_361 = arith.andi %and3A_358, %le3A_360 : vector<16xi1>
          scf.yield %and3A_361, %sort3A_350, %min3A_356 : vector<16xi1>, vector<16xf32>, f32
        }
        %reduce_max3A_210 = arith.constant true
        %reduce_max3A_211 = vector.broadcast %reduce_max3A_210 : i1 to vector<16xi1>
        %reduce_max3A_212 = tpu.scan <max>, %while3A_209#1 masked %reduce_max3A_211 : vector<16xf32>, vector<16xi1> -> vector<16xf32>
        %reduce_max3A_213 = vector.extract %reduce_max3A_212[15] : f32 from vector<16xf32>
        %broadcast_in_dim3A_214 = arith.constant 0 : i32
        %broadcast_in_dim3A_215 = vector.broadcast %broadcast_in_dim3A_214 : i32 to vector<16xi32>
        %add3A_216 = arith.constant 0 : i32
        %add3A_217 = arith.addi %mul3A_126, %add3A_216 : i32
        %lt3A = vector.broadcast %reduce_max3A_213 : f32 to vector<16xf32>
        %lt3A_218 = arith.cmpf olt, %get3A_131, %lt3A : vector<16xf32>
        %while3A_219:3 = scf.while (%while3A_266 = %lt3A_218, %while3A_267 = %broadcast_in_dim3A_215, %while3A_268 = %broadcast_in_dim3A_215) : (vector<16xi1>, vector<16xi32>, vector<16xi32>) -> (vector<16xi1>, vector<16xi32>, vector<16xi32>) {
          %reduce_or3A = arith.constant 1.000000e+00 : f32
          %reduce_or3A_269 = arith.constant 0.000000e+00 : f32
          %reduce_or3A_270 = vector.broadcast %reduce_or3A : f32 to vector<16xf32>
          %reduce_or3A_271 = vector.broadcast %reduce_or3A_269 : f32 to vector<16xf32>
          %reduce_or3A_272 = arith.select %while3A_266, %reduce_or3A_270, %reduce_or3A_271 : vector<16xi1>, vector<16xf32>
          %reduce_or3A_273 = arith.constant true
          %reduce_or3A_274 = vector.broadcast %reduce_or3A_273 : i1 to vector<16xi1>
          %reduce_or3A_275 = tpu.scan <max>, %reduce_or3A_272 masked %reduce_or3A_274 : vector<16xf32>, vector<16xi1> -> vector<16xf32>
          %reduce_or3A_276 = vector.extract %reduce_or3A_275[15] : f32 from vector<16xf32>
          %reduce_or3A_277 = arith.constant 0.000000e+00 : f32
          %reduce_or3A_278 = arith.cmpf ogt, %reduce_or3A_276, %reduce_or3A_277 : f32
          scf.condition(%reduce_or3A_278) %while3A_266, %while3A_267, %while3A_268 : vector<16xi1>, vector<16xi32>, vector<16xi32>
        } do {
        ^bb0(%while3A_266: vector<16xi1>, %while3A_267: vector<16xi32>, %while3A_268: vector<16xi32>):
          %all_reduce_ffs3A = tpu.all_reduce %while3A_266 {dim = 0 : i64, kind = #tpu.reduction_kind<find_first_set>} : vector<16xi1> -> vector<16xi32>
          %reduce_max3A_269 = arith.constant true
          %reduce_max3A_270 = vector.broadcast %reduce_max3A_269 : i1 to vector<16xi1>
          %reduce_max3A_271 = arith.constant -2147483648 : i32
          %reduce_max3A_272 = vector.broadcast %reduce_max3A_271 : i32 to vector<16xi32>
          %reduce_max3A_273 = arith.xori %all_reduce_ffs3A, %reduce_max3A_272 : vector<16xi32>
          %reduce_max3A_274 = tpu.scan <max>, %reduce_max3A_273 masked %reduce_max3A_270 : vector<16xi32>, vector<16xi1> -> vector<16xi32>
          %reduce_max3A_275 = arith.xori %reduce_max3A_274, %reduce_max3A_272 : vector<16xi32>
          %reduce_max3A_276 = vector.extract %reduce_max3A_275[15] : i32 from vector<16xi32>
          %mul3A_277 = arith.constant 16 : i32
          %mul3A_278 = arith.muli %reduce_max3A_276, %mul3A_277 : i32
          %add3A_279 = arith.addi %add3A_217, %mul3A_278 : i32
          %mul3A_280 = arith.constant 16 : i32
          %mul3A_281 = arith.muli %reduce_max3A_276, %mul3A_280 : i32
          %add3A_282 = arith.constant 0 : i32
          %add3A_283 = arith.addi %add3A_282, %mul3A_281 : i32
          %add3A_284 = arith.constant 0 : i32
          %add3A_285 = arith.addi %add3A_279, %add3A_284 : i32
          %get3A_286 = arith.index_cast %add3A_285 : i32 to index
          %get3A_287 = tpu.vector_load %arg7[%get3A_286] {strides = array<i32>} : memref<32768xf32, #tpu.memory_space<vmem>>, vector<16xf32>,
          %lt3A_288 = vector.broadcast %reduce_max3A_213 : f32 to vector<16xf32>
          %lt3A_289 = arith.cmpf olt, %get3A_287, %lt3A_288 : vector<16xf32>
          %add3A_290 = arith.constant 0 : i32
          %add3A_291 = arith.addi %add3A_283, %add3A_290 : i32
          %get3A_292 = arith.index_cast %add3A_291 : i32 to index
          %get3A_293 = tpu.vector_load %arg11[%get3A_292] {strides = array<i32>} : memref<4096xi32, #tpu.memory_space<vmem>>, vector<16xi32>,
          %select_n3A_294 = arith.select %lt3A_289, %get3A_293, %broadcast_in_dim3A_215 : vector<16xi1>, vector<16xi32>
          %add3A_295 = arith.addi %while3A_267, %select_n3A_294 : vector<16xi32>
          %add3A_296 = arith.constant 0 : i32
          %add3A_297 = arith.addi %add3A_283, %add3A_296 : i32
          %get3A_298 = arith.index_cast %add3A_297 : i32 to index
          %get3A_299 = tpu.vector_load %arg12[%get3A_298] {strides = array<i32>} : memref<4096xi32, #tpu.memory_space<vmem>>, vector<16xi32>,
          %select_n3A_300 = arith.select %lt3A_289, %get3A_299, %broadcast_in_dim3A_215 : vector<16xi1>, vector<16xi32>
          %add3A_301 = arith.addi %while3A_268, %select_n3A_300 : vector<16xi32>
          %add3A_302 = arith.constant 1024 : i32
          %add3A_303 = arith.addi %add3A_279, %add3A_302 : i32
          %get3A_304 = arith.index_cast %add3A_303 : i32 to index
          %get3A_305 = tpu.vector_load %arg7[%get3A_304] {strides = array<i32>} : memref<32768xf32, #tpu.memory_space<vmem>>, vector<16xf32>,
          %lt3A_306 = vector.broadcast %reduce_max3A_213 : f32 to vector<16xf32>
          %lt3A_307 = arith.cmpf olt, %get3A_305, %lt3A_306 : vector<16xf32>
          %add3A_308 = arith.constant 1024 : i32
          %add3A_309 = arith.addi %add3A_283, %add3A_308 : i32
          %get3A_310 = arith.index_cast %add3A_309 : i32 to index
          %get3A_311 = tpu.vector_load %arg11[%get3A_310] {strides = array<i32>} : memref<4096xi32, #tpu.memory_space<vmem>>, vector<16xi32>,
          %select_n3A_312 = arith.select %lt3A_307, %get3A_311, %broadcast_in_dim3A_215 : vector<16xi1>, vector<16xi32>
          %add3A_313 = arith.addi %add3A_295, %select_n3A_312 : vector<16xi32>
          %add3A_314 = arith.constant 1024 : i32
          %add3A_315 = arith.addi %add3A_283, %add3A_314 : i32
          %get3A_316 = arith.index_cast %add3A_315 : i32 to index
          %get3A_317 = tpu.vector_load %arg12[%get3A_316] {strides = array<i32>} : memref<4096xi32, #tpu.memory_space<vmem>>, vector<16xi32>,
          %select_n3A_318 = arith.select %lt3A_307, %get3A_317, %broadcast_in_dim3A_215 : vector<16xi1>, vector<16xi32>
          %add3A_319 = arith.addi %add3A_301, %select_n3A_318 : vector<16xi32>
          %add3A_320 = arith.constant 2048 : i32
          %add3A_321 = arith.addi %add3A_279, %add3A_320 : i32
          %get3A_322 = arith.index_cast %add3A_321 : i32 to index
          %get3A_323 = tpu.vector_load %arg7[%get3A_322] {strides = array<i32>} : memref<32768xf32, #tpu.memory_space<vmem>>, vector<16xf32>,
          %lt3A_324 = vector.broadcast %reduce_max3A_213 : f32 to vector<16xf32>
          %lt3A_325 = arith.cmpf olt, %get3A_323, %lt3A_324 : vector<16xf32>
          %add3A_326 = arith.constant 2048 : i32
          %add3A_327 = arith.addi %add3A_283, %add3A_326 : i32
          %get3A_328 = arith.index_cast %add3A_327 : i32 to index
          %get3A_329 = tpu.vector_load %arg11[%get3A_328] {strides = array<i32>} : memref<4096xi32, #tpu.memory_space<vmem>>, vector<16xi32>,
          %select_n3A_330 = arith.select %lt3A_325, %get3A_329, %broadcast_in_dim3A_215 : vector<16xi1>, vector<16xi32>
          %add3A_331 = arith.addi %add3A_313, %select_n3A_330 : vector<16xi32>
          %add3A_332 = arith.constant 2048 : i32
          %add3A_333 = arith.addi %add3A_283, %add3A_332 : i32
          %get3A_334 = arith.index_cast %add3A_333 : i32 to index
          %get3A_335 = tpu.vector_load %arg12[%get3A_334] {strides = array<i32>} : memref<4096xi32, #tpu.memory_space<vmem>>, vector<16xi32>,
          %select_n3A_336 = arith.select %lt3A_325, %get3A_335, %broadcast_in_dim3A_215 : vector<16xi1>, vector<16xi32>
          %add3A_337 = arith.addi %add3A_319, %select_n3A_336 : vector<16xi32>
          %add3A_338 = arith.constant 3072 : i32
          %add3A_339 = arith.addi %add3A_279, %add3A_338 : i32
          %get3A_340 = arith.index_cast %add3A_339 : i32 to index
          %get3A_341 = tpu.vector_load %arg7[%get3A_340] {strides = array<i32>} : memref<32768xf32, #tpu.memory_space<vmem>>, vector<16xf32>,
          %lt3A_342 = vector.broadcast %reduce_max3A_213 : f32 to vector<16xf32>
          %lt3A_343 = arith.cmpf olt, %get3A_341, %lt3A_342 : vector<16xf32>
          %add3A_344 = arith.constant 3072 : i32
          %add3A_345 = arith.addi %add3A_283, %add3A_344 : i32
          %get3A_346 = arith.index_cast %add3A_345 : i32 to index
          %get3A_347 = tpu.vector_load %arg11[%get3A_346] {strides = array<i32>} : memref<4096xi32, #tpu.memory_space<vmem>>, vector<16xi32>,
          %select_n3A_348 = arith.select %lt3A_343, %get3A_347, %broadcast_in_dim3A_215 : vector<16xi1>, vector<16xi32>
          %add3A_349 = arith.addi %add3A_331, %select_n3A_348 : vector<16xi32>
          %add3A_350 = arith.constant 3072 : i32
          %add3A_351 = arith.addi %add3A_283, %add3A_350 : i32
          %get3A_352 = arith.index_cast %add3A_351 : i32 to index
          %get3A_353 = tpu.vector_load %arg12[%get3A_352] {strides = array<i32>} : memref<4096xi32, #tpu.memory_space<vmem>>, vector<16xi32>,
          %select_n3A_354 = arith.select %lt3A_343, %get3A_353, %broadcast_in_dim3A_215 : vector<16xi1>, vector<16xi32>
          %add3A_355 = arith.addi %add3A_337, %select_n3A_354 : vector<16xi32>
          %ne3A = vector.broadcast %reduce_max3A_276 : i32 to vector<16xi32>
          %ne3A_356 = arith.cmpi ne, %iota3A, %ne3A : vector<16xi32>
          %and3A_357 = arith.andi %while3A_266, %ne3A_356 : vector<16xi1>
          scf.yield %and3A_357, %add3A_349, %add3A_355 : vector<16xi1>, vector<16xi32>, vector<16xi32>
        }
        %add3A_220 = arith.constant 256 : i32
        %add3A_221 = arith.addi %mul3A_126, %add3A_220 : i32
        %lt3A_222 = vector.broadcast %reduce_max3A_213 : f32 to vector<16xf32>
        %lt3A_223 = arith.cmpf olt, %get3A_135, %lt3A_222 : vector<16xf32>
        %while3A_224:3 = scf.while (%while3A_266 = %lt3A_223, %while3A_267 = %while3A_219#1, %while3A_268 = %while3A_219#2) : (vector<16xi1>, vector<16xi32>, vector<16xi32>) -> (vector<16xi1>, vector<16xi32>, vector<16xi32>) {
          %reduce_or3A = arith.constant 1.000000e+00 : f32
          %reduce_or3A_269 = arith.constant 0.000000e+00 : f32
          %reduce_or3A_270 = vector.broadcast %reduce_or3A : f32 to vector<16xf32>
          %reduce_or3A_271 = vector.broadcast %reduce_or3A_269 : f32 to vector<16xf32>
          %reduce_or3A_272 = arith.select %while3A_266, %reduce_or3A_270, %reduce_or3A_271 : vector<16xi1>, vector<16xf32>
          %reduce_or3A_273 = arith.constant true
          %reduce_or3A_274 = vector.broadcast %reduce_or3A_273 : i1 to vector<16xi1>
          %reduce_or3A_275 = tpu.scan <max>, %reduce_or3A_272 masked %reduce_or3A_274 : vector<16xf32>, vector<16xi1> -> vector<16xf32>
          %reduce_or3A_276 = vector.extract %reduce_or3A_275[15] : f32 from vector<16xf32>
          %reduce_or3A_277 = arith.constant 0.000000e+00 : f32
          %reduce_or3A_278 = arith.cmpf ogt, %reduce_or3A_276, %reduce_or3A_277 : f32
          scf.condition(%reduce_or3A_278) %while3A_266, %while3A_267, %while3A_268 : vector<16xi1>, vector<16xi32>, vector<16xi32>
        } do {
        ^bb0(%while3A_266: vector<16xi1>, %while3A_267: vector<16xi32>, %while3A_268: vector<16xi32>):
          %all_reduce_ffs3A = tpu.all_reduce %while3A_266 {dim = 0 : i64, kind = #tpu.reduction_kind<find_first_set>} : vector<16xi1> -> vector<16xi32>
          %reduce_max3A_269 = arith.constant true
          %reduce_max3A_270 = vector.broadcast %reduce_max3A_269 : i1 to vector<16xi1>
          %reduce_max3A_271 = arith.constant -2147483648 : i32
          %reduce_max3A_272 = vector.broadcast %reduce_max3A_271 : i32 to vector<16xi32>
          %reduce_max3A_273 = arith.xori %all_reduce_ffs3A, %reduce_max3A_272 : vector<16xi32>
          %reduce_max3A_274 = tpu.scan <max>, %reduce_max3A_273 masked %reduce_max3A_270 : vector<16xi32>, vector<16xi1> -> vector<16xi32>
          %reduce_max3A_275 = arith.xori %reduce_max3A_274, %reduce_max3A_272 : vector<16xi32>
          %reduce_max3A_276 = vector.extract %reduce_max3A_275[15] : i32 from vector<16xi32>
          %mul3A_277 = arith.constant 16 : i32
          %mul3A_278 = arith.muli %reduce_max3A_276, %mul3A_277 : i32
          %add3A_279 = arith.addi %add3A_221, %mul3A_278 : i32
          %mul3A_280 = arith.constant 16 : i32
          %mul3A_281 = arith.muli %reduce_max3A_276, %mul3A_280 : i32
          %add3A_282 = arith.constant 256 : i32
          %add3A_283 = arith.addi %add3A_282, %mul3A_281 : i32
          %add3A_284 = arith.constant 0 : i32
          %add3A_285 = arith.addi %add3A_279, %add3A_284 : i32
          %get3A_286 = arith.index_cast %add3A_285 : i32 to index
          %get3A_287 = tpu.vector_load %arg7[%get3A_286] {strides = array<i32>} : memref<32768xf32, #tpu.memory_space<vmem>>, vector<16xf32>,
          %lt3A_288 = vector.broadcast %reduce_max3A_213 : f32 to vector<16xf32>
          %lt3A_289 = arith.cmpf olt, %get3A_287, %lt3A_288 : vector<16xf32>
          %add3A_290 = arith.constant 0 : i32
          %add3A_291 = arith.addi %add3A_283, %add3A_290 : i32
          %get3A_292 = arith.index_cast %add3A_291 : i32 to index
          %get3A_293 = tpu.vector_load %arg11[%get3A_292] {strides = array<i32>} : memref<4096xi32, #tpu.memory_space<vmem>>, vector<16xi32>,
          %select_n3A_294 = arith.select %lt3A_289, %get3A_293, %broadcast_in_dim3A_215 : vector<16xi1>, vector<16xi32>
          %add3A_295 = arith.addi %while3A_267, %select_n3A_294 : vector<16xi32>
          %add3A_296 = arith.constant 0 : i32
          %add3A_297 = arith.addi %add3A_283, %add3A_296 : i32
          %get3A_298 = arith.index_cast %add3A_297 : i32 to index
          %get3A_299 = tpu.vector_load %arg12[%get3A_298] {strides = array<i32>} : memref<4096xi32, #tpu.memory_space<vmem>>, vector<16xi32>,
          %select_n3A_300 = arith.select %lt3A_289, %get3A_299, %broadcast_in_dim3A_215 : vector<16xi1>, vector<16xi32>
          %add3A_301 = arith.addi %while3A_268, %select_n3A_300 : vector<16xi32>
          %add3A_302 = arith.constant 1024 : i32
          %add3A_303 = arith.addi %add3A_279, %add3A_302 : i32
          %get3A_304 = arith.index_cast %add3A_303 : i32 to index
          %get3A_305 = tpu.vector_load %arg7[%get3A_304] {strides = array<i32>} : memref<32768xf32, #tpu.memory_space<vmem>>, vector<16xf32>,
          %lt3A_306 = vector.broadcast %reduce_max3A_213 : f32 to vector<16xf32>
          %lt3A_307 = arith.cmpf olt, %get3A_305, %lt3A_306 : vector<16xf32>
          %add3A_308 = arith.constant 1024 : i32
          %add3A_309 = arith.addi %add3A_283, %add3A_308 : i32
          %get3A_310 = arith.index_cast %add3A_309 : i32 to index
          %get3A_311 = tpu.vector_load %arg11[%get3A_310] {strides = array<i32>} : memref<4096xi32, #tpu.memory_space<vmem>>, vector<16xi32>,
          %select_n3A_312 = arith.select %lt3A_307, %get3A_311, %broadcast_in_dim3A_215 : vector<16xi1>, vector<16xi32>
          %add3A_313 = arith.addi %add3A_295, %select_n3A_312 : vector<16xi32>
          %add3A_314 = arith.constant 1024 : i32
          %add3A_315 = arith.addi %add3A_283, %add3A_314 : i32
          %get3A_316 = arith.index_cast %add3A_315 : i32 to index
          %get3A_317 = tpu.vector_load %arg12[%get3A_316] {strides = array<i32>} : memref<4096xi32, #tpu.memory_space<vmem>>, vector<16xi32>,
          %select_n3A_318 = arith.select %lt3A_307, %get3A_317, %broadcast_in_dim3A_215 : vector<16xi1>, vector<16xi32>
          %add3A_319 = arith.addi %add3A_301, %select_n3A_318 : vector<16xi32>
          %add3A_320 = arith.constant 2048 : i32
          %add3A_321 = arith.addi %add3A_279, %add3A_320 : i32
          %get3A_322 = arith.index_cast %add3A_321 : i32 to index
          %get3A_323 = tpu.vector_load %arg7[%get3A_322] {strides = array<i32>} : memref<32768xf32, #tpu.memory_space<vmem>>, vector<16xf32>,
          %lt3A_324 = vector.broadcast %reduce_max3A_213 : f32 to vector<16xf32>
          %lt3A_325 = arith.cmpf olt, %get3A_323, %lt3A_324 : vector<16xf32>
          %add3A_326 = arith.constant 2048 : i32
          %add3A_327 = arith.addi %add3A_283, %add3A_326 : i32
          %get3A_328 = arith.index_cast %add3A_327 : i32 to index
          %get3A_329 = tpu.vector_load %arg11[%get3A_328] {strides = array<i32>} : memref<4096xi32, #tpu.memory_space<vmem>>, vector<16xi32>,
          %select_n3A_330 = arith.select %lt3A_325, %get3A_329, %broadcast_in_dim3A_215 : vector<16xi1>, vector<16xi32>
          %add3A_331 = arith.addi %add3A_313, %select_n3A_330 : vector<16xi32>
          %add3A_332 = arith.constant 2048 : i32
          %add3A_333 = arith.addi %add3A_283, %add3A_332 : i32
          %get3A_334 = arith.index_cast %add3A_333 : i32 to index
          %get3A_335 = tpu.vector_load %arg12[%get3A_334] {strides = array<i32>} : memref<4096xi32, #tpu.memory_space<vmem>>, vector<16xi32>,
          %select_n3A_336 = arith.select %lt3A_325, %get3A_335, %broadcast_in_dim3A_215 : vector<16xi1>, vector<16xi32>
          %add3A_337 = arith.addi %add3A_319, %select_n3A_336 : vector<16xi32>
          %add3A_338 = arith.constant 3072 : i32
          %add3A_339 = arith.addi %add3A_279, %add3A_338 : i32
          %get3A_340 = arith.index_cast %add3A_339 : i32 to index
          %get3A_341 = tpu.vector_load %arg7[%get3A_340] {strides = array<i32>} : memref<32768xf32, #tpu.memory_space<vmem>>, vector<16xf32>,
          %lt3A_342 = vector.broadcast %reduce_max3A_213 : f32 to vector<16xf32>
          %lt3A_343 = arith.cmpf olt, %get3A_341, %lt3A_342 : vector<16xf32>
          %add3A_344 = arith.constant 3072 : i32
          %add3A_345 = arith.addi %add3A_283, %add3A_344 : i32
          %get3A_346 = arith.index_cast %add3A_345 : i32 to index
          %get3A_347 = tpu.vector_load %arg11[%get3A_346] {strides = array<i32>} : memref<4096xi32, #tpu.memory_space<vmem>>, vector<16xi32>,
          %select_n3A_348 = arith.select %lt3A_343, %get3A_347, %broadcast_in_dim3A_215 : vector<16xi1>, vector<16xi32>
          %add3A_349 = arith.addi %add3A_331, %select_n3A_348 : vector<16xi32>
          %add3A_350 = arith.constant 3072 : i32
          %add3A_351 = arith.addi %add3A_283, %add3A_350 : i32
          %get3A_352 = arith.index_cast %add3A_351 : i32 to index
          %get3A_353 = tpu.vector_load %arg12[%get3A_352] {strides = array<i32>} : memref<4096xi32, #tpu.memory_space<vmem>>, vector<16xi32>,
          %select_n3A_354 = arith.select %lt3A_343, %get3A_353, %broadcast_in_dim3A_215 : vector<16xi1>, vector<16xi32>
          %add3A_355 = arith.addi %add3A_337, %select_n3A_354 : vector<16xi32>
          %ne3A = vector.broadcast %reduce_max3A_276 : i32 to vector<16xi32>
          %ne3A_356 = arith.cmpi ne, %iota3A, %ne3A : vector<16xi32>
          %and3A_357 = arith.andi %while3A_266, %ne3A_356 : vector<16xi1>
          scf.yield %and3A_357, %add3A_349, %add3A_355 : vector<16xi1>, vector<16xi32>, vector<16xi32>
        }
        %add3A_225 = arith.constant 512 : i32
        %add3A_226 = arith.addi %mul3A_126, %add3A_225 : i32
        %lt3A_227 = vector.broadcast %reduce_max3A_213 : f32 to vector<16xf32>
        %lt3A_228 = arith.cmpf olt, %get3A_139, %lt3A_227 : vector<16xf32>
        %while3A_229:3 = scf.while (%while3A_266 = %lt3A_228, %while3A_267 = %while3A_224#1, %while3A_268 = %while3A_224#2) : (vector<16xi1>, vector<16xi32>, vector<16xi32>) -> (vector<16xi1>, vector<16xi32>, vector<16xi32>) {
          %reduce_or3A = arith.constant 1.000000e+00 : f32
          %reduce_or3A_269 = arith.constant 0.000000e+00 : f32
          %reduce_or3A_270 = vector.broadcast %reduce_or3A : f32 to vector<16xf32>
          %reduce_or3A_271 = vector.broadcast %reduce_or3A_269 : f32 to vector<16xf32>
          %reduce_or3A_272 = arith.select %while3A_266, %reduce_or3A_270, %reduce_or3A_271 : vector<16xi1>, vector<16xf32>
          %reduce_or3A_273 = arith.constant true
          %reduce_or3A_274 = vector.broadcast %reduce_or3A_273 : i1 to vector<16xi1>
          %reduce_or3A_275 = tpu.scan <max>, %reduce_or3A_272 masked %reduce_or3A_274 : vector<16xf32>, vector<16xi1> -> vector<16xf32>
          %reduce_or3A_276 = vector.extract %reduce_or3A_275[15] : f32 from vector<16xf32>
          %reduce_or3A_277 = arith.constant 0.000000e+00 : f32
          %reduce_or3A_278 = arith.cmpf ogt, %reduce_or3A_276, %reduce_or3A_277 : f32
          scf.condition(%reduce_or3A_278) %while3A_266, %while3A_267, %while3A_268 : vector<16xi1>, vector<16xi32>, vector<16xi32>
        } do {
        ^bb0(%while3A_266: vector<16xi1>, %while3A_267: vector<16xi32>, %while3A_268: vector<16xi32>):
          %all_reduce_ffs3A = tpu.all_reduce %while3A_266 {dim = 0 : i64, kind = #tpu.reduction_kind<find_first_set>} : vector<16xi1> -> vector<16xi32>
          %reduce_max3A_269 = arith.constant true
          %reduce_max3A_270 = vector.broadcast %reduce_max3A_269 : i1 to vector<16xi1>
          %reduce_max3A_271 = arith.constant -2147483648 : i32
          %reduce_max3A_272 = vector.broadcast %reduce_max3A_271 : i32 to vector<16xi32>
          %reduce_max3A_273 = arith.xori %all_reduce_ffs3A, %reduce_max3A_272 : vector<16xi32>
          %reduce_max3A_274 = tpu.scan <max>, %reduce_max3A_273 masked %reduce_max3A_270 : vector<16xi32>, vector<16xi1> -> vector<16xi32>
          %reduce_max3A_275 = arith.xori %reduce_max3A_274, %reduce_max3A_272 : vector<16xi32>
          %reduce_max3A_276 = vector.extract %reduce_max3A_275[15] : i32 from vector<16xi32>
          %mul3A_277 = arith.constant 16 : i32
          %mul3A_278 = arith.muli %reduce_max3A_276, %mul3A_277 : i32
          %add3A_279 = arith.addi %add3A_226, %mul3A_278 : i32
          %mul3A_280 = arith.constant 16 : i32
          %mul3A_281 = arith.muli %reduce_max3A_276, %mul3A_280 : i32
          %add3A_282 = arith.constant 512 : i32
          %add3A_283 = arith.addi %add3A_282, %mul3A_281 : i32
          %add3A_284 = arith.constant 0 : i32
          %add3A_285 = arith.addi %add3A_279, %add3A_284 : i32
          %get3A_286 = arith.index_cast %add3A_285 : i32 to index
          %get3A_287 = tpu.vector_load %arg7[%get3A_286] {strides = array<i32>} : memref<32768xf32, #tpu.memory_space<vmem>>, vector<16xf32>,
          %lt3A_288 = vector.broadcast %reduce_max3A_213 : f32 to vector<16xf32>
          %lt3A_289 = arith.cmpf olt, %get3A_287, %lt3A_288 : vector<16xf32>
          %add3A_290 = arith.constant 0 : i32
          %add3A_291 = arith.addi %add3A_283, %add3A_290 : i32
          %get3A_292 = arith.index_cast %add3A_291 : i32 to index
          %get3A_293 = tpu.vector_load %arg11[%get3A_292] {strides = array<i32>} : memref<4096xi32, #tpu.memory_space<vmem>>, vector<16xi32>,
          %select_n3A_294 = arith.select %lt3A_289, %get3A_293, %broadcast_in_dim3A_215 : vector<16xi1>, vector<16xi32>
          %add3A_295 = arith.addi %while3A_267, %select_n3A_294 : vector<16xi32>
          %add3A_296 = arith.constant 0 : i32
          %add3A_297 = arith.addi %add3A_283, %add3A_296 : i32
          %get3A_298 = arith.index_cast %add3A_297 : i32 to index
          %get3A_299 = tpu.vector_load %arg12[%get3A_298] {strides = array<i32>} : memref<4096xi32, #tpu.memory_space<vmem>>, vector<16xi32>,
          %select_n3A_300 = arith.select %lt3A_289, %get3A_299, %broadcast_in_dim3A_215 : vector<16xi1>, vector<16xi32>
          %add3A_301 = arith.addi %while3A_268, %select_n3A_300 : vector<16xi32>
          %add3A_302 = arith.constant 1024 : i32
          %add3A_303 = arith.addi %add3A_279, %add3A_302 : i32
          %get3A_304 = arith.index_cast %add3A_303 : i32 to index
          %get3A_305 = tpu.vector_load %arg7[%get3A_304] {strides = array<i32>} : memref<32768xf32, #tpu.memory_space<vmem>>, vector<16xf32>,
          %lt3A_306 = vector.broadcast %reduce_max3A_213 : f32 to vector<16xf32>
          %lt3A_307 = arith.cmpf olt, %get3A_305, %lt3A_306 : vector<16xf32>
          %add3A_308 = arith.constant 1024 : i32
          %add3A_309 = arith.addi %add3A_283, %add3A_308 : i32
          %get3A_310 = arith.index_cast %add3A_309 : i32 to index
          %get3A_311 = tpu.vector_load %arg11[%get3A_310] {strides = array<i32>} : memref<4096xi32, #tpu.memory_space<vmem>>, vector<16xi32>,
          %select_n3A_312 = arith.select %lt3A_307, %get3A_311, %broadcast_in_dim3A_215 : vector<16xi1>, vector<16xi32>
          %add3A_313 = arith.addi %add3A_295, %select_n3A_312 : vector<16xi32>
          %add3A_314 = arith.constant 1024 : i32
          %add3A_315 = arith.addi %add3A_283, %add3A_314 : i32
          %get3A_316 = arith.index_cast %add3A_315 : i32 to index
          %get3A_317 = tpu.vector_load %arg12[%get3A_316] {strides = array<i32>} : memref<4096xi32, #tpu.memory_space<vmem>>, vector<16xi32>,
          %select_n3A_318 = arith.select %lt3A_307, %get3A_317, %broadcast_in_dim3A_215 : vector<16xi1>, vector<16xi32>
          %add3A_319 = arith.addi %add3A_301, %select_n3A_318 : vector<16xi32>
          %add3A_320 = arith.constant 2048 : i32
          %add3A_321 = arith.addi %add3A_279, %add3A_320 : i32
          %get3A_322 = arith.index_cast %add3A_321 : i32 to index
          %get3A_323 = tpu.vector_load %arg7[%get3A_322] {strides = array<i32>} : memref<32768xf32, #tpu.memory_space<vmem>>, vector<16xf32>,
          %lt3A_324 = vector.broadcast %reduce_max3A_213 : f32 to vector<16xf32>
          %lt3A_325 = arith.cmpf olt, %get3A_323, %lt3A_324 : vector<16xf32>
          %add3A_326 = arith.constant 2048 : i32
          %add3A_327 = arith.addi %add3A_283, %add3A_326 : i32
          %get3A_328 = arith.index_cast %add3A_327 : i32 to index
          %get3A_329 = tpu.vector_load %arg11[%get3A_328] {strides = array<i32>} : memref<4096xi32, #tpu.memory_space<vmem>>, vector<16xi32>,
          %select_n3A_330 = arith.select %lt3A_325, %get3A_329, %broadcast_in_dim3A_215 : vector<16xi1>, vector<16xi32>
          %add3A_331 = arith.addi %add3A_313, %select_n3A_330 : vector<16xi32>
          %add3A_332 = arith.constant 2048 : i32
          %add3A_333 = arith.addi %add3A_283, %add3A_332 : i32
          %get3A_334 = arith.index_cast %add3A_333 : i32 to index
          %get3A_335 = tpu.vector_load %arg12[%get3A_334] {strides = array<i32>} : memref<4096xi32, #tpu.memory_space<vmem>>, vector<16xi32>,
          %select_n3A_336 = arith.select %lt3A_325, %get3A_335, %broadcast_in_dim3A_215 : vector<16xi1>, vector<16xi32>
          %add3A_337 = arith.addi %add3A_319, %select_n3A_336 : vector<16xi32>
          %add3A_338 = arith.constant 3072 : i32
          %add3A_339 = arith.addi %add3A_279, %add3A_338 : i32
          %get3A_340 = arith.index_cast %add3A_339 : i32 to index
          %get3A_341 = tpu.vector_load %arg7[%get3A_340] {strides = array<i32>} : memref<32768xf32, #tpu.memory_space<vmem>>, vector<16xf32>,
          %lt3A_342 = vector.broadcast %reduce_max3A_213 : f32 to vector<16xf32>
          %lt3A_343 = arith.cmpf olt, %get3A_341, %lt3A_342 : vector<16xf32>
          %add3A_344 = arith.constant 3072 : i32
          %add3A_345 = arith.addi %add3A_283, %add3A_344 : i32
          %get3A_346 = arith.index_cast %add3A_345 : i32 to index
          %get3A_347 = tpu.vector_load %arg11[%get3A_346] {strides = array<i32>} : memref<4096xi32, #tpu.memory_space<vmem>>, vector<16xi32>,
          %select_n3A_348 = arith.select %lt3A_343, %get3A_347, %broadcast_in_dim3A_215 : vector<16xi1>, vector<16xi32>
          %add3A_349 = arith.addi %add3A_331, %select_n3A_348 : vector<16xi32>
          %add3A_350 = arith.constant 3072 : i32
          %add3A_351 = arith.addi %add3A_283, %add3A_350 : i32
          %get3A_352 = arith.index_cast %add3A_351 : i32 to index
          %get3A_353 = tpu.vector_load %arg12[%get3A_352] {strides = array<i32>} : memref<4096xi32, #tpu.memory_space<vmem>>, vector<16xi32>,
          %select_n3A_354 = arith.select %lt3A_343, %get3A_353, %broadcast_in_dim3A_215 : vector<16xi1>, vector<16xi32>
          %add3A_355 = arith.addi %add3A_337, %select_n3A_354 : vector<16xi32>
          %ne3A = vector.broadcast %reduce_max3A_276 : i32 to vector<16xi32>
          %ne3A_356 = arith.cmpi ne, %iota3A, %ne3A : vector<16xi32>
          %and3A_357 = arith.andi %while3A_266, %ne3A_356 : vector<16xi1>
          scf.yield %and3A_357, %add3A_349, %add3A_355 : vector<16xi1>, vector<16xi32>, vector<16xi32>
        }
        %add3A_230 = arith.constant 768 : i32
        %add3A_231 = arith.addi %mul3A_126, %add3A_230 : i32
        %lt3A_232 = vector.broadcast %reduce_max3A_213 : f32 to vector<16xf32>
        %lt3A_233 = arith.cmpf olt, %get3A_143, %lt3A_232 : vector<16xf32>
        %while3A_234:3 = scf.while (%while3A_266 = %lt3A_233, %while3A_267 = %while3A_229#1, %while3A_268 = %while3A_229#2) : (vector<16xi1>, vector<16xi32>, vector<16xi32>) -> (vector<16xi1>, vector<16xi32>, vector<16xi32>) {
          %reduce_or3A = arith.constant 1.000000e+00 : f32
          %reduce_or3A_269 = arith.constant 0.000000e+00 : f32
          %reduce_or3A_270 = vector.broadcast %reduce_or3A : f32 to vector<16xf32>
          %reduce_or3A_271 = vector.broadcast %reduce_or3A_269 : f32 to vector<16xf32>
          %reduce_or3A_272 = arith.select %while3A_266, %reduce_or3A_270, %reduce_or3A_271 : vector<16xi1>, vector<16xf32>
          %reduce_or3A_273 = arith.constant true
          %reduce_or3A_274 = vector.broadcast %reduce_or3A_273 : i1 to vector<16xi1>
          %reduce_or3A_275 = tpu.scan <max>, %reduce_or3A_272 masked %reduce_or3A_274 : vector<16xf32>, vector<16xi1> -> vector<16xf32>
          %reduce_or3A_276 = vector.extract %reduce_or3A_275[15] : f32 from vector<16xf32>
          %reduce_or3A_277 = arith.constant 0.000000e+00 : f32
          %reduce_or3A_278 = arith.cmpf ogt, %reduce_or3A_276, %reduce_or3A_277 : f32
          scf.condition(%reduce_or3A_278) %while3A_266, %while3A_267, %while3A_268 : vector<16xi1>, vector<16xi32>, vector<16xi32>
        } do {
        ^bb0(%while3A_266: vector<16xi1>, %while3A_267: vector<16xi32>, %while3A_268: vector<16xi32>):
          %all_reduce_ffs3A = tpu.all_reduce %while3A_266 {dim = 0 : i64, kind = #tpu.reduction_kind<find_first_set>} : vector<16xi1> -> vector<16xi32>
          %reduce_max3A_269 = arith.constant true
          %reduce_max3A_270 = vector.broadcast %reduce_max3A_269 : i1 to vector<16xi1>
          %reduce_max3A_271 = arith.constant -2147483648 : i32
          %reduce_max3A_272 = vector.broadcast %reduce_max3A_271 : i32 to vector<16xi32>
          %reduce_max3A_273 = arith.xori %all_reduce_ffs3A, %reduce_max3A_272 : vector<16xi32>
          %reduce_max3A_274 = tpu.scan <max>, %reduce_max3A_273 masked %reduce_max3A_270 : vector<16xi32>, vector<16xi1> -> vector<16xi32>
          %reduce_max3A_275 = arith.xori %reduce_max3A_274, %reduce_max3A_272 : vector<16xi32>
          %reduce_max3A_276 = vector.extract %reduce_max3A_275[15] : i32 from vector<16xi32>
          %mul3A_277 = arith.constant 16 : i32
          %mul3A_278 = arith.muli %reduce_max3A_276, %mul3A_277 : i32
          %add3A_279 = arith.addi %add3A_231, %mul3A_278 : i32
          %mul3A_280 = arith.constant 16 : i32
          %mul3A_281 = arith.muli %reduce_max3A_276, %mul3A_280 : i32
          %add3A_282 = arith.constant 768 : i32
          %add3A_283 = arith.addi %add3A_282, %mul3A_281 : i32
          %add3A_284 = arith.constant 0 : i32
          %add3A_285 = arith.addi %add3A_279, %add3A_284 : i32
          %get3A_286 = arith.index_cast %add3A_285 : i32 to index
          %get3A_287 = tpu.vector_load %arg7[%get3A_286] {strides = array<i32>} : memref<32768xf32, #tpu.memory_space<vmem>>, vector<16xf32>,
          %lt3A_288 = vector.broadcast %reduce_max3A_213 : f32 to vector<16xf32>
          %lt3A_289 = arith.cmpf olt, %get3A_287, %lt3A_288 : vector<16xf32>
          %add3A_290 = arith.constant 0 : i32
          %add3A_291 = arith.addi %add3A_283, %add3A_290 : i32
          %get3A_292 = arith.index_cast %add3A_291 : i32 to index
          %get3A_293 = tpu.vector_load %arg11[%get3A_292] {strides = array<i32>} : memref<4096xi32, #tpu.memory_space<vmem>>, vector<16xi32>,
          %select_n3A_294 = arith.select %lt3A_289, %get3A_293, %broadcast_in_dim3A_215 : vector<16xi1>, vector<16xi32>
          %add3A_295 = arith.addi %while3A_267, %select_n3A_294 : vector<16xi32>
          %add3A_296 = arith.constant 0 : i32
          %add3A_297 = arith.addi %add3A_283, %add3A_296 : i32
          %get3A_298 = arith.index_cast %add3A_297 : i32 to index
          %get3A_299 = tpu.vector_load %arg12[%get3A_298] {strides = array<i32>} : memref<4096xi32, #tpu.memory_space<vmem>>, vector<16xi32>,
          %select_n3A_300 = arith.select %lt3A_289, %get3A_299, %broadcast_in_dim3A_215 : vector<16xi1>, vector<16xi32>
          %add3A_301 = arith.addi %while3A_268, %select_n3A_300 : vector<16xi32>
          %add3A_302 = arith.constant 1024 : i32
          %add3A_303 = arith.addi %add3A_279, %add3A_302 : i32
          %get3A_304 = arith.index_cast %add3A_303 : i32 to index
          %get3A_305 = tpu.vector_load %arg7[%get3A_304] {strides = array<i32>} : memref<32768xf32, #tpu.memory_space<vmem>>, vector<16xf32>,
          %lt3A_306 = vector.broadcast %reduce_max3A_213 : f32 to vector<16xf32>
          %lt3A_307 = arith.cmpf olt, %get3A_305, %lt3A_306 : vector<16xf32>
          %add3A_308 = arith.constant 1024 : i32
          %add3A_309 = arith.addi %add3A_283, %add3A_308 : i32
          %get3A_310 = arith.index_cast %add3A_309 : i32 to index
          %get3A_311 = tpu.vector_load %arg11[%get3A_310] {strides = array<i32>} : memref<4096xi32, #tpu.memory_space<vmem>>, vector<16xi32>,
          %select_n3A_312 = arith.select %lt3A_307, %get3A_311, %broadcast_in_dim3A_215 : vector<16xi1>, vector<16xi32>
          %add3A_313 = arith.addi %add3A_295, %select_n3A_312 : vector<16xi32>
          %add3A_314 = arith.constant 1024 : i32
          %add3A_315 = arith.addi %add3A_283, %add3A_314 : i32
          %get3A_316 = arith.index_cast %add3A_315 : i32 to index
          %get3A_317 = tpu.vector_load %arg12[%get3A_316] {strides = array<i32>} : memref<4096xi32, #tpu.memory_space<vmem>>, vector<16xi32>,
          %select_n3A_318 = arith.select %lt3A_307, %get3A_317, %broadcast_in_dim3A_215 : vector<16xi1>, vector<16xi32>
          %add3A_319 = arith.addi %add3A_301, %select_n3A_318 : vector<16xi32>
          %add3A_320 = arith.constant 2048 : i32
          %add3A_321 = arith.addi %add3A_279, %add3A_320 : i32
          %get3A_322 = arith.index_cast %add3A_321 : i32 to index
          %get3A_323 = tpu.vector_load %arg7[%get3A_322] {strides = array<i32>} : memref<32768xf32, #tpu.memory_space<vmem>>, vector<16xf32>,
          %lt3A_324 = vector.broadcast %reduce_max3A_213 : f32 to vector<16xf32>
          %lt3A_325 = arith.cmpf olt, %get3A_323, %lt3A_324 : vector<16xf32>
          %add3A_326 = arith.constant 2048 : i32
          %add3A_327 = arith.addi %add3A_283, %add3A_326 : i32
          %get3A_328 = arith.index_cast %add3A_327 : i32 to index
          %get3A_329 = tpu.vector_load %arg11[%get3A_328] {strides = array<i32>} : memref<4096xi32, #tpu.memory_space<vmem>>, vector<16xi32>,
          %select_n3A_330 = arith.select %lt3A_325, %get3A_329, %broadcast_in_dim3A_215 : vector<16xi1>, vector<16xi32>
          %add3A_331 = arith.addi %add3A_313, %select_n3A_330 : vector<16xi32>
          %add3A_332 = arith.constant 2048 : i32
          %add3A_333 = arith.addi %add3A_283, %add3A_332 : i32
          %get3A_334 = arith.index_cast %add3A_333 : i32 to index
          %get3A_335 = tpu.vector_load %arg12[%get3A_334] {strides = array<i32>} : memref<4096xi32, #tpu.memory_space<vmem>>, vector<16xi32>,
          %select_n3A_336 = arith.select %lt3A_325, %get3A_335, %broadcast_in_dim3A_215 : vector<16xi1>, vector<16xi32>
          %add3A_337 = arith.addi %add3A_319, %select_n3A_336 : vector<16xi32>
          %add3A_338 = arith.constant 3072 : i32
          %add3A_339 = arith.addi %add3A_279, %add3A_338 : i32
          %get3A_340 = arith.index_cast %add3A_339 : i32 to index
          %get3A_341 = tpu.vector_load %arg7[%get3A_340] {strides = array<i32>} : memref<32768xf32, #tpu.memory_space<vmem>>, vector<16xf32>,
          %lt3A_342 = vector.broadcast %reduce_max3A_213 : f32 to vector<16xf32>
          %lt3A_343 = arith.cmpf olt, %get3A_341, %lt3A_342 : vector<16xf32>
          %add3A_344 = arith.constant 3072 : i32
          %add3A_345 = arith.addi %add3A_283, %add3A_344 : i32
          %get3A_346 = arith.index_cast %add3A_345 : i32 to index
          %get3A_347 = tpu.vector_load %arg11[%get3A_346] {strides = array<i32>} : memref<4096xi32, #tpu.memory_space<vmem>>, vector<16xi32>,
          %select_n3A_348 = arith.select %lt3A_343, %get3A_347, %broadcast_in_dim3A_215 : vector<16xi1>, vector<16xi32>
          %add3A_349 = arith.addi %add3A_331, %select_n3A_348 : vector<16xi32>
          %add3A_350 = arith.constant 3072 : i32
          %add3A_351 = arith.addi %add3A_283, %add3A_350 : i32
          %get3A_352 = arith.index_cast %add3A_351 : i32 to index
          %get3A_353 = tpu.vector_load %arg12[%get3A_352] {strides = array<i32>} : memref<4096xi32, #tpu.memory_space<vmem>>, vector<16xi32>,
          %select_n3A_354 = arith.select %lt3A_343, %get3A_353, %broadcast_in_dim3A_215 : vector<16xi1>, vector<16xi32>
          %add3A_355 = arith.addi %add3A_337, %select_n3A_354 : vector<16xi32>
          %ne3A = vector.broadcast %reduce_max3A_276 : i32 to vector<16xi32>
          %ne3A_356 = arith.cmpi ne, %iota3A, %ne3A : vector<16xi32>
          %and3A_357 = arith.andi %while3A_266, %ne3A_356 : vector<16xi1>
          scf.yield %and3A_357, %add3A_349, %add3A_355 : vector<16xi1>, vector<16xi32>, vector<16xi32>
        }
        %reduce_sum3A = arith.constant true
        %reduce_sum3A_235 = vector.broadcast %reduce_sum3A : i1 to vector<16xi1>
        %reduce_sum3A_236 = tpu.scan <sum>, %while3A_234#1 masked %reduce_sum3A_235 : vector<16xi32>, vector<16xi1> -> vector<16xi32>
        %reduce_sum3A_237 = vector.extract %reduce_sum3A_236[15] : i32 from vector<16xi32>
        %reduce_sum3A_238 = arith.constant true
        %reduce_sum3A_239 = vector.broadcast %reduce_sum3A_238 : i1 to vector<16xi1>
        %reduce_sum3A_240 = tpu.scan <sum>, %while3A_234#2 masked %reduce_sum3A_239 : vector<16xi32>, vector<16xi1> -> vector<16xi32>
        %reduce_sum3A_241 = vector.extract %reduce_sum3A_240[15] : i32 from vector<16xi32>
        %and3A = arith.constant 7 : i32
        %and3A_242 = vector.broadcast %and3A : i32 to vector<16xi32>
        %and3A_243 = arith.andi %iota3A, %and3A_242 : vector<16xi32>
        %mul3A_244 = arith.constant 4 : i32
        %mul3A_245 = vector.broadcast %mul3A_244 : i32 to vector<16xi32>
        %mul3A_246 = arith.muli %mul3A_245, %and3A_243 : vector<16xi32>
        %shift_right_arithmetic3A = vector.broadcast %reduce_sum3A_237 : i32 to vector<16xi32>
        %shift_right_arithmetic3A_247 = arith.shrsi %shift_right_arithmetic3A, %mul3A_246 : vector<16xi32>
        %and3A_248 = arith.constant 15 : i32
        %and3A_249 = vector.broadcast %and3A_248 : i32 to vector<16xi32>
        %and3A_250 = arith.andi %shift_right_arithmetic3A_247, %and3A_249 : vector<16xi32>
        %shift_right_arithmetic3A_251 = vector.broadcast %reduce_sum3A_241 : i32 to vector<16xi32>
        %shift_right_arithmetic3A_252 = arith.shrsi %shift_right_arithmetic3A_251, %mul3A_246 : vector<16xi32>
        %and3A_253 = arith.constant 15 : i32
        %and3A_254 = vector.broadcast %and3A_253 : i32 to vector<16xi32>
        %and3A_255 = arith.andi %shift_right_arithmetic3A_252, %and3A_254 : vector<16xi32>
        %lt3A_256 = arith.constant 8 : i32
        %lt3A_257 = vector.broadcast %lt3A_256 : i32 to vector<16xi32>
        %lt3A_258 = arith.cmpi slt, %iota3A, %lt3A_257 : vector<16xi32>
        %select_n3A = arith.select %lt3A_258, %and3A_250, %and3A_255 : vector<16xi1>, vector<16xi32>
        %convert_element_type3A = arith.sitofp %select_n3A : vector<16xi32> to vector<16xf32>
        %mul3A_259 = arith.constant 8 : i32
        %mul3A_260 = arith.muli %add3A_57, %mul3A_259 : i32
        %add3A_261 = arith.addi %mul3A_260, %scan3A_123 : i32
        %mul3A_262 = arith.constant 16 : i32
        %mul3A_263 = arith.muli %add3A_261, %mul3A_262 : i32
        %swap3A = arith.index_cast %mul3A_263 : i32 to index
        %swap3A_264 = tpu.vector_load %arg13[%swap3A] {strides = array<i32>} : memref<2048xf32, #tpu.memory_space<vmem>>, vector<16xf32>,
        tpu.vector_store %arg13[%swap3A], %convert_element_type3A {strides = array<i32>} : memref<2048xf32, #tpu.memory_space<vmem>>, vector<16xf32>,
        %scan3A_265 = arith.constant 0 : i32
        scf.yield %scan3A_265 : i32
      }
      %scan3A_72 = arith.constant 8 : i32
      %add3A_73 = arith.constant 2 : i32
      %add3A_74 = arith.addi %add3A_57, %add3A_73 : i32
      %min3A_75 = arith.constant 15 : i32
      %min3A_76 = arith.minsi %add3A_74, %min3A_75 : i32
      %mul3A_77 = arith.constant 8 : i32
      %mul3A_78 = arith.muli %min3A_76, %mul3A_77 : i32
      %add3A_79 = arith.addi %mul3A_2, %mul3A_78 : i32
      %mul3A_80 = arith.constant 4096 : i32
      %mul3A_81 = arith.muli %add3A_79, %mul3A_80 : i32
      %dma_start3A_82 = tpu.memref_slice %arg2[%mul3A_81] : memref<16777216xf32, #tpu.memory_space<hbm>> -> memref<32768xf32, #tpu.memory_space<hbm>>
      %dma_start3A_83 = tpu.memref_slice %arg2[%mul3A_81] : memref<16777216xf32, #tpu.memory_space<hbm>> -> memref<32768xf32, #tpu.memory_space<hbm>>
      tpu.enqueue_dma source(%dma_start3A_83 : memref<32768xf32, #tpu.memory_space<hbm>>) target(%arg7 : memref<32768xf32, #tpu.memory_space<vmem>>) target_semaphore(%arg14 : memref<!tpu.dma_semaphore, #tpu.memory_space<semaphore_mem>>)
      %mul3A_84 = arith.constant 64 : i32
      %mul3A_85 = arith.muli %add3A_79, %mul3A_84 : i32
      %dma_start3A_86 = tpu.memref_slice %arg3[%mul3A_85] : memref<262144xf32, #tpu.memory_space<hbm>> -> memref<512xf32, #tpu.memory_space<hbm>>
      %dma_start3A_87 = tpu.memref_slice %arg3[%mul3A_85] : memref<262144xf32, #tpu.memory_space<hbm>> -> memref<512xf32, #tpu.memory_space<hbm>>
      tpu.enqueue_dma source(%dma_start3A_87 : memref<512xf32, #tpu.memory_space<hbm>>) target(%arg9 : memref<512xf32, #tpu.memory_space<vmem>>) target_semaphore(%arg14 : memref<!tpu.dma_semaphore, #tpu.memory_space<semaphore_mem>>)
      %mul3A_88 = arith.constant 2 : i32
      %mul3A_89 = arith.muli %mul3A_88, %scan3A_52 : i32
      %add3A_90 = arith.constant 1 : i32
      %add3A_91 = arith.addi %mul3A_89, %add3A_90 : i32
      %dma_wait3A_92 = arith.constant 0 : i32
      %dma_wait3A_93 = tpu.memref_slice %arg2[%dma_wait3A_92] : memref<16777216xf32, #tpu.memory_space<hbm>> -> memref<32768xf32, #tpu.memory_space<hbm>>
      %dma_wait3A_94 = arith.constant 0 : i32
      %dma_wait3A_95 = tpu.memref_slice %arg2[%dma_wait3A_94] : memref<16777216xf32, #tpu.memory_space<hbm>> -> memref<32768xf32, #tpu.memory_space<hbm>>
      tpu.wait_dma2 semaphore(%arg15 : memref<!tpu.dma_semaphore, #tpu.memory_space<semaphore_mem>>) src(%dma_wait3A_95 : memref<32768xf32, #tpu.memory_space<hbm>>) dst(%arg8 : memref<32768xf32, #tpu.memory_space<vmem>>)
      %dma_wait3A_96 = arith.constant 0 : i32
      %dma_wait3A_97 = tpu.memref_slice %arg3[%dma_wait3A_96] : memref<262144xf32, #tpu.memory_space<hbm>> -> memref<512xf32, #tpu.memory_space<hbm>>
      %dma_wait3A_98 = arith.constant 0 : i32
      %dma_wait3A_99 = tpu.memref_slice %arg3[%dma_wait3A_98] : memref<262144xf32, #tpu.memory_space<hbm>> -> memref<512xf32, #tpu.memory_space<hbm>>
      tpu.wait_dma2 semaphore(%arg15 : memref<!tpu.dma_semaphore, #tpu.memory_space<semaphore_mem>>) src(%dma_wait3A_99 : memref<512xf32, #tpu.memory_space<hbm>>) dst(%arg10 : memref<512xf32, #tpu.memory_space<vmem>>)
      %scan3A_100 = arith.constant 0 : i32
      %scan3A_101 = arith.constant 0 : i32
      %scan3A_102 = arith.constant 8 : i32
      %scan3A_103 = arith.addi %scan3A_101, %scan3A_102 : i32
      %scan3A_104 = arith.constant 1 : i32
      %scan3A_105 = scf.for %scan3A_123 = %scan3A_101 to %scan3A_103 step %scan3A_104 iter_args(%scan3A_124 = %scan3A_100) -> (i32)  : i32 {
        %mul3A_125 = arith.constant 4096 : i32
        %mul3A_126 = arith.muli %scan3A_123, %mul3A_125 : i32
        %mul3A_127 = arith.constant 64 : i32
        %mul3A_128 = arith.muli %scan3A_123, %mul3A_127 : i32
        %add3A_129 = arith.constant 0 : i32
        %add3A_130 = arith.addi %mul3A_128, %add3A_129 : i32
        %get3A = arith.index_cast %add3A_130 : i32 to index
        %get3A_131 = tpu.vector_load %arg10[%get3A] {strides = array<i32>} : memref<512xf32, #tpu.memory_space<vmem>>, vector<16xf32>,
        %add3A_132 = arith.constant 16 : i32
        %add3A_133 = arith.addi %mul3A_128, %add3A_132 : i32
        %get3A_134 = arith.index_cast %add3A_133 : i32 to index
        %get3A_135 = tpu.vector_load %arg10[%get3A_134] {strides = array<i32>} : memref<512xf32, #tpu.memory_space<vmem>>, vector<16xf32>,
        %add3A_136 = arith.constant 32 : i32
        %add3A_137 = arith.addi %mul3A_128, %add3A_136 : i32
        %get3A_138 = arith.index_cast %add3A_137 : i32 to index
        %get3A_139 = tpu.vector_load %arg10[%get3A_138] {strides = array<i32>} : memref<512xf32, #tpu.memory_space<vmem>>, vector<16xf32>,
        %add3A_140 = arith.constant 48 : i32
        %add3A_141 = arith.addi %mul3A_128, %add3A_140 : i32
        %get3A_142 = arith.index_cast %add3A_141 : i32 to index
        %get3A_143 = tpu.vector_load %arg10[%get3A_142] {strides = array<i32>} : memref<512xf32, #tpu.memory_space<vmem>>, vector<16xf32>,
        %sort3A = arith.constant dense<true> : vector<16xi1>
        %sort3A_144, %sort3A_145, %sort3A_146 = tpu.sort %get3A_131, %get3A_131 masked %sort3A : (vector<16xf32>, vector<16xf32>, vector<16xi1>) -> (vector<16xi1>, vector<16xf32>, vector<16xf32>)
        %sort3A_147 = arith.constant dense<true> : vector<16xi1>
        %sort3A_148, %sort3A_149, %sort3A_150 = tpu.sort %get3A_135, %get3A_135 masked %sort3A_147 : (vector<16xf32>, vector<16xf32>, vector<16xi1>) -> (vector<16xi1>, vector<16xf32>, vector<16xf32>)
        %sort3A_151 = arith.constant dense<true> : vector<16xi1>
        %sort3A_152, %sort3A_153, %sort3A_154 = tpu.sort %get3A_139, %get3A_139 masked %sort3A_151 : (vector<16xf32>, vector<16xf32>, vector<16xi1>) -> (vector<16xi1>, vector<16xf32>, vector<16xf32>)
        %sort3A_155 = arith.constant dense<true> : vector<16xi1>
        %sort3A_156, %sort3A_157, %sort3A_158 = tpu.sort %get3A_143, %get3A_143 masked %sort3A_155 : (vector<16xf32>, vector<16xf32>, vector<16xi1>) -> (vector<16xi1>, vector<16xf32>, vector<16xf32>)
        %rev3A = arith.constant 15 : i32
        %rev3A_159 = vector.broadcast %rev3A : i32 to vector<16xi32>
        %rev3A_160 = tpu.iota {dimensions = array<i32: 0>} : vector<16xi32>
        %rev3A_161 = arith.subi %rev3A_159, %rev3A_160 : vector<16xi32>
        %rev3A_162 = tpu.dynamic_gather %sort3A_149[%rev3A_161] in [0] : vector<16xf32>, vector<16xi32> -> vector<16xf32>
        %min3A_163 = arith.minimumf %sort3A_145, %rev3A_162 : vector<16xf32>
        %sort3A_164 = arith.constant dense<true> : vector<16xi1>
        %sort3A_165, %sort3A_166, %sort3A_167 = tpu.sort %min3A_163, %min3A_163 masked %sort3A_164 : (vector<16xf32>, vector<16xf32>, vector<16xi1>) -> (vector<16xi1>, vector<16xf32>, vector<16xf32>)
        %rev3A_168 = arith.constant 15 : i32
        %rev3A_169 = vector.broadcast %rev3A_168 : i32 to vector<16xi32>
        %rev3A_170 = tpu.iota {dimensions = array<i32: 0>} : vector<16xi32>
        %rev3A_171 = arith.subi %rev3A_169, %rev3A_170 : vector<16xi32>
        %rev3A_172 = tpu.dynamic_gather %sort3A_157[%rev3A_171] in [0] : vector<16xf32>, vector<16xi32> -> vector<16xf32>
        %min3A_173 = arith.minimumf %sort3A_153, %rev3A_172 : vector<16xf32>
        %sort3A_174 = arith.constant dense<true> : vector<16xi1>
        %sort3A_175, %sort3A_176, %sort3A_177 = tpu.sort %min3A_173, %min3A_173 masked %sort3A_174 : (vector<16xf32>, vector<16xf32>, vector<16xi1>) -> (vector<16xi1>, vector<16xf32>, vector<16xf32>)
        %rev3A_178 = arith.constant 15 : i32
        %rev3A_179 = vector.broadcast %rev3A_178 : i32 to vector<16xi32>
        %rev3A_180 = tpu.iota {dimensions = array<i32: 0>} : vector<16xi32>
        %rev3A_181 = arith.subi %rev3A_179, %rev3A_180 : vector<16xi32>
        %rev3A_182 = tpu.dynamic_gather %sort3A_176[%rev3A_181] in [0] : vector<16xf32>, vector<16xi32> -> vector<16xf32>
        %min3A_183 = arith.minimumf %sort3A_166, %rev3A_182 : vector<16xf32>
        %sort3A_184 = arith.constant dense<true> : vector<16xi1>
        %sort3A_185, %sort3A_186, %sort3A_187 = tpu.sort %min3A_183, %min3A_183 masked %sort3A_184 : (vector<16xf32>, vector<16xf32>, vector<16xi1>) -> (vector<16xi1>, vector<16xf32>, vector<16xf32>)
        %reduce_max3A = arith.constant true
        %reduce_max3A_188 = vector.broadcast %reduce_max3A : i1 to vector<16xi1>
        %reduce_max3A_189 = tpu.scan <max>, %sort3A_186 masked %reduce_max3A_188 : vector<16xf32>, vector<16xi1> -> vector<16xf32>
        %reduce_max3A_190 = vector.extract %reduce_max3A_189[15] : f32 from vector<16xf32>
        %broadcast_in_dim3A = arith.constant 0x7F800000 : f32
        %broadcast_in_dim3A_191 = vector.broadcast %broadcast_in_dim3A : f32 to vector<16xf32>
        %add3A_192 = arith.constant 0 : i32
        %add3A_193 = arith.addi %mul3A_126, %add3A_192 : i32
        %le3A = vector.broadcast %reduce_max3A_190 : f32 to vector<16xf32>
        %le3A_194 = arith.cmpf ole, %get3A_131, %le3A : vector<16xf32>
        %while3A:3 = scf.while (%while3A_266 = %le3A_194, %while3A_267 = %broadcast_in_dim3A_191, %while3A_268 = %reduce_max3A_190) : (vector<16xi1>, vector<16xf32>, f32) -> (vector<16xi1>, vector<16xf32>, f32) {
          %reduce_or3A = arith.constant 1.000000e+00 : f32
          %reduce_or3A_269 = arith.constant 0.000000e+00 : f32
          %reduce_or3A_270 = vector.broadcast %reduce_or3A : f32 to vector<16xf32>
          %reduce_or3A_271 = vector.broadcast %reduce_or3A_269 : f32 to vector<16xf32>
          %reduce_or3A_272 = arith.select %while3A_266, %reduce_or3A_270, %reduce_or3A_271 : vector<16xi1>, vector<16xf32>
          %reduce_or3A_273 = arith.constant true
          %reduce_or3A_274 = vector.broadcast %reduce_or3A_273 : i1 to vector<16xi1>
          %reduce_or3A_275 = tpu.scan <max>, %reduce_or3A_272 masked %reduce_or3A_274 : vector<16xf32>, vector<16xi1> -> vector<16xf32>
          %reduce_or3A_276 = vector.extract %reduce_or3A_275[15] : f32 from vector<16xf32>
          %reduce_or3A_277 = arith.constant 0.000000e+00 : f32
          %reduce_or3A_278 = arith.cmpf ogt, %reduce_or3A_276, %reduce_or3A_277 : f32
          scf.condition(%reduce_or3A_278) %while3A_266, %while3A_267, %while3A_268 : vector<16xi1>, vector<16xf32>, f32
        } do {
        ^bb0(%while3A_266: vector<16xi1>, %while3A_267: vector<16xf32>, %while3A_268: f32):
          %all_reduce_ffs3A = tpu.all_reduce %while3A_266 {dim = 0 : i64, kind = #tpu.reduction_kind<find_first_set>} : vector<16xi1> -> vector<16xi32>
          %reduce_max3A_269 = arith.constant true
          %reduce_max3A_270 = vector.broadcast %reduce_max3A_269 : i1 to vector<16xi1>
          %reduce_max3A_271 = arith.constant -2147483648 : i32
          %reduce_max3A_272 = vector.broadcast %reduce_max3A_271 : i32 to vector<16xi32>
          %reduce_max3A_273 = arith.xori %all_reduce_ffs3A, %reduce_max3A_272 : vector<16xi32>
          %reduce_max3A_274 = tpu.scan <max>, %reduce_max3A_273 masked %reduce_max3A_270 : vector<16xi32>, vector<16xi1> -> vector<16xi32>
          %reduce_max3A_275 = arith.xori %reduce_max3A_274, %reduce_max3A_272 : vector<16xi32>
          %reduce_max3A_276 = vector.extract %reduce_max3A_275[15] : i32 from vector<16xi32>
          %mul3A_277 = arith.constant 16 : i32
          %mul3A_278 = arith.muli %reduce_max3A_276, %mul3A_277 : i32
          %add3A_279 = arith.addi %add3A_193, %mul3A_278 : i32
          %add3A_280 = arith.constant 0 : i32
          %add3A_281 = arith.addi %add3A_279, %add3A_280 : i32
          %get3A_282 = arith.index_cast %add3A_281 : i32 to index
          %get3A_283 = tpu.vector_load %arg8[%get3A_282] {strides = array<i32>} : memref<32768xf32, #tpu.memory_space<vmem>>, vector<16xf32>,
          %sort3A_284 = arith.constant dense<true> : vector<16xi1>
          %sort3A_285, %sort3A_286, %sort3A_287 = tpu.sort %get3A_283, %get3A_283 masked %sort3A_284 : (vector<16xf32>, vector<16xf32>, vector<16xi1>) -> (vector<16xi1>, vector<16xf32>, vector<16xf32>)
          %rev3A_288 = arith.constant 15 : i32
          %rev3A_289 = vector.broadcast %rev3A_288 : i32 to vector<16xi32>
          %rev3A_290 = tpu.iota {dimensions = array<i32: 0>} : vector<16xi32>
          %rev3A_291 = arith.subi %rev3A_289, %rev3A_290 : vector<16xi32>
          %rev3A_292 = tpu.dynamic_gather %sort3A_286[%rev3A_291] in [0] : vector<16xf32>, vector<16xi32> -> vector<16xf32>
          %min3A_293 = arith.minimumf %while3A_267, %rev3A_292 : vector<16xf32>
          %sort3A_294 = arith.constant dense<true> : vector<16xi1>
          %sort3A_295, %sort3A_296, %sort3A_297 = tpu.sort %min3A_293, %min3A_293 masked %sort3A_294 : (vector<16xf32>, vector<16xf32>, vector<16xi1>) -> (vector<16xi1>, vector<16xf32>, vector<16xf32>)
          %add3A_298 = arith.constant 1024 : i32
          %add3A_299 = arith.addi %add3A_279, %add3A_298 : i32
          %get3A_300 = arith.index_cast %add3A_299 : i32 to index
          %get3A_301 = tpu.vector_load %arg8[%get3A_300] {strides = array<i32>} : memref<32768xf32, #tpu.memory_space<vmem>>, vector<16xf32>,
          %sort3A_302 = arith.constant dense<true> : vector<16xi1>
          %sort3A_303, %sort3A_304, %sort3A_305 = tpu.sort %get3A_301, %get3A_301 masked %sort3A_302 : (vector<16xf32>, vector<16xf32>, vector<16xi1>) -> (vector<16xi1>, vector<16xf32>, vector<16xf32>)
          %rev3A_306 = arith.constant 15 : i32
          %rev3A_307 = vector.broadcast %rev3A_306 : i32 to vector<16xi32>
          %rev3A_308 = tpu.iota {dimensions = array<i32: 0>} : vector<16xi32>
          %rev3A_309 = arith.subi %rev3A_307, %rev3A_308 : vector<16xi32>
          %rev3A_310 = tpu.dynamic_gather %sort3A_304[%rev3A_309] in [0] : vector<16xf32>, vector<16xi32> -> vector<16xf32>
          %min3A_311 = arith.minimumf %sort3A_296, %rev3A_310 : vector<16xf32>
          %sort3A_312 = arith.constant dense<true> : vector<16xi1>
          %sort3A_313, %sort3A_314, %sort3A_315 = tpu.sort %min3A_311, %min3A_311 masked %sort3A_312 : (vector<16xf32>, vector<16xf32>, vector<16xi1>) -> (vector<16xi1>, vector<16xf32>, vector<16xf32>)
          %add3A_316 = arith.constant 2048 : i32
          %add3A_317 = arith.addi %add3A_279, %add3A_316 : i32
          %get3A_318 = arith.index_cast %add3A_317 : i32 to index
          %get3A_319 = tpu.vector_load %arg8[%get3A_318] {strides = array<i32>} : memref<32768xf32, #tpu.memory_space<vmem>>, vector<16xf32>,
          %sort3A_320 = arith.constant dense<true> : vector<16xi1>
          %sort3A_321, %sort3A_322, %sort3A_323 = tpu.sort %get3A_319, %get3A_319 masked %sort3A_320 : (vector<16xf32>, vector<16xf32>, vector<16xi1>) -> (vector<16xi1>, vector<16xf32>, vector<16xf32>)
          %rev3A_324 = arith.constant 15 : i32
          %rev3A_325 = vector.broadcast %rev3A_324 : i32 to vector<16xi32>
          %rev3A_326 = tpu.iota {dimensions = array<i32: 0>} : vector<16xi32>
          %rev3A_327 = arith.subi %rev3A_325, %rev3A_326 : vector<16xi32>
          %rev3A_328 = tpu.dynamic_gather %sort3A_322[%rev3A_327] in [0] : vector<16xf32>, vector<16xi32> -> vector<16xf32>
          %min3A_329 = arith.minimumf %sort3A_314, %rev3A_328 : vector<16xf32>
          %sort3A_330 = arith.constant dense<true> : vector<16xi1>
          %sort3A_331, %sort3A_332, %sort3A_333 = tpu.sort %min3A_329, %min3A_329 masked %sort3A_330 : (vector<16xf32>, vector<16xf32>, vector<16xi1>) -> (vector<16xi1>, vector<16xf32>, vector<16xf32>)
          %add3A_334 = arith.constant 3072 : i32
          %add3A_335 = arith.addi %add3A_279, %add3A_334 : i32
          %get3A_336 = arith.index_cast %add3A_335 : i32 to index
          %get3A_337 = tpu.vector_load %arg8[%get3A_336] {strides = array<i32>} : memref<32768xf32, #tpu.memory_space<vmem>>, vector<16xf32>,
          %sort3A_338 = arith.constant dense<true> : vector<16xi1>
          %sort3A_339, %sort3A_340, %sort3A_341 = tpu.sort %get3A_337, %get3A_337 masked %sort3A_338 : (vector<16xf32>, vector<16xf32>, vector<16xi1>) -> (vector<16xi1>, vector<16xf32>, vector<16xf32>)
          %rev3A_342 = arith.constant 15 : i32
          %rev3A_343 = vector.broadcast %rev3A_342 : i32 to vector<16xi32>
          %rev3A_344 = tpu.iota {dimensions = array<i32: 0>} : vector<16xi32>
          %rev3A_345 = arith.subi %rev3A_343, %rev3A_344 : vector<16xi32>
          %rev3A_346 = tpu.dynamic_gather %sort3A_340[%rev3A_345] in [0] : vector<16xf32>, vector<16xi32> -> vector<16xf32>
          %min3A_347 = arith.minimumf %sort3A_332, %rev3A_346 : vector<16xf32>
          %sort3A_348 = arith.constant dense<true> : vector<16xi1>
          %sort3A_349, %sort3A_350, %sort3A_351 = tpu.sort %min3A_347, %min3A_347 masked %sort3A_348 : (vector<16xf32>, vector<16xf32>, vector<16xi1>) -> (vector<16xi1>, vector<16xf32>, vector<16xf32>)
          %reduce_max3A_352 = arith.constant true
          %reduce_max3A_353 = vector.broadcast %reduce_max3A_352 : i1 to vector<16xi1>
          %reduce_max3A_354 = tpu.scan <max>, %sort3A_350 masked %reduce_max3A_353 : vector<16xf32>, vector<16xi1> -> vector<16xf32>
          %reduce_max3A_355 = vector.extract %reduce_max3A_354[15] : f32 from vector<16xf32>
          %min3A_356 = arith.minimumf %while3A_268, %reduce_max3A_355 : f32
          %ne3A = vector.broadcast %reduce_max3A_276 : i32 to vector<16xi32>
          %ne3A_357 = arith.cmpi ne, %iota3A, %ne3A : vector<16xi32>
          %and3A_358 = arith.andi %while3A_266, %ne3A_357 : vector<16xi1>
          %le3A_359 = vector.broadcast %min3A_356 : f32 to vector<16xf32>
          %le3A_360 = arith.cmpf ole, %get3A_131, %le3A_359 : vector<16xf32>
          %and3A_361 = arith.andi %and3A_358, %le3A_360 : vector<16xi1>
          scf.yield %and3A_361, %sort3A_350, %min3A_356 : vector<16xi1>, vector<16xf32>, f32
        }
        %add3A_195 = arith.constant 256 : i32
        %add3A_196 = arith.addi %mul3A_126, %add3A_195 : i32
        %le3A_197 = vector.broadcast %while3A#2 : f32 to vector<16xf32>
        %le3A_198 = arith.cmpf ole, %get3A_135, %le3A_197 : vector<16xf32>
        %while3A_199:3 = scf.while (%while3A_266 = %le3A_198, %while3A_267 = %while3A#1, %while3A_268 = %while3A#2) : (vector<16xi1>, vector<16xf32>, f32) -> (vector<16xi1>, vector<16xf32>, f32) {
          %reduce_or3A = arith.constant 1.000000e+00 : f32
          %reduce_or3A_269 = arith.constant 0.000000e+00 : f32
          %reduce_or3A_270 = vector.broadcast %reduce_or3A : f32 to vector<16xf32>
          %reduce_or3A_271 = vector.broadcast %reduce_or3A_269 : f32 to vector<16xf32>
          %reduce_or3A_272 = arith.select %while3A_266, %reduce_or3A_270, %reduce_or3A_271 : vector<16xi1>, vector<16xf32>
          %reduce_or3A_273 = arith.constant true
          %reduce_or3A_274 = vector.broadcast %reduce_or3A_273 : i1 to vector<16xi1>
          %reduce_or3A_275 = tpu.scan <max>, %reduce_or3A_272 masked %reduce_or3A_274 : vector<16xf32>, vector<16xi1> -> vector<16xf32>
          %reduce_or3A_276 = vector.extract %reduce_or3A_275[15] : f32 from vector<16xf32>
          %reduce_or3A_277 = arith.constant 0.000000e+00 : f32
          %reduce_or3A_278 = arith.cmpf ogt, %reduce_or3A_276, %reduce_or3A_277 : f32
          scf.condition(%reduce_or3A_278) %while3A_266, %while3A_267, %while3A_268 : vector<16xi1>, vector<16xf32>, f32
        } do {
        ^bb0(%while3A_266: vector<16xi1>, %while3A_267: vector<16xf32>, %while3A_268: f32):
          %all_reduce_ffs3A = tpu.all_reduce %while3A_266 {dim = 0 : i64, kind = #tpu.reduction_kind<find_first_set>} : vector<16xi1> -> vector<16xi32>
          %reduce_max3A_269 = arith.constant true
          %reduce_max3A_270 = vector.broadcast %reduce_max3A_269 : i1 to vector<16xi1>
          %reduce_max3A_271 = arith.constant -2147483648 : i32
          %reduce_max3A_272 = vector.broadcast %reduce_max3A_271 : i32 to vector<16xi32>
          %reduce_max3A_273 = arith.xori %all_reduce_ffs3A, %reduce_max3A_272 : vector<16xi32>
          %reduce_max3A_274 = tpu.scan <max>, %reduce_max3A_273 masked %reduce_max3A_270 : vector<16xi32>, vector<16xi1> -> vector<16xi32>
          %reduce_max3A_275 = arith.xori %reduce_max3A_274, %reduce_max3A_272 : vector<16xi32>
          %reduce_max3A_276 = vector.extract %reduce_max3A_275[15] : i32 from vector<16xi32>
          %mul3A_277 = arith.constant 16 : i32
          %mul3A_278 = arith.muli %reduce_max3A_276, %mul3A_277 : i32
          %add3A_279 = arith.addi %add3A_196, %mul3A_278 : i32
          %add3A_280 = arith.constant 0 : i32
          %add3A_281 = arith.addi %add3A_279, %add3A_280 : i32
          %get3A_282 = arith.index_cast %add3A_281 : i32 to index
          %get3A_283 = tpu.vector_load %arg8[%get3A_282] {strides = array<i32>} : memref<32768xf32, #tpu.memory_space<vmem>>, vector<16xf32>,
          %sort3A_284 = arith.constant dense<true> : vector<16xi1>
          %sort3A_285, %sort3A_286, %sort3A_287 = tpu.sort %get3A_283, %get3A_283 masked %sort3A_284 : (vector<16xf32>, vector<16xf32>, vector<16xi1>) -> (vector<16xi1>, vector<16xf32>, vector<16xf32>)
          %rev3A_288 = arith.constant 15 : i32
          %rev3A_289 = vector.broadcast %rev3A_288 : i32 to vector<16xi32>
          %rev3A_290 = tpu.iota {dimensions = array<i32: 0>} : vector<16xi32>
          %rev3A_291 = arith.subi %rev3A_289, %rev3A_290 : vector<16xi32>
          %rev3A_292 = tpu.dynamic_gather %sort3A_286[%rev3A_291] in [0] : vector<16xf32>, vector<16xi32> -> vector<16xf32>
          %min3A_293 = arith.minimumf %while3A_267, %rev3A_292 : vector<16xf32>
          %sort3A_294 = arith.constant dense<true> : vector<16xi1>
          %sort3A_295, %sort3A_296, %sort3A_297 = tpu.sort %min3A_293, %min3A_293 masked %sort3A_294 : (vector<16xf32>, vector<16xf32>, vector<16xi1>) -> (vector<16xi1>, vector<16xf32>, vector<16xf32>)
          %add3A_298 = arith.constant 1024 : i32
          %add3A_299 = arith.addi %add3A_279, %add3A_298 : i32
          %get3A_300 = arith.index_cast %add3A_299 : i32 to index
          %get3A_301 = tpu.vector_load %arg8[%get3A_300] {strides = array<i32>} : memref<32768xf32, #tpu.memory_space<vmem>>, vector<16xf32>,
          %sort3A_302 = arith.constant dense<true> : vector<16xi1>
          %sort3A_303, %sort3A_304, %sort3A_305 = tpu.sort %get3A_301, %get3A_301 masked %sort3A_302 : (vector<16xf32>, vector<16xf32>, vector<16xi1>) -> (vector<16xi1>, vector<16xf32>, vector<16xf32>)
          %rev3A_306 = arith.constant 15 : i32
          %rev3A_307 = vector.broadcast %rev3A_306 : i32 to vector<16xi32>
          %rev3A_308 = tpu.iota {dimensions = array<i32: 0>} : vector<16xi32>
          %rev3A_309 = arith.subi %rev3A_307, %rev3A_308 : vector<16xi32>
          %rev3A_310 = tpu.dynamic_gather %sort3A_304[%rev3A_309] in [0] : vector<16xf32>, vector<16xi32> -> vector<16xf32>
          %min3A_311 = arith.minimumf %sort3A_296, %rev3A_310 : vector<16xf32>
          %sort3A_312 = arith.constant dense<true> : vector<16xi1>
          %sort3A_313, %sort3A_314, %sort3A_315 = tpu.sort %min3A_311, %min3A_311 masked %sort3A_312 : (vector<16xf32>, vector<16xf32>, vector<16xi1>) -> (vector<16xi1>, vector<16xf32>, vector<16xf32>)
          %add3A_316 = arith.constant 2048 : i32
          %add3A_317 = arith.addi %add3A_279, %add3A_316 : i32
          %get3A_318 = arith.index_cast %add3A_317 : i32 to index
          %get3A_319 = tpu.vector_load %arg8[%get3A_318] {strides = array<i32>} : memref<32768xf32, #tpu.memory_space<vmem>>, vector<16xf32>,
          %sort3A_320 = arith.constant dense<true> : vector<16xi1>
          %sort3A_321, %sort3A_322, %sort3A_323 = tpu.sort %get3A_319, %get3A_319 masked %sort3A_320 : (vector<16xf32>, vector<16xf32>, vector<16xi1>) -> (vector<16xi1>, vector<16xf32>, vector<16xf32>)
          %rev3A_324 = arith.constant 15 : i32
          %rev3A_325 = vector.broadcast %rev3A_324 : i32 to vector<16xi32>
          %rev3A_326 = tpu.iota {dimensions = array<i32: 0>} : vector<16xi32>
          %rev3A_327 = arith.subi %rev3A_325, %rev3A_326 : vector<16xi32>
          %rev3A_328 = tpu.dynamic_gather %sort3A_322[%rev3A_327] in [0] : vector<16xf32>, vector<16xi32> -> vector<16xf32>
          %min3A_329 = arith.minimumf %sort3A_314, %rev3A_328 : vector<16xf32>
          %sort3A_330 = arith.constant dense<true> : vector<16xi1>
          %sort3A_331, %sort3A_332, %sort3A_333 = tpu.sort %min3A_329, %min3A_329 masked %sort3A_330 : (vector<16xf32>, vector<16xf32>, vector<16xi1>) -> (vector<16xi1>, vector<16xf32>, vector<16xf32>)
          %add3A_334 = arith.constant 3072 : i32
          %add3A_335 = arith.addi %add3A_279, %add3A_334 : i32
          %get3A_336 = arith.index_cast %add3A_335 : i32 to index
          %get3A_337 = tpu.vector_load %arg8[%get3A_336] {strides = array<i32>} : memref<32768xf32, #tpu.memory_space<vmem>>, vector<16xf32>,
          %sort3A_338 = arith.constant dense<true> : vector<16xi1>
          %sort3A_339, %sort3A_340, %sort3A_341 = tpu.sort %get3A_337, %get3A_337 masked %sort3A_338 : (vector<16xf32>, vector<16xf32>, vector<16xi1>) -> (vector<16xi1>, vector<16xf32>, vector<16xf32>)
          %rev3A_342 = arith.constant 15 : i32
          %rev3A_343 = vector.broadcast %rev3A_342 : i32 to vector<16xi32>
          %rev3A_344 = tpu.iota {dimensions = array<i32: 0>} : vector<16xi32>
          %rev3A_345 = arith.subi %rev3A_343, %rev3A_344 : vector<16xi32>
          %rev3A_346 = tpu.dynamic_gather %sort3A_340[%rev3A_345] in [0] : vector<16xf32>, vector<16xi32> -> vector<16xf32>
          %min3A_347 = arith.minimumf %sort3A_332, %rev3A_346 : vector<16xf32>
          %sort3A_348 = arith.constant dense<true> : vector<16xi1>
          %sort3A_349, %sort3A_350, %sort3A_351 = tpu.sort %min3A_347, %min3A_347 masked %sort3A_348 : (vector<16xf32>, vector<16xf32>, vector<16xi1>) -> (vector<16xi1>, vector<16xf32>, vector<16xf32>)
          %reduce_max3A_352 = arith.constant true
          %reduce_max3A_353 = vector.broadcast %reduce_max3A_352 : i1 to vector<16xi1>
          %reduce_max3A_354 = tpu.scan <max>, %sort3A_350 masked %reduce_max3A_353 : vector<16xf32>, vector<16xi1> -> vector<16xf32>
          %reduce_max3A_355 = vector.extract %reduce_max3A_354[15] : f32 from vector<16xf32>
          %min3A_356 = arith.minimumf %while3A_268, %reduce_max3A_355 : f32
          %ne3A = vector.broadcast %reduce_max3A_276 : i32 to vector<16xi32>
          %ne3A_357 = arith.cmpi ne, %iota3A, %ne3A : vector<16xi32>
          %and3A_358 = arith.andi %while3A_266, %ne3A_357 : vector<16xi1>
          %le3A_359 = vector.broadcast %min3A_356 : f32 to vector<16xf32>
          %le3A_360 = arith.cmpf ole, %get3A_135, %le3A_359 : vector<16xf32>
          %and3A_361 = arith.andi %and3A_358, %le3A_360 : vector<16xi1>
          scf.yield %and3A_361, %sort3A_350, %min3A_356 : vector<16xi1>, vector<16xf32>, f32
        }
        %add3A_200 = arith.constant 512 : i32
        %add3A_201 = arith.addi %mul3A_126, %add3A_200 : i32
        %le3A_202 = vector.broadcast %while3A_199#2 : f32 to vector<16xf32>
        %le3A_203 = arith.cmpf ole, %get3A_139, %le3A_202 : vector<16xf32>
        %while3A_204:3 = scf.while (%while3A_266 = %le3A_203, %while3A_267 = %while3A_199#1, %while3A_268 = %while3A_199#2) : (vector<16xi1>, vector<16xf32>, f32) -> (vector<16xi1>, vector<16xf32>, f32) {
          %reduce_or3A = arith.constant 1.000000e+00 : f32
          %reduce_or3A_269 = arith.constant 0.000000e+00 : f32
          %reduce_or3A_270 = vector.broadcast %reduce_or3A : f32 to vector<16xf32>
          %reduce_or3A_271 = vector.broadcast %reduce_or3A_269 : f32 to vector<16xf32>
          %reduce_or3A_272 = arith.select %while3A_266, %reduce_or3A_270, %reduce_or3A_271 : vector<16xi1>, vector<16xf32>
          %reduce_or3A_273 = arith.constant true
          %reduce_or3A_274 = vector.broadcast %reduce_or3A_273 : i1 to vector<16xi1>
          %reduce_or3A_275 = tpu.scan <max>, %reduce_or3A_272 masked %reduce_or3A_274 : vector<16xf32>, vector<16xi1> -> vector<16xf32>
          %reduce_or3A_276 = vector.extract %reduce_or3A_275[15] : f32 from vector<16xf32>
          %reduce_or3A_277 = arith.constant 0.000000e+00 : f32
          %reduce_or3A_278 = arith.cmpf ogt, %reduce_or3A_276, %reduce_or3A_277 : f32
          scf.condition(%reduce_or3A_278) %while3A_266, %while3A_267, %while3A_268 : vector<16xi1>, vector<16xf32>, f32
        } do {
        ^bb0(%while3A_266: vector<16xi1>, %while3A_267: vector<16xf32>, %while3A_268: f32):
          %all_reduce_ffs3A = tpu.all_reduce %while3A_266 {dim = 0 : i64, kind = #tpu.reduction_kind<find_first_set>} : vector<16xi1> -> vector<16xi32>
          %reduce_max3A_269 = arith.constant true
          %reduce_max3A_270 = vector.broadcast %reduce_max3A_269 : i1 to vector<16xi1>
          %reduce_max3A_271 = arith.constant -2147483648 : i32
          %reduce_max3A_272 = vector.broadcast %reduce_max3A_271 : i32 to vector<16xi32>
          %reduce_max3A_273 = arith.xori %all_reduce_ffs3A, %reduce_max3A_272 : vector<16xi32>
          %reduce_max3A_274 = tpu.scan <max>, %reduce_max3A_273 masked %reduce_max3A_270 : vector<16xi32>, vector<16xi1> -> vector<16xi32>
          %reduce_max3A_275 = arith.xori %reduce_max3A_274, %reduce_max3A_272 : vector<16xi32>
          %reduce_max3A_276 = vector.extract %reduce_max3A_275[15] : i32 from vector<16xi32>
          %mul3A_277 = arith.constant 16 : i32
          %mul3A_278 = arith.muli %reduce_max3A_276, %mul3A_277 : i32
          %add3A_279 = arith.addi %add3A_201, %mul3A_278 : i32
          %add3A_280 = arith.constant 0 : i32
          %add3A_281 = arith.addi %add3A_279, %add3A_280 : i32
          %get3A_282 = arith.index_cast %add3A_281 : i32 to index
          %get3A_283 = tpu.vector_load %arg8[%get3A_282] {strides = array<i32>} : memref<32768xf32, #tpu.memory_space<vmem>>, vector<16xf32>,
          %sort3A_284 = arith.constant dense<true> : vector<16xi1>
          %sort3A_285, %sort3A_286, %sort3A_287 = tpu.sort %get3A_283, %get3A_283 masked %sort3A_284 : (vector<16xf32>, vector<16xf32>, vector<16xi1>) -> (vector<16xi1>, vector<16xf32>, vector<16xf32>)
          %rev3A_288 = arith.constant 15 : i32
          %rev3A_289 = vector.broadcast %rev3A_288 : i32 to vector<16xi32>
          %rev3A_290 = tpu.iota {dimensions = array<i32: 0>} : vector<16xi32>
          %rev3A_291 = arith.subi %rev3A_289, %rev3A_290 : vector<16xi32>
          %rev3A_292 = tpu.dynamic_gather %sort3A_286[%rev3A_291] in [0] : vector<16xf32>, vector<16xi32> -> vector<16xf32>
          %min3A_293 = arith.minimumf %while3A_267, %rev3A_292 : vector<16xf32>
          %sort3A_294 = arith.constant dense<true> : vector<16xi1>
          %sort3A_295, %sort3A_296, %sort3A_297 = tpu.sort %min3A_293, %min3A_293 masked %sort3A_294 : (vector<16xf32>, vector<16xf32>, vector<16xi1>) -> (vector<16xi1>, vector<16xf32>, vector<16xf32>)
          %add3A_298 = arith.constant 1024 : i32
          %add3A_299 = arith.addi %add3A_279, %add3A_298 : i32
          %get3A_300 = arith.index_cast %add3A_299 : i32 to index
          %get3A_301 = tpu.vector_load %arg8[%get3A_300] {strides = array<i32>} : memref<32768xf32, #tpu.memory_space<vmem>>, vector<16xf32>,
          %sort3A_302 = arith.constant dense<true> : vector<16xi1>
          %sort3A_303, %sort3A_304, %sort3A_305 = tpu.sort %get3A_301, %get3A_301 masked %sort3A_302 : (vector<16xf32>, vector<16xf32>, vector<16xi1>) -> (vector<16xi1>, vector<16xf32>, vector<16xf32>)
          %rev3A_306 = arith.constant 15 : i32
          %rev3A_307 = vector.broadcast %rev3A_306 : i32 to vector<16xi32>
          %rev3A_308 = tpu.iota {dimensions = array<i32: 0>} : vector<16xi32>
          %rev3A_309 = arith.subi %rev3A_307, %rev3A_308 : vector<16xi32>
          %rev3A_310 = tpu.dynamic_gather %sort3A_304[%rev3A_309] in [0] : vector<16xf32>, vector<16xi32> -> vector<16xf32>
          %min3A_311 = arith.minimumf %sort3A_296, %rev3A_310 : vector<16xf32>
          %sort3A_312 = arith.constant dense<true> : vector<16xi1>
          %sort3A_313, %sort3A_314, %sort3A_315 = tpu.sort %min3A_311, %min3A_311 masked %sort3A_312 : (vector<16xf32>, vector<16xf32>, vector<16xi1>) -> (vector<16xi1>, vector<16xf32>, vector<16xf32>)
          %add3A_316 = arith.constant 2048 : i32
          %add3A_317 = arith.addi %add3A_279, %add3A_316 : i32
          %get3A_318 = arith.index_cast %add3A_317 : i32 to index
          %get3A_319 = tpu.vector_load %arg8[%get3A_318] {strides = array<i32>} : memref<32768xf32, #tpu.memory_space<vmem>>, vector<16xf32>,
          %sort3A_320 = arith.constant dense<true> : vector<16xi1>
          %sort3A_321, %sort3A_322, %sort3A_323 = tpu.sort %get3A_319, %get3A_319 masked %sort3A_320 : (vector<16xf32>, vector<16xf32>, vector<16xi1>) -> (vector<16xi1>, vector<16xf32>, vector<16xf32>)
          %rev3A_324 = arith.constant 15 : i32
          %rev3A_325 = vector.broadcast %rev3A_324 : i32 to vector<16xi32>
          %rev3A_326 = tpu.iota {dimensions = array<i32: 0>} : vector<16xi32>
          %rev3A_327 = arith.subi %rev3A_325, %rev3A_326 : vector<16xi32>
          %rev3A_328 = tpu.dynamic_gather %sort3A_322[%rev3A_327] in [0] : vector<16xf32>, vector<16xi32> -> vector<16xf32>
          %min3A_329 = arith.minimumf %sort3A_314, %rev3A_328 : vector<16xf32>
          %sort3A_330 = arith.constant dense<true> : vector<16xi1>
          %sort3A_331, %sort3A_332, %sort3A_333 = tpu.sort %min3A_329, %min3A_329 masked %sort3A_330 : (vector<16xf32>, vector<16xf32>, vector<16xi1>) -> (vector<16xi1>, vector<16xf32>, vector<16xf32>)
          %add3A_334 = arith.constant 3072 : i32
          %add3A_335 = arith.addi %add3A_279, %add3A_334 : i32
          %get3A_336 = arith.index_cast %add3A_335 : i32 to index
          %get3A_337 = tpu.vector_load %arg8[%get3A_336] {strides = array<i32>} : memref<32768xf32, #tpu.memory_space<vmem>>, vector<16xf32>,
          %sort3A_338 = arith.constant dense<true> : vector<16xi1>
          %sort3A_339, %sort3A_340, %sort3A_341 = tpu.sort %get3A_337, %get3A_337 masked %sort3A_338 : (vector<16xf32>, vector<16xf32>, vector<16xi1>) -> (vector<16xi1>, vector<16xf32>, vector<16xf32>)
          %rev3A_342 = arith.constant 15 : i32
          %rev3A_343 = vector.broadcast %rev3A_342 : i32 to vector<16xi32>
          %rev3A_344 = tpu.iota {dimensions = array<i32: 0>} : vector<16xi32>
          %rev3A_345 = arith.subi %rev3A_343, %rev3A_344 : vector<16xi32>
          %rev3A_346 = tpu.dynamic_gather %sort3A_340[%rev3A_345] in [0] : vector<16xf32>, vector<16xi32> -> vector<16xf32>
          %min3A_347 = arith.minimumf %sort3A_332, %rev3A_346 : vector<16xf32>
          %sort3A_348 = arith.constant dense<true> : vector<16xi1>
          %sort3A_349, %sort3A_350, %sort3A_351 = tpu.sort %min3A_347, %min3A_347 masked %sort3A_348 : (vector<16xf32>, vector<16xf32>, vector<16xi1>) -> (vector<16xi1>, vector<16xf32>, vector<16xf32>)
          %reduce_max3A_352 = arith.constant true
          %reduce_max3A_353 = vector.broadcast %reduce_max3A_352 : i1 to vector<16xi1>
          %reduce_max3A_354 = tpu.scan <max>, %sort3A_350 masked %reduce_max3A_353 : vector<16xf32>, vector<16xi1> -> vector<16xf32>
          %reduce_max3A_355 = vector.extract %reduce_max3A_354[15] : f32 from vector<16xf32>
          %min3A_356 = arith.minimumf %while3A_268, %reduce_max3A_355 : f32
          %ne3A = vector.broadcast %reduce_max3A_276 : i32 to vector<16xi32>
          %ne3A_357 = arith.cmpi ne, %iota3A, %ne3A : vector<16xi32>
          %and3A_358 = arith.andi %while3A_266, %ne3A_357 : vector<16xi1>
          %le3A_359 = vector.broadcast %min3A_356 : f32 to vector<16xf32>
          %le3A_360 = arith.cmpf ole, %get3A_139, %le3A_359 : vector<16xf32>
          %and3A_361 = arith.andi %and3A_358, %le3A_360 : vector<16xi1>
          scf.yield %and3A_361, %sort3A_350, %min3A_356 : vector<16xi1>, vector<16xf32>, f32
        }
        %add3A_205 = arith.constant 768 : i32
        %add3A_206 = arith.addi %mul3A_126, %add3A_205 : i32
        %le3A_207 = vector.broadcast %while3A_204#2 : f32 to vector<16xf32>
        %le3A_208 = arith.cmpf ole, %get3A_143, %le3A_207 : vector<16xf32>
        %while3A_209:3 = scf.while (%while3A_266 = %le3A_208, %while3A_267 = %while3A_204#1, %while3A_268 = %while3A_204#2) : (vector<16xi1>, vector<16xf32>, f32) -> (vector<16xi1>, vector<16xf32>, f32) {
          %reduce_or3A = arith.constant 1.000000e+00 : f32
          %reduce_or3A_269 = arith.constant 0.000000e+00 : f32
          %reduce_or3A_270 = vector.broadcast %reduce_or3A : f32 to vector<16xf32>
          %reduce_or3A_271 = vector.broadcast %reduce_or3A_269 : f32 to vector<16xf32>
          %reduce_or3A_272 = arith.select %while3A_266, %reduce_or3A_270, %reduce_or3A_271 : vector<16xi1>, vector<16xf32>
          %reduce_or3A_273 = arith.constant true
          %reduce_or3A_274 = vector.broadcast %reduce_or3A_273 : i1 to vector<16xi1>
          %reduce_or3A_275 = tpu.scan <max>, %reduce_or3A_272 masked %reduce_or3A_274 : vector<16xf32>, vector<16xi1> -> vector<16xf32>
          %reduce_or3A_276 = vector.extract %reduce_or3A_275[15] : f32 from vector<16xf32>
          %reduce_or3A_277 = arith.constant 0.000000e+00 : f32
          %reduce_or3A_278 = arith.cmpf ogt, %reduce_or3A_276, %reduce_or3A_277 : f32
          scf.condition(%reduce_or3A_278) %while3A_266, %while3A_267, %while3A_268 : vector<16xi1>, vector<16xf32>, f32
        } do {
        ^bb0(%while3A_266: vector<16xi1>, %while3A_267: vector<16xf32>, %while3A_268: f32):
          %all_reduce_ffs3A = tpu.all_reduce %while3A_266 {dim = 0 : i64, kind = #tpu.reduction_kind<find_first_set>} : vector<16xi1> -> vector<16xi32>
          %reduce_max3A_269 = arith.constant true
          %reduce_max3A_270 = vector.broadcast %reduce_max3A_269 : i1 to vector<16xi1>
          %reduce_max3A_271 = arith.constant -2147483648 : i32
          %reduce_max3A_272 = vector.broadcast %reduce_max3A_271 : i32 to vector<16xi32>
          %reduce_max3A_273 = arith.xori %all_reduce_ffs3A, %reduce_max3A_272 : vector<16xi32>
          %reduce_max3A_274 = tpu.scan <max>, %reduce_max3A_273 masked %reduce_max3A_270 : vector<16xi32>, vector<16xi1> -> vector<16xi32>
          %reduce_max3A_275 = arith.xori %reduce_max3A_274, %reduce_max3A_272 : vector<16xi32>
          %reduce_max3A_276 = vector.extract %reduce_max3A_275[15] : i32 from vector<16xi32>
          %mul3A_277 = arith.constant 16 : i32
          %mul3A_278 = arith.muli %reduce_max3A_276, %mul3A_277 : i32
          %add3A_279 = arith.addi %add3A_206, %mul3A_278 : i32
          %add3A_280 = arith.constant 0 : i32
          %add3A_281 = arith.addi %add3A_279, %add3A_280 : i32
          %get3A_282 = arith.index_cast %add3A_281 : i32 to index
          %get3A_283 = tpu.vector_load %arg8[%get3A_282] {strides = array<i32>} : memref<32768xf32, #tpu.memory_space<vmem>>, vector<16xf32>,
          %sort3A_284 = arith.constant dense<true> : vector<16xi1>
          %sort3A_285, %sort3A_286, %sort3A_287 = tpu.sort %get3A_283, %get3A_283 masked %sort3A_284 : (vector<16xf32>, vector<16xf32>, vector<16xi1>) -> (vector<16xi1>, vector<16xf32>, vector<16xf32>)
          %rev3A_288 = arith.constant 15 : i32
          %rev3A_289 = vector.broadcast %rev3A_288 : i32 to vector<16xi32>
          %rev3A_290 = tpu.iota {dimensions = array<i32: 0>} : vector<16xi32>
          %rev3A_291 = arith.subi %rev3A_289, %rev3A_290 : vector<16xi32>
          %rev3A_292 = tpu.dynamic_gather %sort3A_286[%rev3A_291] in [0] : vector<16xf32>, vector<16xi32> -> vector<16xf32>
          %min3A_293 = arith.minimumf %while3A_267, %rev3A_292 : vector<16xf32>
          %sort3A_294 = arith.constant dense<true> : vector<16xi1>
          %sort3A_295, %sort3A_296, %sort3A_297 = tpu.sort %min3A_293, %min3A_293 masked %sort3A_294 : (vector<16xf32>, vector<16xf32>, vector<16xi1>) -> (vector<16xi1>, vector<16xf32>, vector<16xf32>)
          %add3A_298 = arith.constant 1024 : i32
          %add3A_299 = arith.addi %add3A_279, %add3A_298 : i32
          %get3A_300 = arith.index_cast %add3A_299 : i32 to index
          %get3A_301 = tpu.vector_load %arg8[%get3A_300] {strides = array<i32>} : memref<32768xf32, #tpu.memory_space<vmem>>, vector<16xf32>,
          %sort3A_302 = arith.constant dense<true> : vector<16xi1>
          %sort3A_303, %sort3A_304, %sort3A_305 = tpu.sort %get3A_301, %get3A_301 masked %sort3A_302 : (vector<16xf32>, vector<16xf32>, vector<16xi1>) -> (vector<16xi1>, vector<16xf32>, vector<16xf32>)
          %rev3A_306 = arith.constant 15 : i32
          %rev3A_307 = vector.broadcast %rev3A_306 : i32 to vector<16xi32>
          %rev3A_308 = tpu.iota {dimensions = array<i32: 0>} : vector<16xi32>
          %rev3A_309 = arith.subi %rev3A_307, %rev3A_308 : vector<16xi32>
          %rev3A_310 = tpu.dynamic_gather %sort3A_304[%rev3A_309] in [0] : vector<16xf32>, vector<16xi32> -> vector<16xf32>
          %min3A_311 = arith.minimumf %sort3A_296, %rev3A_310 : vector<16xf32>
          %sort3A_312 = arith.constant dense<true> : vector<16xi1>
          %sort3A_313, %sort3A_314, %sort3A_315 = tpu.sort %min3A_311, %min3A_311 masked %sort3A_312 : (vector<16xf32>, vector<16xf32>, vector<16xi1>) -> (vector<16xi1>, vector<16xf32>, vector<16xf32>)
          %add3A_316 = arith.constant 2048 : i32
          %add3A_317 = arith.addi %add3A_279, %add3A_316 : i32
          %get3A_318 = arith.index_cast %add3A_317 : i32 to index
          %get3A_319 = tpu.vector_load %arg8[%get3A_318] {strides = array<i32>} : memref<32768xf32, #tpu.memory_space<vmem>>, vector<16xf32>,
          %sort3A_320 = arith.constant dense<true> : vector<16xi1>
          %sort3A_321, %sort3A_322, %sort3A_323 = tpu.sort %get3A_319, %get3A_319 masked %sort3A_320 : (vector<16xf32>, vector<16xf32>, vector<16xi1>) -> (vector<16xi1>, vector<16xf32>, vector<16xf32>)
          %rev3A_324 = arith.constant 15 : i32
          %rev3A_325 = vector.broadcast %rev3A_324 : i32 to vector<16xi32>
          %rev3A_326 = tpu.iota {dimensions = array<i32: 0>} : vector<16xi32>
          %rev3A_327 = arith.subi %rev3A_325, %rev3A_326 : vector<16xi32>
          %rev3A_328 = tpu.dynamic_gather %sort3A_322[%rev3A_327] in [0] : vector<16xf32>, vector<16xi32> -> vector<16xf32>
          %min3A_329 = arith.minimumf %sort3A_314, %rev3A_328 : vector<16xf32>
          %sort3A_330 = arith.constant dense<true> : vector<16xi1>
          %sort3A_331, %sort3A_332, %sort3A_333 = tpu.sort %min3A_329, %min3A_329 masked %sort3A_330 : (vector<16xf32>, vector<16xf32>, vector<16xi1>) -> (vector<16xi1>, vector<16xf32>, vector<16xf32>)
          %add3A_334 = arith.constant 3072 : i32
          %add3A_335 = arith.addi %add3A_279, %add3A_334 : i32
          %get3A_336 = arith.index_cast %add3A_335 : i32 to index
          %get3A_337 = tpu.vector_load %arg8[%get3A_336] {strides = array<i32>} : memref<32768xf32, #tpu.memory_space<vmem>>, vector<16xf32>,
          %sort3A_338 = arith.constant dense<true> : vector<16xi1>
          %sort3A_339, %sort3A_340, %sort3A_341 = tpu.sort %get3A_337, %get3A_337 masked %sort3A_338 : (vector<16xf32>, vector<16xf32>, vector<16xi1>) -> (vector<16xi1>, vector<16xf32>, vector<16xf32>)
          %rev3A_342 = arith.constant 15 : i32
          %rev3A_343 = vector.broadcast %rev3A_342 : i32 to vector<16xi32>
          %rev3A_344 = tpu.iota {dimensions = array<i32: 0>} : vector<16xi32>
          %rev3A_345 = arith.subi %rev3A_343, %rev3A_344 : vector<16xi32>
          %rev3A_346 = tpu.dynamic_gather %sort3A_340[%rev3A_345] in [0] : vector<16xf32>, vector<16xi32> -> vector<16xf32>
          %min3A_347 = arith.minimumf %sort3A_332, %rev3A_346 : vector<16xf32>
          %sort3A_348 = arith.constant dense<true> : vector<16xi1>
          %sort3A_349, %sort3A_350, %sort3A_351 = tpu.sort %min3A_347, %min3A_347 masked %sort3A_348 : (vector<16xf32>, vector<16xf32>, vector<16xi1>) -> (vector<16xi1>, vector<16xf32>, vector<16xf32>)
          %reduce_max3A_352 = arith.constant true
          %reduce_max3A_353 = vector.broadcast %reduce_max3A_352 : i1 to vector<16xi1>
          %reduce_max3A_354 = tpu.scan <max>, %sort3A_350 masked %reduce_max3A_353 : vector<16xf32>, vector<16xi1> -> vector<16xf32>
          %reduce_max3A_355 = vector.extract %reduce_max3A_354[15] : f32 from vector<16xf32>
          %min3A_356 = arith.minimumf %while3A_268, %reduce_max3A_355 : f32
          %ne3A = vector.broadcast %reduce_max3A_276 : i32 to vector<16xi32>
          %ne3A_357 = arith.cmpi ne, %iota3A, %ne3A : vector<16xi32>
          %and3A_358 = arith.andi %while3A_266, %ne3A_357 : vector<16xi1>
          %le3A_359 = vector.broadcast %min3A_356 : f32 to vector<16xf32>
          %le3A_360 = arith.cmpf ole, %get3A_143, %le3A_359 : vector<16xf32>
          %and3A_361 = arith.andi %and3A_358, %le3A_360 : vector<16xi1>
          scf.yield %and3A_361, %sort3A_350, %min3A_356 : vector<16xi1>, vector<16xf32>, f32
        }
        %reduce_max3A_210 = arith.constant true
        %reduce_max3A_211 = vector.broadcast %reduce_max3A_210 : i1 to vector<16xi1>
        %reduce_max3A_212 = tpu.scan <max>, %while3A_209#1 masked %reduce_max3A_211 : vector<16xf32>, vector<16xi1> -> vector<16xf32>
        %reduce_max3A_213 = vector.extract %reduce_max3A_212[15] : f32 from vector<16xf32>
        %broadcast_in_dim3A_214 = arith.constant 0 : i32
        %broadcast_in_dim3A_215 = vector.broadcast %broadcast_in_dim3A_214 : i32 to vector<16xi32>
        %add3A_216 = arith.constant 0 : i32
        %add3A_217 = arith.addi %mul3A_126, %add3A_216 : i32
        %lt3A = vector.broadcast %reduce_max3A_213 : f32 to vector<16xf32>
        %lt3A_218 = arith.cmpf olt, %get3A_131, %lt3A : vector<16xf32>
        %while3A_219:3 = scf.while (%while3A_266 = %lt3A_218, %while3A_267 = %broadcast_in_dim3A_215, %while3A_268 = %broadcast_in_dim3A_215) : (vector<16xi1>, vector<16xi32>, vector<16xi32>) -> (vector<16xi1>, vector<16xi32>, vector<16xi32>) {
          %reduce_or3A = arith.constant 1.000000e+00 : f32
          %reduce_or3A_269 = arith.constant 0.000000e+00 : f32
          %reduce_or3A_270 = vector.broadcast %reduce_or3A : f32 to vector<16xf32>
          %reduce_or3A_271 = vector.broadcast %reduce_or3A_269 : f32 to vector<16xf32>
          %reduce_or3A_272 = arith.select %while3A_266, %reduce_or3A_270, %reduce_or3A_271 : vector<16xi1>, vector<16xf32>
          %reduce_or3A_273 = arith.constant true
          %reduce_or3A_274 = vector.broadcast %reduce_or3A_273 : i1 to vector<16xi1>
          %reduce_or3A_275 = tpu.scan <max>, %reduce_or3A_272 masked %reduce_or3A_274 : vector<16xf32>, vector<16xi1> -> vector<16xf32>
          %reduce_or3A_276 = vector.extract %reduce_or3A_275[15] : f32 from vector<16xf32>
          %reduce_or3A_277 = arith.constant 0.000000e+00 : f32
          %reduce_or3A_278 = arith.cmpf ogt, %reduce_or3A_276, %reduce_or3A_277 : f32
          scf.condition(%reduce_or3A_278) %while3A_266, %while3A_267, %while3A_268 : vector<16xi1>, vector<16xi32>, vector<16xi32>
        } do {
        ^bb0(%while3A_266: vector<16xi1>, %while3A_267: vector<16xi32>, %while3A_268: vector<16xi32>):
          %all_reduce_ffs3A = tpu.all_reduce %while3A_266 {dim = 0 : i64, kind = #tpu.reduction_kind<find_first_set>} : vector<16xi1> -> vector<16xi32>
          %reduce_max3A_269 = arith.constant true
          %reduce_max3A_270 = vector.broadcast %reduce_max3A_269 : i1 to vector<16xi1>
          %reduce_max3A_271 = arith.constant -2147483648 : i32
          %reduce_max3A_272 = vector.broadcast %reduce_max3A_271 : i32 to vector<16xi32>
          %reduce_max3A_273 = arith.xori %all_reduce_ffs3A, %reduce_max3A_272 : vector<16xi32>
          %reduce_max3A_274 = tpu.scan <max>, %reduce_max3A_273 masked %reduce_max3A_270 : vector<16xi32>, vector<16xi1> -> vector<16xi32>
          %reduce_max3A_275 = arith.xori %reduce_max3A_274, %reduce_max3A_272 : vector<16xi32>
          %reduce_max3A_276 = vector.extract %reduce_max3A_275[15] : i32 from vector<16xi32>
          %mul3A_277 = arith.constant 16 : i32
          %mul3A_278 = arith.muli %reduce_max3A_276, %mul3A_277 : i32
          %add3A_279 = arith.addi %add3A_217, %mul3A_278 : i32
          %mul3A_280 = arith.constant 16 : i32
          %mul3A_281 = arith.muli %reduce_max3A_276, %mul3A_280 : i32
          %add3A_282 = arith.constant 0 : i32
          %add3A_283 = arith.addi %add3A_282, %mul3A_281 : i32
          %add3A_284 = arith.constant 0 : i32
          %add3A_285 = arith.addi %add3A_279, %add3A_284 : i32
          %get3A_286 = arith.index_cast %add3A_285 : i32 to index
          %get3A_287 = tpu.vector_load %arg8[%get3A_286] {strides = array<i32>} : memref<32768xf32, #tpu.memory_space<vmem>>, vector<16xf32>,
          %lt3A_288 = vector.broadcast %reduce_max3A_213 : f32 to vector<16xf32>
          %lt3A_289 = arith.cmpf olt, %get3A_287, %lt3A_288 : vector<16xf32>
          %add3A_290 = arith.constant 0 : i32
          %add3A_291 = arith.addi %add3A_283, %add3A_290 : i32
          %get3A_292 = arith.index_cast %add3A_291 : i32 to index
          %get3A_293 = tpu.vector_load %arg11[%get3A_292] {strides = array<i32>} : memref<4096xi32, #tpu.memory_space<vmem>>, vector<16xi32>,
          %select_n3A_294 = arith.select %lt3A_289, %get3A_293, %broadcast_in_dim3A_215 : vector<16xi1>, vector<16xi32>
          %add3A_295 = arith.addi %while3A_267, %select_n3A_294 : vector<16xi32>
          %add3A_296 = arith.constant 0 : i32
          %add3A_297 = arith.addi %add3A_283, %add3A_296 : i32
          %get3A_298 = arith.index_cast %add3A_297 : i32 to index
          %get3A_299 = tpu.vector_load %arg12[%get3A_298] {strides = array<i32>} : memref<4096xi32, #tpu.memory_space<vmem>>, vector<16xi32>,
          %select_n3A_300 = arith.select %lt3A_289, %get3A_299, %broadcast_in_dim3A_215 : vector<16xi1>, vector<16xi32>
          %add3A_301 = arith.addi %while3A_268, %select_n3A_300 : vector<16xi32>
          %add3A_302 = arith.constant 1024 : i32
          %add3A_303 = arith.addi %add3A_279, %add3A_302 : i32
          %get3A_304 = arith.index_cast %add3A_303 : i32 to index
          %get3A_305 = tpu.vector_load %arg8[%get3A_304] {strides = array<i32>} : memref<32768xf32, #tpu.memory_space<vmem>>, vector<16xf32>,
          %lt3A_306 = vector.broadcast %reduce_max3A_213 : f32 to vector<16xf32>
          %lt3A_307 = arith.cmpf olt, %get3A_305, %lt3A_306 : vector<16xf32>
          %add3A_308 = arith.constant 1024 : i32
          %add3A_309 = arith.addi %add3A_283, %add3A_308 : i32
          %get3A_310 = arith.index_cast %add3A_309 : i32 to index
          %get3A_311 = tpu.vector_load %arg11[%get3A_310] {strides = array<i32>} : memref<4096xi32, #tpu.memory_space<vmem>>, vector<16xi32>,
          %select_n3A_312 = arith.select %lt3A_307, %get3A_311, %broadcast_in_dim3A_215 : vector<16xi1>, vector<16xi32>
          %add3A_313 = arith.addi %add3A_295, %select_n3A_312 : vector<16xi32>
          %add3A_314 = arith.constant 1024 : i32
          %add3A_315 = arith.addi %add3A_283, %add3A_314 : i32
          %get3A_316 = arith.index_cast %add3A_315 : i32 to index
          %get3A_317 = tpu.vector_load %arg12[%get3A_316] {strides = array<i32>} : memref<4096xi32, #tpu.memory_space<vmem>>, vector<16xi32>,
          %select_n3A_318 = arith.select %lt3A_307, %get3A_317, %broadcast_in_dim3A_215 : vector<16xi1>, vector<16xi32>
          %add3A_319 = arith.addi %add3A_301, %select_n3A_318 : vector<16xi32>
          %add3A_320 = arith.constant 2048 : i32
          %add3A_321 = arith.addi %add3A_279, %add3A_320 : i32
          %get3A_322 = arith.index_cast %add3A_321 : i32 to index
          %get3A_323 = tpu.vector_load %arg8[%get3A_322] {strides = array<i32>} : memref<32768xf32, #tpu.memory_space<vmem>>, vector<16xf32>,
          %lt3A_324 = vector.broadcast %reduce_max3A_213 : f32 to vector<16xf32>
          %lt3A_325 = arith.cmpf olt, %get3A_323, %lt3A_324 : vector<16xf32>
          %add3A_326 = arith.constant 2048 : i32
          %add3A_327 = arith.addi %add3A_283, %add3A_326 : i32
          %get3A_328 = arith.index_cast %add3A_327 : i32 to index
          %get3A_329 = tpu.vector_load %arg11[%get3A_328] {strides = array<i32>} : memref<4096xi32, #tpu.memory_space<vmem>>, vector<16xi32>,
          %select_n3A_330 = arith.select %lt3A_325, %get3A_329, %broadcast_in_dim3A_215 : vector<16xi1>, vector<16xi32>
          %add3A_331 = arith.addi %add3A_313, %select_n3A_330 : vector<16xi32>
          %add3A_332 = arith.constant 2048 : i32
          %add3A_333 = arith.addi %add3A_283, %add3A_332 : i32
          %get3A_334 = arith.index_cast %add3A_333 : i32 to index
          %get3A_335 = tpu.vector_load %arg12[%get3A_334] {strides = array<i32>} : memref<4096xi32, #tpu.memory_space<vmem>>, vector<16xi32>,
          %select_n3A_336 = arith.select %lt3A_325, %get3A_335, %broadcast_in_dim3A_215 : vector<16xi1>, vector<16xi32>
          %add3A_337 = arith.addi %add3A_319, %select_n3A_336 : vector<16xi32>
          %add3A_338 = arith.constant 3072 : i32
          %add3A_339 = arith.addi %add3A_279, %add3A_338 : i32
          %get3A_340 = arith.index_cast %add3A_339 : i32 to index
          %get3A_341 = tpu.vector_load %arg8[%get3A_340] {strides = array<i32>} : memref<32768xf32, #tpu.memory_space<vmem>>, vector<16xf32>,
          %lt3A_342 = vector.broadcast %reduce_max3A_213 : f32 to vector<16xf32>
          %lt3A_343 = arith.cmpf olt, %get3A_341, %lt3A_342 : vector<16xf32>
          %add3A_344 = arith.constant 3072 : i32
          %add3A_345 = arith.addi %add3A_283, %add3A_344 : i32
          %get3A_346 = arith.index_cast %add3A_345 : i32 to index
          %get3A_347 = tpu.vector_load %arg11[%get3A_346] {strides = array<i32>} : memref<4096xi32, #tpu.memory_space<vmem>>, vector<16xi32>,
          %select_n3A_348 = arith.select %lt3A_343, %get3A_347, %broadcast_in_dim3A_215 : vector<16xi1>, vector<16xi32>
          %add3A_349 = arith.addi %add3A_331, %select_n3A_348 : vector<16xi32>
          %add3A_350 = arith.constant 3072 : i32
          %add3A_351 = arith.addi %add3A_283, %add3A_350 : i32
          %get3A_352 = arith.index_cast %add3A_351 : i32 to index
          %get3A_353 = tpu.vector_load %arg12[%get3A_352] {strides = array<i32>} : memref<4096xi32, #tpu.memory_space<vmem>>, vector<16xi32>,
          %select_n3A_354 = arith.select %lt3A_343, %get3A_353, %broadcast_in_dim3A_215 : vector<16xi1>, vector<16xi32>
          %add3A_355 = arith.addi %add3A_337, %select_n3A_354 : vector<16xi32>
          %ne3A = vector.broadcast %reduce_max3A_276 : i32 to vector<16xi32>
          %ne3A_356 = arith.cmpi ne, %iota3A, %ne3A : vector<16xi32>
          %and3A_357 = arith.andi %while3A_266, %ne3A_356 : vector<16xi1>
          scf.yield %and3A_357, %add3A_349, %add3A_355 : vector<16xi1>, vector<16xi32>, vector<16xi32>
        }
        %add3A_220 = arith.constant 256 : i32
        %add3A_221 = arith.addi %mul3A_126, %add3A_220 : i32
        %lt3A_222 = vector.broadcast %reduce_max3A_213 : f32 to vector<16xf32>
        %lt3A_223 = arith.cmpf olt, %get3A_135, %lt3A_222 : vector<16xf32>
        %while3A_224:3 = scf.while (%while3A_266 = %lt3A_223, %while3A_267 = %while3A_219#1, %while3A_268 = %while3A_219#2) : (vector<16xi1>, vector<16xi32>, vector<16xi32>) -> (vector<16xi1>, vector<16xi32>, vector<16xi32>) {
          %reduce_or3A = arith.constant 1.000000e+00 : f32
          %reduce_or3A_269 = arith.constant 0.000000e+00 : f32
          %reduce_or3A_270 = vector.broadcast %reduce_or3A : f32 to vector<16xf32>
          %reduce_or3A_271 = vector.broadcast %reduce_or3A_269 : f32 to vector<16xf32>
          %reduce_or3A_272 = arith.select %while3A_266, %reduce_or3A_270, %reduce_or3A_271 : vector<16xi1>, vector<16xf32>
          %reduce_or3A_273 = arith.constant true
          %reduce_or3A_274 = vector.broadcast %reduce_or3A_273 : i1 to vector<16xi1>
          %reduce_or3A_275 = tpu.scan <max>, %reduce_or3A_272 masked %reduce_or3A_274 : vector<16xf32>, vector<16xi1> -> vector<16xf32>
          %reduce_or3A_276 = vector.extract %reduce_or3A_275[15] : f32 from vector<16xf32>
          %reduce_or3A_277 = arith.constant 0.000000e+00 : f32
          %reduce_or3A_278 = arith.cmpf ogt, %reduce_or3A_276, %reduce_or3A_277 : f32
          scf.condition(%reduce_or3A_278) %while3A_266, %while3A_267, %while3A_268 : vector<16xi1>, vector<16xi32>, vector<16xi32>
        } do {
        ^bb0(%while3A_266: vector<16xi1>, %while3A_267: vector<16xi32>, %while3A_268: vector<16xi32>):
          %all_reduce_ffs3A = tpu.all_reduce %while3A_266 {dim = 0 : i64, kind = #tpu.reduction_kind<find_first_set>} : vector<16xi1> -> vector<16xi32>
          %reduce_max3A_269 = arith.constant true
          %reduce_max3A_270 = vector.broadcast %reduce_max3A_269 : i1 to vector<16xi1>
          %reduce_max3A_271 = arith.constant -2147483648 : i32
          %reduce_max3A_272 = vector.broadcast %reduce_max3A_271 : i32 to vector<16xi32>
          %reduce_max3A_273 = arith.xori %all_reduce_ffs3A, %reduce_max3A_272 : vector<16xi32>
          %reduce_max3A_274 = tpu.scan <max>, %reduce_max3A_273 masked %reduce_max3A_270 : vector<16xi32>, vector<16xi1> -> vector<16xi32>
          %reduce_max3A_275 = arith.xori %reduce_max3A_274, %reduce_max3A_272 : vector<16xi32>
          %reduce_max3A_276 = vector.extract %reduce_max3A_275[15] : i32 from vector<16xi32>
          %mul3A_277 = arith.constant 16 : i32
          %mul3A_278 = arith.muli %reduce_max3A_276, %mul3A_277 : i32
          %add3A_279 = arith.addi %add3A_221, %mul3A_278 : i32
          %mul3A_280 = arith.constant 16 : i32
          %mul3A_281 = arith.muli %reduce_max3A_276, %mul3A_280 : i32
          %add3A_282 = arith.constant 256 : i32
          %add3A_283 = arith.addi %add3A_282, %mul3A_281 : i32
          %add3A_284 = arith.constant 0 : i32
          %add3A_285 = arith.addi %add3A_279, %add3A_284 : i32
          %get3A_286 = arith.index_cast %add3A_285 : i32 to index
          %get3A_287 = tpu.vector_load %arg8[%get3A_286] {strides = array<i32>} : memref<32768xf32, #tpu.memory_space<vmem>>, vector<16xf32>,
          %lt3A_288 = vector.broadcast %reduce_max3A_213 : f32 to vector<16xf32>
          %lt3A_289 = arith.cmpf olt, %get3A_287, %lt3A_288 : vector<16xf32>
          %add3A_290 = arith.constant 0 : i32
          %add3A_291 = arith.addi %add3A_283, %add3A_290 : i32
          %get3A_292 = arith.index_cast %add3A_291 : i32 to index
          %get3A_293 = tpu.vector_load %arg11[%get3A_292] {strides = array<i32>} : memref<4096xi32, #tpu.memory_space<vmem>>, vector<16xi32>,
          %select_n3A_294 = arith.select %lt3A_289, %get3A_293, %broadcast_in_dim3A_215 : vector<16xi1>, vector<16xi32>
          %add3A_295 = arith.addi %while3A_267, %select_n3A_294 : vector<16xi32>
          %add3A_296 = arith.constant 0 : i32
          %add3A_297 = arith.addi %add3A_283, %add3A_296 : i32
          %get3A_298 = arith.index_cast %add3A_297 : i32 to index
          %get3A_299 = tpu.vector_load %arg12[%get3A_298] {strides = array<i32>} : memref<4096xi32, #tpu.memory_space<vmem>>, vector<16xi32>,
          %select_n3A_300 = arith.select %lt3A_289, %get3A_299, %broadcast_in_dim3A_215 : vector<16xi1>, vector<16xi32>
          %add3A_301 = arith.addi %while3A_268, %select_n3A_300 : vector<16xi32>
          %add3A_302 = arith.constant 1024 : i32
          %add3A_303 = arith.addi %add3A_279, %add3A_302 : i32
          %get3A_304 = arith.index_cast %add3A_303 : i32 to index
          %get3A_305 = tpu.vector_load %arg8[%get3A_304] {strides = array<i32>} : memref<32768xf32, #tpu.memory_space<vmem>>, vector<16xf32>,
          %lt3A_306 = vector.broadcast %reduce_max3A_213 : f32 to vector<16xf32>
          %lt3A_307 = arith.cmpf olt, %get3A_305, %lt3A_306 : vector<16xf32>
          %add3A_308 = arith.constant 1024 : i32
          %add3A_309 = arith.addi %add3A_283, %add3A_308 : i32
          %get3A_310 = arith.index_cast %add3A_309 : i32 to index
          %get3A_311 = tpu.vector_load %arg11[%get3A_310] {strides = array<i32>} : memref<4096xi32, #tpu.memory_space<vmem>>, vector<16xi32>,
          %select_n3A_312 = arith.select %lt3A_307, %get3A_311, %broadcast_in_dim3A_215 : vector<16xi1>, vector<16xi32>
          %add3A_313 = arith.addi %add3A_295, %select_n3A_312 : vector<16xi32>
          %add3A_314 = arith.constant 1024 : i32
          %add3A_315 = arith.addi %add3A_283, %add3A_314 : i32
          %get3A_316 = arith.index_cast %add3A_315 : i32 to index
          %get3A_317 = tpu.vector_load %arg12[%get3A_316] {strides = array<i32>} : memref<4096xi32, #tpu.memory_space<vmem>>, vector<16xi32>,
          %select_n3A_318 = arith.select %lt3A_307, %get3A_317, %broadcast_in_dim3A_215 : vector<16xi1>, vector<16xi32>
          %add3A_319 = arith.addi %add3A_301, %select_n3A_318 : vector<16xi32>
          %add3A_320 = arith.constant 2048 : i32
          %add3A_321 = arith.addi %add3A_279, %add3A_320 : i32
          %get3A_322 = arith.index_cast %add3A_321 : i32 to index
          %get3A_323 = tpu.vector_load %arg8[%get3A_322] {strides = array<i32>} : memref<32768xf32, #tpu.memory_space<vmem>>, vector<16xf32>,
          %lt3A_324 = vector.broadcast %reduce_max3A_213 : f32 to vector<16xf32>
          %lt3A_325 = arith.cmpf olt, %get3A_323, %lt3A_324 : vector<16xf32>
          %add3A_326 = arith.constant 2048 : i32
          %add3A_327 = arith.addi %add3A_283, %add3A_326 : i32
          %get3A_328 = arith.index_cast %add3A_327 : i32 to index
          %get3A_329 = tpu.vector_load %arg11[%get3A_328] {strides = array<i32>} : memref<4096xi32, #tpu.memory_space<vmem>>, vector<16xi32>,
          %select_n3A_330 = arith.select %lt3A_325, %get3A_329, %broadcast_in_dim3A_215 : vector<16xi1>, vector<16xi32>
          %add3A_331 = arith.addi %add3A_313, %select_n3A_330 : vector<16xi32>
          %add3A_332 = arith.constant 2048 : i32
          %add3A_333 = arith.addi %add3A_283, %add3A_332 : i32
          %get3A_334 = arith.index_cast %add3A_333 : i32 to index
          %get3A_335 = tpu.vector_load %arg12[%get3A_334] {strides = array<i32>} : memref<4096xi32, #tpu.memory_space<vmem>>, vector<16xi32>,
          %select_n3A_336 = arith.select %lt3A_325, %get3A_335, %broadcast_in_dim3A_215 : vector<16xi1>, vector<16xi32>
          %add3A_337 = arith.addi %add3A_319, %select_n3A_336 : vector<16xi32>
          %add3A_338 = arith.constant 3072 : i32
          %add3A_339 = arith.addi %add3A_279, %add3A_338 : i32
          %get3A_340 = arith.index_cast %add3A_339 : i32 to index
          %get3A_341 = tpu.vector_load %arg8[%get3A_340] {strides = array<i32>} : memref<32768xf32, #tpu.memory_space<vmem>>, vector<16xf32>,
          %lt3A_342 = vector.broadcast %reduce_max3A_213 : f32 to vector<16xf32>
          %lt3A_343 = arith.cmpf olt, %get3A_341, %lt3A_342 : vector<16xf32>
          %add3A_344 = arith.constant 3072 : i32
          %add3A_345 = arith.addi %add3A_283, %add3A_344 : i32
          %get3A_346 = arith.index_cast %add3A_345 : i32 to index
          %get3A_347 = tpu.vector_load %arg11[%get3A_346] {strides = array<i32>} : memref<4096xi32, #tpu.memory_space<vmem>>, vector<16xi32>,
          %select_n3A_348 = arith.select %lt3A_343, %get3A_347, %broadcast_in_dim3A_215 : vector<16xi1>, vector<16xi32>
          %add3A_349 = arith.addi %add3A_331, %select_n3A_348 : vector<16xi32>
          %add3A_350 = arith.constant 3072 : i32
          %add3A_351 = arith.addi %add3A_283, %add3A_350 : i32
          %get3A_352 = arith.index_cast %add3A_351 : i32 to index
          %get3A_353 = tpu.vector_load %arg12[%get3A_352] {strides = array<i32>} : memref<4096xi32, #tpu.memory_space<vmem>>, vector<16xi32>,
          %select_n3A_354 = arith.select %lt3A_343, %get3A_353, %broadcast_in_dim3A_215 : vector<16xi1>, vector<16xi32>
          %add3A_355 = arith.addi %add3A_337, %select_n3A_354 : vector<16xi32>
          %ne3A = vector.broadcast %reduce_max3A_276 : i32 to vector<16xi32>
          %ne3A_356 = arith.cmpi ne, %iota3A, %ne3A : vector<16xi32>
          %and3A_357 = arith.andi %while3A_266, %ne3A_356 : vector<16xi1>
          scf.yield %and3A_357, %add3A_349, %add3A_355 : vector<16xi1>, vector<16xi32>, vector<16xi32>
        }
        %add3A_225 = arith.constant 512 : i32
        %add3A_226 = arith.addi %mul3A_126, %add3A_225 : i32
        %lt3A_227 = vector.broadcast %reduce_max3A_213 : f32 to vector<16xf32>
        %lt3A_228 = arith.cmpf olt, %get3A_139, %lt3A_227 : vector<16xf32>
        %while3A_229:3 = scf.while (%while3A_266 = %lt3A_228, %while3A_267 = %while3A_224#1, %while3A_268 = %while3A_224#2) : (vector<16xi1>, vector<16xi32>, vector<16xi32>) -> (vector<16xi1>, vector<16xi32>, vector<16xi32>) {
          %reduce_or3A = arith.constant 1.000000e+00 : f32
          %reduce_or3A_269 = arith.constant 0.000000e+00 : f32
          %reduce_or3A_270 = vector.broadcast %reduce_or3A : f32 to vector<16xf32>
          %reduce_or3A_271 = vector.broadcast %reduce_or3A_269 : f32 to vector<16xf32>
          %reduce_or3A_272 = arith.select %while3A_266, %reduce_or3A_270, %reduce_or3A_271 : vector<16xi1>, vector<16xf32>
          %reduce_or3A_273 = arith.constant true
          %reduce_or3A_274 = vector.broadcast %reduce_or3A_273 : i1 to vector<16xi1>
          %reduce_or3A_275 = tpu.scan <max>, %reduce_or3A_272 masked %reduce_or3A_274 : vector<16xf32>, vector<16xi1> -> vector<16xf32>
          %reduce_or3A_276 = vector.extract %reduce_or3A_275[15] : f32 from vector<16xf32>
          %reduce_or3A_277 = arith.constant 0.000000e+00 : f32
          %reduce_or3A_278 = arith.cmpf ogt, %reduce_or3A_276, %reduce_or3A_277 : f32
          scf.condition(%reduce_or3A_278) %while3A_266, %while3A_267, %while3A_268 : vector<16xi1>, vector<16xi32>, vector<16xi32>
        } do {
        ^bb0(%while3A_266: vector<16xi1>, %while3A_267: vector<16xi32>, %while3A_268: vector<16xi32>):
          %all_reduce_ffs3A = tpu.all_reduce %while3A_266 {dim = 0 : i64, kind = #tpu.reduction_kind<find_first_set>} : vector<16xi1> -> vector<16xi32>
          %reduce_max3A_269 = arith.constant true
          %reduce_max3A_270 = vector.broadcast %reduce_max3A_269 : i1 to vector<16xi1>
          %reduce_max3A_271 = arith.constant -2147483648 : i32
          %reduce_max3A_272 = vector.broadcast %reduce_max3A_271 : i32 to vector<16xi32>
          %reduce_max3A_273 = arith.xori %all_reduce_ffs3A, %reduce_max3A_272 : vector<16xi32>
          %reduce_max3A_274 = tpu.scan <max>, %reduce_max3A_273 masked %reduce_max3A_270 : vector<16xi32>, vector<16xi1> -> vector<16xi32>
          %reduce_max3A_275 = arith.xori %reduce_max3A_274, %reduce_max3A_272 : vector<16xi32>
          %reduce_max3A_276 = vector.extract %reduce_max3A_275[15] : i32 from vector<16xi32>
          %mul3A_277 = arith.constant 16 : i32
          %mul3A_278 = arith.muli %reduce_max3A_276, %mul3A_277 : i32
          %add3A_279 = arith.addi %add3A_226, %mul3A_278 : i32
          %mul3A_280 = arith.constant 16 : i32
          %mul3A_281 = arith.muli %reduce_max3A_276, %mul3A_280 : i32
          %add3A_282 = arith.constant 512 : i32
          %add3A_283 = arith.addi %add3A_282, %mul3A_281 : i32
          %add3A_284 = arith.constant 0 : i32
          %add3A_285 = arith.addi %add3A_279, %add3A_284 : i32
          %get3A_286 = arith.index_cast %add3A_285 : i32 to index
          %get3A_287 = tpu.vector_load %arg8[%get3A_286] {strides = array<i32>} : memref<32768xf32, #tpu.memory_space<vmem>>, vector<16xf32>,
          %lt3A_288 = vector.broadcast %reduce_max3A_213 : f32 to vector<16xf32>
          %lt3A_289 = arith.cmpf olt, %get3A_287, %lt3A_288 : vector<16xf32>
          %add3A_290 = arith.constant 0 : i32
          %add3A_291 = arith.addi %add3A_283, %add3A_290 : i32
          %get3A_292 = arith.index_cast %add3A_291 : i32 to index
          %get3A_293 = tpu.vector_load %arg11[%get3A_292] {strides = array<i32>} : memref<4096xi32, #tpu.memory_space<vmem>>, vector<16xi32>,
          %select_n3A_294 = arith.select %lt3A_289, %get3A_293, %broadcast_in_dim3A_215 : vector<16xi1>, vector<16xi32>
          %add3A_295 = arith.addi %while3A_267, %select_n3A_294 : vector<16xi32>
          %add3A_296 = arith.constant 0 : i32
          %add3A_297 = arith.addi %add3A_283, %add3A_296 : i32
          %get3A_298 = arith.index_cast %add3A_297 : i32 to index
          %get3A_299 = tpu.vector_load %arg12[%get3A_298] {strides = array<i32>} : memref<4096xi32, #tpu.memory_space<vmem>>, vector<16xi32>,
          %select_n3A_300 = arith.select %lt3A_289, %get3A_299, %broadcast_in_dim3A_215 : vector<16xi1>, vector<16xi32>
          %add3A_301 = arith.addi %while3A_268, %select_n3A_300 : vector<16xi32>
          %add3A_302 = arith.constant 1024 : i32
          %add3A_303 = arith.addi %add3A_279, %add3A_302 : i32
          %get3A_304 = arith.index_cast %add3A_303 : i32 to index
          %get3A_305 = tpu.vector_load %arg8[%get3A_304] {strides = array<i32>} : memref<32768xf32, #tpu.memory_space<vmem>>, vector<16xf32>,
          %lt3A_306 = vector.broadcast %reduce_max3A_213 : f32 to vector<16xf32>
          %lt3A_307 = arith.cmpf olt, %get3A_305, %lt3A_306 : vector<16xf32>
          %add3A_308 = arith.constant 1024 : i32
          %add3A_309 = arith.addi %add3A_283, %add3A_308 : i32
          %get3A_310 = arith.index_cast %add3A_309 : i32 to index
          %get3A_311 = tpu.vector_load %arg11[%get3A_310] {strides = array<i32>} : memref<4096xi32, #tpu.memory_space<vmem>>, vector<16xi32>,
          %select_n3A_312 = arith.select %lt3A_307, %get3A_311, %broadcast_in_dim3A_215 : vector<16xi1>, vector<16xi32>
          %add3A_313 = arith.addi %add3A_295, %select_n3A_312 : vector<16xi32>
          %add3A_314 = arith.constant 1024 : i32
          %add3A_315 = arith.addi %add3A_283, %add3A_314 : i32
          %get3A_316 = arith.index_cast %add3A_315 : i32 to index
          %get3A_317 = tpu.vector_load %arg12[%get3A_316] {strides = array<i32>} : memref<4096xi32, #tpu.memory_space<vmem>>, vector<16xi32>,
          %select_n3A_318 = arith.select %lt3A_307, %get3A_317, %broadcast_in_dim3A_215 : vector<16xi1>, vector<16xi32>
          %add3A_319 = arith.addi %add3A_301, %select_n3A_318 : vector<16xi32>
          %add3A_320 = arith.constant 2048 : i32
          %add3A_321 = arith.addi %add3A_279, %add3A_320 : i32
          %get3A_322 = arith.index_cast %add3A_321 : i32 to index
          %get3A_323 = tpu.vector_load %arg8[%get3A_322] {strides = array<i32>} : memref<32768xf32, #tpu.memory_space<vmem>>, vector<16xf32>,
          %lt3A_324 = vector.broadcast %reduce_max3A_213 : f32 to vector<16xf32>
          %lt3A_325 = arith.cmpf olt, %get3A_323, %lt3A_324 : vector<16xf32>
          %add3A_326 = arith.constant 2048 : i32
          %add3A_327 = arith.addi %add3A_283, %add3A_326 : i32
          %get3A_328 = arith.index_cast %add3A_327 : i32 to index
          %get3A_329 = tpu.vector_load %arg11[%get3A_328] {strides = array<i32>} : memref<4096xi32, #tpu.memory_space<vmem>>, vector<16xi32>,
          %select_n3A_330 = arith.select %lt3A_325, %get3A_329, %broadcast_in_dim3A_215 : vector<16xi1>, vector<16xi32>
          %add3A_331 = arith.addi %add3A_313, %select_n3A_330 : vector<16xi32>
          %add3A_332 = arith.constant 2048 : i32
          %add3A_333 = arith.addi %add3A_283, %add3A_332 : i32
          %get3A_334 = arith.index_cast %add3A_333 : i32 to index
          %get3A_335 = tpu.vector_load %arg12[%get3A_334] {strides = array<i32>} : memref<4096xi32, #tpu.memory_space<vmem>>, vector<16xi32>,
          %select_n3A_336 = arith.select %lt3A_325, %get3A_335, %broadcast_in_dim3A_215 : vector<16xi1>, vector<16xi32>
          %add3A_337 = arith.addi %add3A_319, %select_n3A_336 : vector<16xi32>
          %add3A_338 = arith.constant 3072 : i32
          %add3A_339 = arith.addi %add3A_279, %add3A_338 : i32
          %get3A_340 = arith.index_cast %add3A_339 : i32 to index
          %get3A_341 = tpu.vector_load %arg8[%get3A_340] {strides = array<i32>} : memref<32768xf32, #tpu.memory_space<vmem>>, vector<16xf32>,
          %lt3A_342 = vector.broadcast %reduce_max3A_213 : f32 to vector<16xf32>
          %lt3A_343 = arith.cmpf olt, %get3A_341, %lt3A_342 : vector<16xf32>
          %add3A_344 = arith.constant 3072 : i32
          %add3A_345 = arith.addi %add3A_283, %add3A_344 : i32
          %get3A_346 = arith.index_cast %add3A_345 : i32 to index
          %get3A_347 = tpu.vector_load %arg11[%get3A_346] {strides = array<i32>} : memref<4096xi32, #tpu.memory_space<vmem>>, vector<16xi32>,
          %select_n3A_348 = arith.select %lt3A_343, %get3A_347, %broadcast_in_dim3A_215 : vector<16xi1>, vector<16xi32>
          %add3A_349 = arith.addi %add3A_331, %select_n3A_348 : vector<16xi32>
          %add3A_350 = arith.constant 3072 : i32
          %add3A_351 = arith.addi %add3A_283, %add3A_350 : i32
          %get3A_352 = arith.index_cast %add3A_351 : i32 to index
          %get3A_353 = tpu.vector_load %arg12[%get3A_352] {strides = array<i32>} : memref<4096xi32, #tpu.memory_space<vmem>>, vector<16xi32>,
          %select_n3A_354 = arith.select %lt3A_343, %get3A_353, %broadcast_in_dim3A_215 : vector<16xi1>, vector<16xi32>
          %add3A_355 = arith.addi %add3A_337, %select_n3A_354 : vector<16xi32>
          %ne3A = vector.broadcast %reduce_max3A_276 : i32 to vector<16xi32>
          %ne3A_356 = arith.cmpi ne, %iota3A, %ne3A : vector<16xi32>
          %and3A_357 = arith.andi %while3A_266, %ne3A_356 : vector<16xi1>
          scf.yield %and3A_357, %add3A_349, %add3A_355 : vector<16xi1>, vector<16xi32>, vector<16xi32>
        }
        %add3A_230 = arith.constant 768 : i32
        %add3A_231 = arith.addi %mul3A_126, %add3A_230 : i32
        %lt3A_232 = vector.broadcast %reduce_max3A_213 : f32 to vector<16xf32>
        %lt3A_233 = arith.cmpf olt, %get3A_143, %lt3A_232 : vector<16xf32>
        %while3A_234:3 = scf.while (%while3A_266 = %lt3A_233, %while3A_267 = %while3A_229#1, %while3A_268 = %while3A_229#2) : (vector<16xi1>, vector<16xi32>, vector<16xi32>) -> (vector<16xi1>, vector<16xi32>, vector<16xi32>) {
          %reduce_or3A = arith.constant 1.000000e+00 : f32
          %reduce_or3A_269 = arith.constant 0.000000e+00 : f32
          %reduce_or3A_270 = vector.broadcast %reduce_or3A : f32 to vector<16xf32>
          %reduce_or3A_271 = vector.broadcast %reduce_or3A_269 : f32 to vector<16xf32>
          %reduce_or3A_272 = arith.select %while3A_266, %reduce_or3A_270, %reduce_or3A_271 : vector<16xi1>, vector<16xf32>
          %reduce_or3A_273 = arith.constant true
          %reduce_or3A_274 = vector.broadcast %reduce_or3A_273 : i1 to vector<16xi1>
          %reduce_or3A_275 = tpu.scan <max>, %reduce_or3A_272 masked %reduce_or3A_274 : vector<16xf32>, vector<16xi1> -> vector<16xf32>
          %reduce_or3A_276 = vector.extract %reduce_or3A_275[15] : f32 from vector<16xf32>
          %reduce_or3A_277 = arith.constant 0.000000e+00 : f32
          %reduce_or3A_278 = arith.cmpf ogt, %reduce_or3A_276, %reduce_or3A_277 : f32
          scf.condition(%reduce_or3A_278) %while3A_266, %while3A_267, %while3A_268 : vector<16xi1>, vector<16xi32>, vector<16xi32>
        } do {
        ^bb0(%while3A_266: vector<16xi1>, %while3A_267: vector<16xi32>, %while3A_268: vector<16xi32>):
          %all_reduce_ffs3A = tpu.all_reduce %while3A_266 {dim = 0 : i64, kind = #tpu.reduction_kind<find_first_set>} : vector<16xi1> -> vector<16xi32>
          %reduce_max3A_269 = arith.constant true
          %reduce_max3A_270 = vector.broadcast %reduce_max3A_269 : i1 to vector<16xi1>
          %reduce_max3A_271 = arith.constant -2147483648 : i32
          %reduce_max3A_272 = vector.broadcast %reduce_max3A_271 : i32 to vector<16xi32>
          %reduce_max3A_273 = arith.xori %all_reduce_ffs3A, %reduce_max3A_272 : vector<16xi32>
          %reduce_max3A_274 = tpu.scan <max>, %reduce_max3A_273 masked %reduce_max3A_270 : vector<16xi32>, vector<16xi1> -> vector<16xi32>
          %reduce_max3A_275 = arith.xori %reduce_max3A_274, %reduce_max3A_272 : vector<16xi32>
          %reduce_max3A_276 = vector.extract %reduce_max3A_275[15] : i32 from vector<16xi32>
          %mul3A_277 = arith.constant 16 : i32
          %mul3A_278 = arith.muli %reduce_max3A_276, %mul3A_277 : i32
          %add3A_279 = arith.addi %add3A_231, %mul3A_278 : i32
          %mul3A_280 = arith.constant 16 : i32
          %mul3A_281 = arith.muli %reduce_max3A_276, %mul3A_280 : i32
          %add3A_282 = arith.constant 768 : i32
          %add3A_283 = arith.addi %add3A_282, %mul3A_281 : i32
          %add3A_284 = arith.constant 0 : i32
          %add3A_285 = arith.addi %add3A_279, %add3A_284 : i32
          %get3A_286 = arith.index_cast %add3A_285 : i32 to index
          %get3A_287 = tpu.vector_load %arg8[%get3A_286] {strides = array<i32>} : memref<32768xf32, #tpu.memory_space<vmem>>, vector<16xf32>,
          %lt3A_288 = vector.broadcast %reduce_max3A_213 : f32 to vector<16xf32>
          %lt3A_289 = arith.cmpf olt, %get3A_287, %lt3A_288 : vector<16xf32>
          %add3A_290 = arith.constant 0 : i32
          %add3A_291 = arith.addi %add3A_283, %add3A_290 : i32
          %get3A_292 = arith.index_cast %add3A_291 : i32 to index
          %get3A_293 = tpu.vector_load %arg11[%get3A_292] {strides = array<i32>} : memref<4096xi32, #tpu.memory_space<vmem>>, vector<16xi32>,
          %select_n3A_294 = arith.select %lt3A_289, %get3A_293, %broadcast_in_dim3A_215 : vector<16xi1>, vector<16xi32>
          %add3A_295 = arith.addi %while3A_267, %select_n3A_294 : vector<16xi32>
          %add3A_296 = arith.constant 0 : i32
          %add3A_297 = arith.addi %add3A_283, %add3A_296 : i32
          %get3A_298 = arith.index_cast %add3A_297 : i32 to index
          %get3A_299 = tpu.vector_load %arg12[%get3A_298] {strides = array<i32>} : memref<4096xi32, #tpu.memory_space<vmem>>, vector<16xi32>,
          %select_n3A_300 = arith.select %lt3A_289, %get3A_299, %broadcast_in_dim3A_215 : vector<16xi1>, vector<16xi32>
          %add3A_301 = arith.addi %while3A_268, %select_n3A_300 : vector<16xi32>
          %add3A_302 = arith.constant 1024 : i32
          %add3A_303 = arith.addi %add3A_279, %add3A_302 : i32
          %get3A_304 = arith.index_cast %add3A_303 : i32 to index
          %get3A_305 = tpu.vector_load %arg8[%get3A_304] {strides = array<i32>} : memref<32768xf32, #tpu.memory_space<vmem>>, vector<16xf32>,
          %lt3A_306 = vector.broadcast %reduce_max3A_213 : f32 to vector<16xf32>
          %lt3A_307 = arith.cmpf olt, %get3A_305, %lt3A_306 : vector<16xf32>
          %add3A_308 = arith.constant 1024 : i32
          %add3A_309 = arith.addi %add3A_283, %add3A_308 : i32
          %get3A_310 = arith.index_cast %add3A_309 : i32 to index
          %get3A_311 = tpu.vector_load %arg11[%get3A_310] {strides = array<i32>} : memref<4096xi32, #tpu.memory_space<vmem>>, vector<16xi32>,
          %select_n3A_312 = arith.select %lt3A_307, %get3A_311, %broadcast_in_dim3A_215 : vector<16xi1>, vector<16xi32>
          %add3A_313 = arith.addi %add3A_295, %select_n3A_312 : vector<16xi32>
          %add3A_314 = arith.constant 1024 : i32
          %add3A_315 = arith.addi %add3A_283, %add3A_314 : i32
          %get3A_316 = arith.index_cast %add3A_315 : i32 to index
          %get3A_317 = tpu.vector_load %arg12[%get3A_316] {strides = array<i32>} : memref<4096xi32, #tpu.memory_space<vmem>>, vector<16xi32>,
          %select_n3A_318 = arith.select %lt3A_307, %get3A_317, %broadcast_in_dim3A_215 : vector<16xi1>, vector<16xi32>
          %add3A_319 = arith.addi %add3A_301, %select_n3A_318 : vector<16xi32>
          %add3A_320 = arith.constant 2048 : i32
          %add3A_321 = arith.addi %add3A_279, %add3A_320 : i32
          %get3A_322 = arith.index_cast %add3A_321 : i32 to index
          %get3A_323 = tpu.vector_load %arg8[%get3A_322] {strides = array<i32>} : memref<32768xf32, #tpu.memory_space<vmem>>, vector<16xf32>,
          %lt3A_324 = vector.broadcast %reduce_max3A_213 : f32 to vector<16xf32>
          %lt3A_325 = arith.cmpf olt, %get3A_323, %lt3A_324 : vector<16xf32>
          %add3A_326 = arith.constant 2048 : i32
          %add3A_327 = arith.addi %add3A_283, %add3A_326 : i32
          %get3A_328 = arith.index_cast %add3A_327 : i32 to index
          %get3A_329 = tpu.vector_load %arg11[%get3A_328] {strides = array<i32>} : memref<4096xi32, #tpu.memory_space<vmem>>, vector<16xi32>,
          %select_n3A_330 = arith.select %lt3A_325, %get3A_329, %broadcast_in_dim3A_215 : vector<16xi1>, vector<16xi32>
          %add3A_331 = arith.addi %add3A_313, %select_n3A_330 : vector<16xi32>
          %add3A_332 = arith.constant 2048 : i32
          %add3A_333 = arith.addi %add3A_283, %add3A_332 : i32
          %get3A_334 = arith.index_cast %add3A_333 : i32 to index
          %get3A_335 = tpu.vector_load %arg12[%get3A_334] {strides = array<i32>} : memref<4096xi32, #tpu.memory_space<vmem>>, vector<16xi32>,
          %select_n3A_336 = arith.select %lt3A_325, %get3A_335, %broadcast_in_dim3A_215 : vector<16xi1>, vector<16xi32>
          %add3A_337 = arith.addi %add3A_319, %select_n3A_336 : vector<16xi32>
          %add3A_338 = arith.constant 3072 : i32
          %add3A_339 = arith.addi %add3A_279, %add3A_338 : i32
          %get3A_340 = arith.index_cast %add3A_339 : i32 to index
          %get3A_341 = tpu.vector_load %arg8[%get3A_340] {strides = array<i32>} : memref<32768xf32, #tpu.memory_space<vmem>>, vector<16xf32>,
          %lt3A_342 = vector.broadcast %reduce_max3A_213 : f32 to vector<16xf32>
          %lt3A_343 = arith.cmpf olt, %get3A_341, %lt3A_342 : vector<16xf32>
          %add3A_344 = arith.constant 3072 : i32
          %add3A_345 = arith.addi %add3A_283, %add3A_344 : i32
          %get3A_346 = arith.index_cast %add3A_345 : i32 to index
          %get3A_347 = tpu.vector_load %arg11[%get3A_346] {strides = array<i32>} : memref<4096xi32, #tpu.memory_space<vmem>>, vector<16xi32>,
          %select_n3A_348 = arith.select %lt3A_343, %get3A_347, %broadcast_in_dim3A_215 : vector<16xi1>, vector<16xi32>
          %add3A_349 = arith.addi %add3A_331, %select_n3A_348 : vector<16xi32>
          %add3A_350 = arith.constant 3072 : i32
          %add3A_351 = arith.addi %add3A_283, %add3A_350 : i32
          %get3A_352 = arith.index_cast %add3A_351 : i32 to index
          %get3A_353 = tpu.vector_load %arg12[%get3A_352] {strides = array<i32>} : memref<4096xi32, #tpu.memory_space<vmem>>, vector<16xi32>,
          %select_n3A_354 = arith.select %lt3A_343, %get3A_353, %broadcast_in_dim3A_215 : vector<16xi1>, vector<16xi32>
          %add3A_355 = arith.addi %add3A_337, %select_n3A_354 : vector<16xi32>
          %ne3A = vector.broadcast %reduce_max3A_276 : i32 to vector<16xi32>
          %ne3A_356 = arith.cmpi ne, %iota3A, %ne3A : vector<16xi32>
          %and3A_357 = arith.andi %while3A_266, %ne3A_356 : vector<16xi1>
          scf.yield %and3A_357, %add3A_349, %add3A_355 : vector<16xi1>, vector<16xi32>, vector<16xi32>
        }
        %reduce_sum3A = arith.constant true
        %reduce_sum3A_235 = vector.broadcast %reduce_sum3A : i1 to vector<16xi1>
        %reduce_sum3A_236 = tpu.scan <sum>, %while3A_234#1 masked %reduce_sum3A_235 : vector<16xi32>, vector<16xi1> -> vector<16xi32>
        %reduce_sum3A_237 = vector.extract %reduce_sum3A_236[15] : i32 from vector<16xi32>
        %reduce_sum3A_238 = arith.constant true
        %reduce_sum3A_239 = vector.broadcast %reduce_sum3A_238 : i1 to vector<16xi1>
        %reduce_sum3A_240 = tpu.scan <sum>, %while3A_234#2 masked %reduce_sum3A_239 : vector<16xi32>, vector<16xi1> -> vector<16xi32>
        %reduce_sum3A_241 = vector.extract %reduce_sum3A_240[15] : i32 from vector<16xi32>
        %and3A = arith.constant 7 : i32
        %and3A_242 = vector.broadcast %and3A : i32 to vector<16xi32>
        %and3A_243 = arith.andi %iota3A, %and3A_242 : vector<16xi32>
        %mul3A_244 = arith.constant 4 : i32
        %mul3A_245 = vector.broadcast %mul3A_244 : i32 to vector<16xi32>
        %mul3A_246 = arith.muli %mul3A_245, %and3A_243 : vector<16xi32>
        %shift_right_arithmetic3A = vector.broadcast %reduce_sum3A_237 : i32 to vector<16xi32>
        %shift_right_arithmetic3A_247 = arith.shrsi %shift_right_arithmetic3A, %mul3A_246 : vector<16xi32>
        %and3A_248 = arith.constant 15 : i32
        %and3A_249 = vector.broadcast %and3A_248 : i32 to vector<16xi32>
        %and3A_250 = arith.andi %shift_right_arithmetic3A_247, %and3A_249 : vector<16xi32>
        %shift_right_arithmetic3A_251 = vector.broadcast %reduce_sum3A_241 : i32 to vector<16xi32>
        %shift_right_arithmetic3A_252 = arith.shrsi %shift_right_arithmetic3A_251, %mul3A_246 : vector<16xi32>
        %and3A_253 = arith.constant 15 : i32
        %and3A_254 = vector.broadcast %and3A_253 : i32 to vector<16xi32>
        %and3A_255 = arith.andi %shift_right_arithmetic3A_252, %and3A_254 : vector<16xi32>
        %lt3A_256 = arith.constant 8 : i32
        %lt3A_257 = vector.broadcast %lt3A_256 : i32 to vector<16xi32>
        %lt3A_258 = arith.cmpi slt, %iota3A, %lt3A_257 : vector<16xi32>
        %select_n3A = arith.select %lt3A_258, %and3A_250, %and3A_255 : vector<16xi1>, vector<16xi32>
        %convert_element_type3A = arith.sitofp %select_n3A : vector<16xi32> to vector<16xf32>
        %mul3A_259 = arith.constant 8 : i32
        %mul3A_260 = arith.muli %add3A_91, %mul3A_259 : i32
        %add3A_261 = arith.addi %mul3A_260, %scan3A_123 : i32
        %mul3A_262 = arith.constant 16 : i32
        %mul3A_263 = arith.muli %add3A_261, %mul3A_262 : i32
        %swap3A = arith.index_cast %mul3A_263 : i32 to index
        %swap3A_264 = tpu.vector_load %arg13[%swap3A] {strides = array<i32>} : memref<2048xf32, #tpu.memory_space<vmem>>, vector<16xf32>,
        tpu.vector_store %arg13[%swap3A], %convert_element_type3A {strides = array<i32>} : memref<2048xf32, #tpu.memory_space<vmem>>, vector<16xf32>,
        %scan3A_265 = arith.constant 0 : i32
        scf.yield %scan3A_265 : i32
      }
      %scan3A_106 = arith.constant 8 : i32
      %add3A_107 = arith.constant 2 : i32
      %add3A_108 = arith.addi %add3A_91, %add3A_107 : i32
      %min3A_109 = arith.constant 15 : i32
      %min3A_110 = arith.minsi %add3A_108, %min3A_109 : i32
      %mul3A_111 = arith.constant 8 : i32
      %mul3A_112 = arith.muli %min3A_110, %mul3A_111 : i32
      %add3A_113 = arith.addi %mul3A_2, %mul3A_112 : i32
      %mul3A_114 = arith.constant 4096 : i32
      %mul3A_115 = arith.muli %add3A_113, %mul3A_114 : i32
      %dma_start3A_116 = tpu.memref_slice %arg2[%mul3A_115] : memref<16777216xf32, #tpu.memory_space<hbm>> -> memref<32768xf32, #tpu.memory_space<hbm>>
      %dma_start3A_117 = tpu.memref_slice %arg2[%mul3A_115] : memref<16777216xf32, #tpu.memory_space<hbm>> -> memref<32768xf32, #tpu.memory_space<hbm>>
      tpu.enqueue_dma source(%dma_start3A_117 : memref<32768xf32, #tpu.memory_space<hbm>>) target(%arg8 : memref<32768xf32, #tpu.memory_space<vmem>>) target_semaphore(%arg15 : memref<!tpu.dma_semaphore, #tpu.memory_space<semaphore_mem>>)
      %mul3A_118 = arith.constant 64 : i32
      %mul3A_119 = arith.muli %add3A_113, %mul3A_118 : i32
      %dma_start3A_120 = tpu.memref_slice %arg3[%mul3A_119] : memref<262144xf32, #tpu.memory_space<hbm>> -> memref<512xf32, #tpu.memory_space<hbm>>
      %dma_start3A_121 = tpu.memref_slice %arg3[%mul3A_119] : memref<262144xf32, #tpu.memory_space<hbm>> -> memref<512xf32, #tpu.memory_space<hbm>>
      tpu.enqueue_dma source(%dma_start3A_121 : memref<512xf32, #tpu.memory_space<hbm>>) target(%arg10 : memref<512xf32, #tpu.memory_space<vmem>>) target_semaphore(%arg15 : memref<!tpu.dma_semaphore, #tpu.memory_space<semaphore_mem>>)
      %scan3A_122 = arith.constant 0 : i32
      scf.yield %scan3A_122 : i32
    }
    %scan3A_34 = arith.constant 8 : i32
    %dma_wait3A = arith.constant 0 : i32
    %dma_wait3A_35 = tpu.memref_slice %arg2[%dma_wait3A] : memref<16777216xf32, #tpu.memory_space<hbm>> -> memref<32768xf32, #tpu.memory_space<hbm>>
    %dma_wait3A_36 = arith.constant 0 : i32
    %dma_wait3A_37 = tpu.memref_slice %arg2[%dma_wait3A_36] : memref<16777216xf32, #tpu.memory_space<hbm>> -> memref<32768xf32, #tpu.memory_space<hbm>>
    tpu.wait_dma2 semaphore(%arg14 : memref<!tpu.dma_semaphore, #tpu.memory_space<semaphore_mem>>) src(%dma_wait3A_37 : memref<32768xf32, #tpu.memory_space<hbm>>) dst(%arg7 : memref<32768xf32, #tpu.memory_space<vmem>>)
    %dma_wait3A_38 = arith.constant 0 : i32
    %dma_wait3A_39 = tpu.memref_slice %arg3[%dma_wait3A_38] : memref<262144xf32, #tpu.memory_space<hbm>> -> memref<512xf32, #tpu.memory_space<hbm>>
    %dma_wait3A_40 = arith.constant 0 : i32
    %dma_wait3A_41 = tpu.memref_slice %arg3[%dma_wait3A_40] : memref<262144xf32, #tpu.memory_space<hbm>> -> memref<512xf32, #tpu.memory_space<hbm>>
    tpu.wait_dma2 semaphore(%arg14 : memref<!tpu.dma_semaphore, #tpu.memory_space<semaphore_mem>>) src(%dma_wait3A_41 : memref<512xf32, #tpu.memory_space<hbm>>) dst(%arg9 : memref<512xf32, #tpu.memory_space<vmem>>)
    %dma_wait3A_42 = arith.constant 0 : i32
    %dma_wait3A_43 = tpu.memref_slice %arg2[%dma_wait3A_42] : memref<16777216xf32, #tpu.memory_space<hbm>> -> memref<32768xf32, #tpu.memory_space<hbm>>
    %dma_wait3A_44 = arith.constant 0 : i32
    %dma_wait3A_45 = tpu.memref_slice %arg2[%dma_wait3A_44] : memref<16777216xf32, #tpu.memory_space<hbm>> -> memref<32768xf32, #tpu.memory_space<hbm>>
    tpu.wait_dma2 semaphore(%arg15 : memref<!tpu.dma_semaphore, #tpu.memory_space<semaphore_mem>>) src(%dma_wait3A_45 : memref<32768xf32, #tpu.memory_space<hbm>>) dst(%arg8 : memref<32768xf32, #tpu.memory_space<vmem>>)
    %dma_wait3A_46 = arith.constant 0 : i32
    %dma_wait3A_47 = tpu.memref_slice %arg3[%dma_wait3A_46] : memref<262144xf32, #tpu.memory_space<hbm>> -> memref<512xf32, #tpu.memory_space<hbm>>
    %dma_wait3A_48 = arith.constant 0 : i32
    %dma_wait3A_49 = tpu.memref_slice %arg3[%dma_wait3A_48] : memref<262144xf32, #tpu.memory_space<hbm>> -> memref<512xf32, #tpu.memory_space<hbm>>
    tpu.wait_dma2 semaphore(%arg15 : memref<!tpu.dma_semaphore, #tpu.memory_space<semaphore_mem>>) src(%dma_wait3A_49 : memref<512xf32, #tpu.memory_space<hbm>>) dst(%arg10 : memref<512xf32, #tpu.memory_space<vmem>>)
    %mul3A_50 = arith.constant 16 : i32
    %mul3A_51 = arith.muli %mul3A_2, %mul3A_50 : i32
    "tpu.region"() ({
      %run_scoped3A = tpu.sem_alloc : memref<!tpu.dma_semaphore, #tpu.memory_space<semaphore_mem>>
      %dma_start3A_52 = tpu.memref_slice %arg6[%mul3A_51] : memref<65536xf32, #tpu.memory_space<hbm>> -> memref<2048xf32, #tpu.memory_space<hbm>>
      %dma_start3A_53 = tpu.memref_slice %arg6[%mul3A_51] : memref<65536xf32, #tpu.memory_space<hbm>> -> memref<2048xf32, #tpu.memory_space<hbm>>
      tpu.enqueue_dma source(%arg13 : memref<2048xf32, #tpu.memory_space<vmem>>) target(%dma_start3A_53 : memref<2048xf32, #tpu.memory_space<hbm>>) target_semaphore(%run_scoped3A : memref<!tpu.dma_semaphore, #tpu.memory_space<semaphore_mem>>)
      %dma_wait3A_54 = tpu.memref_slice %arg6[%mul3A_51] : memref<65536xf32, #tpu.memory_space<hbm>> -> memref<2048xf32, #tpu.memory_space<hbm>>
      %dma_wait3A_55 = tpu.memref_slice %arg6[%mul3A_51] : memref<65536xf32, #tpu.memory_space<hbm>> -> memref<2048xf32, #tpu.memory_space<hbm>>
      tpu.wait_dma2 semaphore(%run_scoped3A : memref<!tpu.dma_semaphore, #tpu.memory_space<semaphore_mem>>) src(%arg13 : memref<2048xf32, #tpu.memory_space<vmem>>) dst(%dma_wait3A_55 : memref<2048xf32, #tpu.memory_space<hbm>>)
      tpu.yield
    }) : () -> ()
    return
  }
}

module attributes {stable_mosaic.version = 14 : i64} {
  func.func @_labels_body(%arg0: memref<4096x16xf32, #tpu.memory_space<vmem>>, %arg1: memref<4096x1xi32, #tpu.memory_space<vmem>>, %arg2: memref<4096x1xi32, #tpu.memory_space<vmem>>, %arg3: memref<4096x1xi32, #tpu.memory_space<vmem>>, %arg4: memref<1x1xf32, #tpu.memory_space<vmem>>, %arg5: memref<1x1xf32, #tpu.memory_space<vmem>>) attributes {dimension_semantics = [], scalar_prefetch = 0 : i64, scratch_operands = 0 : i64, tpu.core_type = #tpu.core_type<tc>} {
    %get3A = arith.constant 0 : index
    %get3A_0 = arith.constant 0 : index
    %get3A_1 = vector.load %arg0[%get3A, %get3A_0] : memref<4096x16xf32, #tpu.memory_space<vmem>>, vector<4096x16xf32>
    %reduce_max3A = arith.constant dense<0xFF800000> : vector<4096xf32>
    %reduce_max3A_2 = vector.multi_reduction <maximumf>, %get3A_1, %reduce_max3A [1] : vector<4096x16xf32> to vector<4096xf32>
    %broadcast_in_dim3A = vector.shape_cast %reduce_max3A_2 : vector<4096xf32> to vector<4096x1xf32>
    %iota3A = tpu.iota {dimensions = array<i32: 1>} : vector<4096x16xi32>
    %eq3A = vector.broadcast %broadcast_in_dim3A : vector<4096x1xf32> to vector<4096x16xf32>
    %eq3A_3 = arith.cmpf oeq, %get3A_1, %eq3A : vector<4096x16xf32>
    %jit3A = arith.constant 16 : i32
    %broadcast_in_dim3A_4 = vector.broadcast %jit3A : i32 to vector<4096x16xi32>
    %select_n3A = arith.select %eq3A_3, %iota3A, %broadcast_in_dim3A_4 : vector<4096x16xi1>, vector<4096x16xi32>
    %reduce_min3A = arith.constant dense<2147483647> : vector<4096xi32>
    %reduce_min3A_5 = vector.multi_reduction <minsi>, %select_n3A, %reduce_min3A [1] : vector<4096x16xi32> to vector<4096xi32>
    %broadcast_in_dim3A_6 = vector.shape_cast %reduce_min3A_5 : vector<4096xi32> to vector<4096x1xi32>
    %swap3A = arith.constant 0 : index
    %swap3A_7 = arith.constant 0 : index
    %swap3A_8 = vector.load %arg1[%swap3A, %swap3A_7] : memref<4096x1xi32, #tpu.memory_space<vmem>>, vector<4096x1xi32>
    tpu.vector_store %arg1[%swap3A, %swap3A_7], %broadcast_in_dim3A_6 {strides = array<i32>} : memref<4096x1xi32, #tpu.memory_space<vmem>>, vector<4096x1xi32>,
    %broadcast_in_dim3A_9 = arith.constant 1 : i32
    %broadcast_in_dim3A_10 = vector.broadcast %broadcast_in_dim3A_9 : i32 to vector<4096x1xi32>
    %min3A = arith.constant 7 : i32
    %min3A_11 = vector.broadcast %min3A : i32 to vector<4096x1xi32>
    %min3A_12 = arith.minsi %broadcast_in_dim3A_6, %min3A_11 : vector<4096x1xi32>
    %mul3A = arith.constant 4 : i32
    %mul3A_13 = vector.broadcast %mul3A : i32 to vector<4096x1xi32>
    %mul3A_14 = arith.muli %mul3A_13, %min3A_12 : vector<4096x1xi32>
    %sub3A = arith.constant 8 : i32
    %sub3A_15 = vector.broadcast %sub3A : i32 to vector<4096x1xi32>
    %sub3A_16 = arith.subi %broadcast_in_dim3A_6, %sub3A_15 : vector<4096x1xi32>
    %jit3A_17 = arith.constant 0 : i32
    %jit3A_18 = arith.constant 7 : i32
    %max3A = vector.broadcast %jit3A_17 : i32 to vector<4096x1xi32>
    %max3A_19 = arith.maxsi %max3A, %sub3A_16 : vector<4096x1xi32>
    %min3A_20 = vector.broadcast %jit3A_18 : i32 to vector<4096x1xi32>
    %min3A_21 = arith.minsi %min3A_20, %max3A_19 : vector<4096x1xi32>
    %mul3A_22 = arith.constant 4 : i32
    %mul3A_23 = vector.broadcast %mul3A_22 : i32 to vector<4096x1xi32>
    %mul3A_24 = arith.muli %mul3A_23, %min3A_21 : vector<4096x1xi32>
    %lt3A = arith.constant 8 : i32
    %lt3A_25 = vector.broadcast %lt3A : i32 to vector<4096x1xi32>
    %lt3A_26 = arith.cmpi slt, %broadcast_in_dim3A_6, %lt3A_25 : vector<4096x1xi32>
    %shift_left3A = arith.shli %broadcast_in_dim3A_10, %mul3A_14 : vector<4096x1xi32>
    %jit3A_27 = arith.constant 0 : i32
    %broadcast_in_dim3A_28 = vector.broadcast %jit3A_27 : i32 to vector<4096x1xi32>
    %select_n3A_29 = arith.select %lt3A_26, %shift_left3A, %broadcast_in_dim3A_28 : vector<4096x1xi1>, vector<4096x1xi32>
    %swap3A_30 = arith.constant 0 : index
    %swap3A_31 = arith.constant 0 : index
    %swap3A_32 = vector.load %arg2[%swap3A_30, %swap3A_31] : memref<4096x1xi32, #tpu.memory_space<vmem>>, vector<4096x1xi32>
    tpu.vector_store %arg2[%swap3A_30, %swap3A_31], %select_n3A_29 {strides = array<i32>} : memref<4096x1xi32, #tpu.memory_space<vmem>>, vector<4096x1xi32>,
    %ge3A = arith.constant 8 : i32
    %ge3A_33 = vector.broadcast %ge3A : i32 to vector<4096x1xi32>
    %ge3A_34 = arith.cmpi sge, %broadcast_in_dim3A_6, %ge3A_33 : vector<4096x1xi32>
    %shift_left3A_35 = arith.shli %broadcast_in_dim3A_10, %mul3A_24 : vector<4096x1xi32>
    %jit3A_36 = arith.constant 0 : i32
    %broadcast_in_dim3A_37 = vector.broadcast %jit3A_36 : i32 to vector<4096x1xi32>
    %select_n3A_38 = arith.select %ge3A_34, %shift_left3A_35, %broadcast_in_dim3A_37 : vector<4096x1xi1>, vector<4096x1xi32>
    %swap3A_39 = arith.constant 0 : index
    %swap3A_40 = arith.constant 0 : index
    %swap3A_41 = vector.load %arg3[%swap3A_39, %swap3A_40] : memref<4096x1xi32, #tpu.memory_space<vmem>>, vector<4096x1xi32>
    tpu.vector_store %arg3[%swap3A_39, %swap3A_40], %select_n3A_38 {strides = array<i32>} : memref<4096x1xi32, #tpu.memory_space<vmem>>, vector<4096x1xi32>,
    %eq3A_42 = vector.broadcast %broadcast_in_dim3A_6 : vector<4096x1xi32> to vector<4096x16xi32>
    %eq3A_43 = arith.cmpi eq, %iota3A, %eq3A_42 : vector<4096x16xi32>
    %convert_element_type3A = arith.extui %eq3A_43 : vector<4096x16xi1> to vector<4096x16xi32>
    %convert_element_type3A_44 = arith.sitofp %convert_element_type3A : vector<4096x16xi32> to vector<4096x16xf32>
    %reduce_sum3A = arith.constant dense<0.000000e+00> : vector<16xf32>
    %reduce_sum3A_45 = vector.multi_reduction <add>, %convert_element_type3A_44, %reduce_sum3A [0] : vector<4096x16xf32> to vector<16xf32>
    %mul3A_46 = arith.constant 2.44140625E-4 : f32
    %mul3A_47 = vector.broadcast %mul3A_46 : f32 to vector<16xf32>
    %mul3A_48 = arith.mulf %reduce_sum3A_45, %mul3A_47 : vector<16xf32>
    %add3A = arith.constant 9.99999974E-6 : f32
    %add3A_49 = vector.broadcast %add3A : f32 to vector<16xf32>
    %add3A_50 = arith.addf %mul3A_48, %add3A_49 : vector<16xf32>
    %log3A = math.log %add3A_50 : vector<16xf32>
    %mul3A_51 = arith.mulf %mul3A_48, %log3A : vector<16xf32>
    %reduce_sum3A_52 = vector.shape_cast %mul3A_51 : vector<16xf32> to vector<1x16xf32>
    %reduce_sum3A_53 = arith.constant dense<0.000000e+00> : vector<1xf32>
    %reduce_sum3A_54 = vector.multi_reduction <add>, %reduce_sum3A_52, %reduce_sum3A_53 [1] : vector<1x16xf32> to vector<1xf32>
    %reduce_sum3A_55 = vector.shape_cast %reduce_sum3A_54 : vector<1xf32> to vector<1x1xf32>
    %reduce_sum3A_56 = vector.extract %reduce_sum3A_55[0, 0] : f32 from vector<1x1xf32>
    %neg3A = arith.constant 0.000000e+00 : f32
    %neg3A_57 = arith.subf %neg3A, %reduce_sum3A_56 : f32
    %broadcast_in_dim3A_58 = vector.broadcast %neg3A_57 : f32 to vector<1x1xf32>
    %swap3A_59 = arith.constant 0 : index
    %swap3A_60 = arith.constant 0 : index
    %swap3A_61 = vector.load %arg4[%swap3A_59, %swap3A_60] : memref<1x1xf32, #tpu.memory_space<vmem>>, vector<1x1xf32>
    tpu.vector_store %arg4[%swap3A_59, %swap3A_60], %broadcast_in_dim3A_58 {strides = array<i32>} : memref<1x1xf32, #tpu.memory_space<vmem>>, vector<1x1xf32>,
    %gt3A = arith.constant 0.000000e+00 : f32
    %gt3A_62 = vector.broadcast %gt3A : f32 to vector<16xf32>
    %gt3A_63 = arith.cmpf ogt, %reduce_sum3A_45, %gt3A_62 : vector<16xf32>
    %convert_element_type3A_64 = arith.extui %gt3A_63 : vector<16xi1> to vector<16xi32>
    %convert_element_type3A_65 = arith.sitofp %convert_element_type3A_64 : vector<16xi32> to vector<16xf32>
    %reduce_sum3A_66 = vector.shape_cast %convert_element_type3A_65 : vector<16xf32> to vector<1x16xf32>
    %reduce_sum3A_67 = arith.constant dense<0.000000e+00> : vector<1xf32>
    %reduce_sum3A_68 = vector.multi_reduction <add>, %reduce_sum3A_66, %reduce_sum3A_67 [1] : vector<1x16xf32> to vector<1xf32>
    %reduce_sum3A_69 = vector.shape_cast %reduce_sum3A_68 : vector<1xf32> to vector<1x1xf32>
    %reduce_sum3A_70 = vector.extract %reduce_sum3A_69[0, 0] : f32 from vector<1x1xf32>
    %broadcast_in_dim3A_71 = vector.broadcast %reduce_sum3A_70 : f32 to vector<1x1xf32>
    %swap3A_72 = arith.constant 0 : index
    %swap3A_73 = arith.constant 0 : index
    %swap3A_74 = vector.load %arg5[%swap3A_72, %swap3A_73] : memref<1x1xf32, #tpu.memory_space<vmem>>, vector<1x1xf32>
    tpu.vector_store %arg5[%swap3A_72, %swap3A_73], %broadcast_in_dim3A_71 {strides = array<i32>} : memref<1x1xf32, #tpu.memory_space<vmem>>, vector<1x1xf32>,
    return
  }
}

module attributes {stable_mosaic.version = 14 : i64} {
  func.func @_dist_body(%arg0: i32, %arg1: memref<256x16xf32, #tpu.memory_space<vmem>>, %arg2: memref<16x4096xf32, #tpu.memory_space<vmem>>, %arg3: memref<256x4096xf32, #tpu.memory_space<vmem>>, %arg4: memref<256x64xf32, #tpu.memory_space<vmem>>) attributes {dimension_semantics = [#tpu.dimension_semantics<arbitrary>], iteration_bounds = array<i64: 16>, scalar_prefetch = 0 : i64, scratch_operands = 0 : i64, tpu.core_type = #tpu.core_type<tc>, window_params = [{transform_indices = @transform_0, window_bounds = array<i64: 256, 16>}, {pipeline_mode = #tpu.pipeline_mode<synchronous>, transform_indices = @transform_1, window_bounds = array<i64: 16, 4096>}, {transform_indices = @transform_2, window_bounds = array<i64: 256, 4096>}, {transform_indices = @transform_3, window_bounds = array<i64: 256, 64>}]} {
    %get3A = arith.constant 0 : index
    %get3A_0 = arith.constant 0 : index
    %get3A_1 = vector.load %arg1[%get3A, %get3A_0] : memref<256x16xf32, #tpu.memory_space<vmem>>, vector<256x16xf32>
    %get3A_2 = arith.constant 0 : index
    %get3A_3 = arith.constant 0 : index
    %get3A_4 = vector.load %arg2[%get3A_2, %get3A_3] : memref<16x4096xf32, #tpu.memory_space<vmem>>, vector<16x4096xf32>
    %mul3A = arith.mulf %get3A_1, %get3A_1 : vector<256x16xf32>
    %reduce_sum3A = arith.constant dense<0.000000e+00> : vector<256xf32>
    %reduce_sum3A_5 = vector.multi_reduction <add>, %mul3A, %reduce_sum3A [1] : vector<256x16xf32> to vector<256xf32>
    %broadcast_in_dim3A = vector.shape_cast %reduce_sum3A_5 : vector<256xf32> to vector<256x1xf32>
    %mul3A_6 = arith.mulf %get3A_4, %get3A_4 : vector<16x4096xf32>
    %reduce_sum3A_7 = arith.constant dense<0.000000e+00> : vector<4096xf32>
    %reduce_sum3A_8 = vector.multi_reduction <add>, %mul3A_6, %reduce_sum3A_7 [0] : vector<16x4096xf32> to vector<4096xf32>
    %broadcast_in_dim3A_9 = vector.shape_cast %reduce_sum3A_8 : vector<4096xf32> to vector<1x4096xf32>
    %add3A = vector.broadcast %broadcast_in_dim3A : vector<256x1xf32> to vector<256x4096xf32>
    %add3A_10 = vector.broadcast %broadcast_in_dim3A_9 : vector<1x4096xf32> to vector<256x4096xf32>
    %add3A_11 = arith.addf %add3A, %add3A_10 : vector<256x4096xf32>
    %dot_general3A = arith.constant dense<0.000000e+00> : vector<256x4096xf32>
    %dot_general3A_12 = tpu.matmul %get3A_1, %get3A_4, %dot_general3A {dimension_numbers = #tpu.dot_dimension_numbers<[1], [0], [0], [1], [0, 0, 1, 1], [], []>, transpose_lhs_hint = false} : vector<256x16xf32>, vector<16x4096xf32>, vector<256x4096xf32> -> vector<256x4096xf32>
    %mul3A_13 = arith.constant 2.000000e+00 : f32
    %mul3A_14 = vector.broadcast %mul3A_13 : f32 to vector<256x4096xf32>
    %mul3A_15 = arith.mulf %mul3A_14, %dot_general3A_12 : vector<256x4096xf32>
    %sub3A = arith.subf %add3A_11, %mul3A_15 : vector<256x4096xf32>
    %max3A = arith.constant 0.000000e+00 : f32
    %max3A_16 = vector.broadcast %max3A : f32 to vector<256x4096xf32>
    %max3A_17 = arith.maximumf %sub3A, %max3A_16 : vector<256x4096xf32>
    %sqrt3A = math.sqrt %max3A_17 : vector<256x4096xf32>
    %swap3A = arith.constant 0 : index
    %swap3A_18 = arith.constant 0 : index
    %swap3A_19 = vector.load %arg3[%swap3A, %swap3A_18] : memref<256x4096xf32, #tpu.memory_space<vmem>>, vector<256x4096xf32>
    tpu.vector_store %arg3[%swap3A, %swap3A_18], %sqrt3A {strides = array<i32>} : memref<256x4096xf32, #tpu.memory_space<vmem>>, vector<256x4096xf32>,
    %slice3A = vector.extract_strided_slice %sqrt3A {offsets = [0, 0], sizes = [256, 1024], strides = [1, 1]} : vector<256x4096xf32> to vector<256x1024xf32>
    %slice3A_20 = vector.extract_strided_slice %sqrt3A {offsets = [0, 1024], sizes = [256, 1024], strides = [1, 1]} : vector<256x4096xf32> to vector<256x1024xf32>
    %min3A = arith.minimumf %slice3A, %slice3A_20 : vector<256x1024xf32>
    %slice3A_21 = vector.extract_strided_slice %sqrt3A {offsets = [0, 2048], sizes = [256, 1024], strides = [1, 1]} : vector<256x4096xf32> to vector<256x1024xf32>
    %slice3A_22 = vector.extract_strided_slice %sqrt3A {offsets = [0, 3072], sizes = [256, 1024], strides = [1, 1]} : vector<256x4096xf32> to vector<256x1024xf32>
    %min3A_23 = arith.minimumf %slice3A_21, %slice3A_22 : vector<256x1024xf32>
    %min3A_24 = arith.minimumf %min3A, %min3A_23 : vector<256x1024xf32>
    %reshape3A = vector.shape_cast %min3A_24 : vector<256x1024xf32> to vector<256x64x16xf32>
    %reduce_min3A = arith.constant dense<0x7F800000> : vector<256x64xf32>
    %reduce_min3A_25 = vector.multi_reduction <minimumf>, %reshape3A, %reduce_min3A [2] : vector<256x64x16xf32> to vector<256x64xf32>
    %swap3A_26 = arith.constant 0 : index
    %swap3A_27 = arith.constant 0 : index
    %swap3A_28 = vector.load %arg4[%swap3A_26, %swap3A_27] : memref<256x64xf32, #tpu.memory_space<vmem>>, vector<256x64xf32>
    tpu.vector_store %arg4[%swap3A_26, %swap3A_27], %reduce_min3A_25 {strides = array<i32>} : memref<256x64xf32, #tpu.memory_space<vmem>>, vector<256x64xf32>,
    return
  }
  func.func @transform_0(%arg0: i32) -> (i32, i32) {
    %c0_i32 = arith.constant 0 : i32
    %c0_i32_0 = arith.constant 0 : i32
    return %arg0, %c0_i32 : i32, i32
  }
  func.func @transform_1(%arg0: i32) -> (i32, i32) {
    %c0_i32 = arith.constant 0 : i32
    %c0_i32_0 = arith.constant 0 : i32
    %c0_i32_1 = arith.constant 0 : i32
    return %c0_i32, %c0_i32_0 : i32, i32
  }
  func.func @transform_2(%arg0: i32) -> (i32, i32) {
    %c0_i32 = arith.constant 0 : i32
    %c0_i32_0 = arith.constant 0 : i32
    return %arg0, %c0_i32 : i32, i32
  }
  func.func @transform_3(%arg0: i32) -> (i32, i32) {
    %c0_i32 = arith.constant 0 : i32
    %c0_i32_0 = arith.constant 0 : i32
    return %arg0, %c0_i32 : i32, i32
  }
}

module attributes {stable_mosaic.version = 14 : i64} {
  func.func @_entropy_body(%arg0: memref<4096x16xf32, #tpu.memory_space<vmem>>, %arg1: memref<4096x1xf32, #tpu.memory_space<vmem>>) attributes {dimension_semantics = [], scalar_prefetch = 0 : i64, scratch_operands = 0 : i64, tpu.core_type = #tpu.core_type<tc>} {
    %get3A = arith.constant 0 : index
    %get3A_0 = arith.constant 0 : index
    %get3A_1 = vector.load %arg0[%get3A, %get3A_0] : memref<4096x16xf32, #tpu.memory_space<vmem>>, vector<4096x16xf32>
    %reduce_sum3A = arith.constant dense<0.000000e+00> : vector<4096xf32>
    %reduce_sum3A_2 = vector.multi_reduction <add>, %get3A_1, %reduce_sum3A [1] : vector<4096x16xf32> to vector<4096xf32>
    %broadcast_in_dim3A = vector.shape_cast %reduce_sum3A_2 : vector<4096xf32> to vector<4096x1xf32>
    %div3A = vector.broadcast %broadcast_in_dim3A : vector<4096x1xf32> to vector<4096x16xf32>
    %div3A_3 = arith.divf %get3A_1, %div3A : vector<4096x16xf32>
    %add3A = arith.constant 9.99999974E-6 : f32
    %add3A_4 = vector.broadcast %add3A : f32 to vector<4096x16xf32>
    %add3A_5 = arith.addf %div3A_3, %add3A_4 : vector<4096x16xf32>
    %log3A = math.log %add3A_5 : vector<4096x16xf32>
    %mul3A = arith.mulf %div3A_3, %log3A : vector<4096x16xf32>
    %reduce_sum3A_6 = arith.constant dense<0.000000e+00> : vector<4096xf32>
    %reduce_sum3A_7 = vector.multi_reduction <add>, %mul3A, %reduce_sum3A_6 [1] : vector<4096x16xf32> to vector<4096xf32>
    %broadcast_in_dim3A_8 = vector.shape_cast %reduce_sum3A_7 : vector<4096xf32> to vector<4096x1xf32>
    %neg3A = arith.constant 0.000000e+00 : f32
    %neg3A_9 = vector.broadcast %neg3A : f32 to vector<4096x1xf32>
    %neg3A_10 = arith.subf %neg3A_9, %broadcast_in_dim3A_8 : vector<4096x1xf32>
    %swap3A = arith.constant 0 : index
    %swap3A_11 = arith.constant 0 : index
    %swap3A_12 = vector.load %arg1[%swap3A, %swap3A_11] : memref<4096x1xf32, #tpu.memory_space<vmem>>, vector<4096x1xf32>
    tpu.vector_store %arg1[%swap3A, %swap3A_11], %neg3A_10 {strides = array<i32>} : memref<4096x1xf32, #tpu.memory_space<vmem>>, vector<4096x1xf32>,
    return
  }
}

</mosaic_0001>

<sc_bundles>
// kernel: kernel.6.cloned.1.call-start
scs
__scs_entry_jumppad:
0x0: {  	(pc) =	sbr.rel $0x88, $3  }
0x1: {  	(tag) =	ssettag $0x0;
	lr =	simm.s32 $0x1  }
0x2: {  	[smem:$0x3F9F] =	sst lr;
	_ =	strace $0xD0000000  }
0x3: {  	_ = 	snop  }
0x4: {  	_ = 	snop  }
0x5: {  	_ = 	snop  }
0x6: {  	_ = 	snop  }
0x7: {  	_ = 	snop  }
__scs_overlays_trampoline_lowered:
0x8: {  	[smem:$0x3FAE] =	sst s0  }
0x9: {  	[smem:$0x3FAF] =	sst s1  }
0xa: {  	[smem:$0x3FB0] =	sst s2  }
0xb: {  	[smem:$0x3FB1] =	sst s3  }
0xc: {  	[smem:$0x3FB2] =	sst s4  }
0xd: {  	[smem:$0x3FB3] =	sst s5  }
0xe: {  	[smem:$0x3FB4] =	sst s6  }
0xf: {  	[smem:$0x3FB5] =	sst s7  }
0x10: {  	[smem:$0x3FB6] =	sst s8  }
0x11: {  	[smem:$0x3FB7] =	sst s9;
	s0 =	simm.s32 @!p0 $0x0  }
0x12: {  	s1 =	sld [smem:$0x3F9D];
	s0 =	simm.s32 @p0 $0x1  }
0x13: {  	[smem:$0x3FB8] =	sst s0;
	s0 =	simm.s32 @!p1 $0x0  }
0x14: {  	s2 =	sld [smem:$0x3F9C];
	s0 =	simm.s32 @p1 $0x1  }
0x15: {  	[smem:$0x3FB9] =	sst s0;
	s0 =	simm.s32 @!p2 $0x0  }
0x16: {  	s3 =	sld [smem:$0x3FDB];
	s0 =	simm.s32 @p2 $0x1  }
0x17: {  	s4 =	simm.s32 $0x1BF5;
	[smem:$0x3FBB] =	sst s0  }
0x18: {  	s0 =	sld [smem:$0x3F9E];
	_ =	swait.ge [sflag:s4], $0x0  }
0x19: {  	s7 =	sld [smem:$0x3F9F]  }
0x1a: {  	s8 =	sadd.s32 $0xFFFFE003, lr  }
0x1b: {  	s9 =	sadd.s32 $0xFFFFFEF7, lr;
	s5 =	simm.s32 $0xFFFFFFFF;
	p2 =	slt.u32 s8, $0xFFFFF086  }
0x1c: {  	p1 =	slt.u32 s9, $0xF7A;
	s5 =	simm.s32 @!p2 $0x0  }
0x1d: {  	s5 =	simm.s32 @p1 $0x1;
	p0 =	seq.s32 s7, s2  }
0x1e: {  	s7 =	smul.u32 @!p0 $0xF7A, s2;
	p2 =	seq.s32 @!p0 s5, $0x0  }
0x1f: {  	s9 =	smul.u32 $0xF7A, s1;
	s8 =	simm.s32 @!p0 $0x1BF5;
	p2 =	por !p2, p0  }
0x20: {  	[sflag:s8] =	ssyncset.s32 @!p0 $0xFFFFF086;
	s6 =	sadd.s32 @!p0 s3, s7;
	s7 =	simm.s32 @!p0 $0x108  }
0x21: {  	s3 =	sadd.s32 s3, s9;
	s6 =	sadd.s32 @!p0 $0x88, s6;
	s7 =	simm.s32 @p2 $0x1082  }
0x22: {  	[simem:s7], [sflag:s8] =	dma.local @!p0 [hbm:s6], $0xF7A  }
0x23: {  	s9 =	sor.u32 $0xD0000000, s2;
	s6 =	simm.s32 $0x108;
	_ =	swait.ge @!p0 [sflag:s8], $0x0  }
0x24: {  	s3 =	sadd.s32 $0x88, s3;
	s6 =	simm.s32 @!p1 $0x1082;
	[sflag:s4] =	ssyncset.s32 $0xFFFFF086  }
0x25: {  	[simem:s6], [sflag:s4] =	dma.local [hbm:s3], $0xF7A  }
0x26: {  	[smem:$0x3F9F] =	sst s1;
	(tag) =	ssettag s2;
	_ =	strace s9  }
0x27: {  	s1 =	sld [smem:$0x3FAF]  }
0x28: {  	s2 =	sld [smem:$0x3FB0]  }
0x29: {  	s4 =	sld [smem:$0x3FB2]  }
0x2a: {  	p0 =	seq.s32 s5, $0x0;
	s5 =	sld [smem:$0x3FB3]  }
0x2b: {  	s6 =	sld [smem:$0x3FB4]  }
0x2c: {  	s7 =	sld [smem:$0x3FB5]  }
0x2d: {  	s3 =	simm.s32 $0x108;
	s8 =	sld [smem:$0x3FB6]  }
0x2e: {  	s3 =	simm.s32 @!p0 $0x1082;
	s9 =	sld [smem:$0x3FB7]  }
0x2f: {  	lr =	sadd.s32 s0, s3;
	s0 =	sld [smem:$0x3FAE]  }
0x30: {  	s3 =	sld [smem:$0x3FB1]  }
0x31: {  	[smem:$0x3FBA] =	sst s10  }
0x32: {  	s10 =	sld [smem:$0x3FB8];
	_ =	sdelay $0x3  }
0x33: {  	p0 =	seq.s32 s10, $0x1;
	s10 =	sld [smem:$0x3FBA];
	_ =	sdelay $0x3  }
0x34: {  	[smem:$0x3FBA] =	sst s10  }
0x35: {  	s10 =	sld [smem:$0x3FB9];
	_ =	sdelay $0x3  }
0x36: {  	p1 =	seq.s32 s10, $0x1;
	s10 =	sld [smem:$0x3FBA];
	_ =	sdelay $0x3  }
0x37: {  	[smem:$0x3FBA] =	sst s10  }
0x38: {  	s10 =	sld [smem:$0x3FBB]  }
0x39: {  	_ = 	snop;
	(pc) =	sbr.ind lr, $3  }
0x3a: {  	_ = 	snop  }
0x3b: {  	_ = 	snop  }
0x3c: {  	p2 =	seq.s32 s10, $0x1;
	s10 =	sld [smem:$0x3FBA]  }
0x3d: {  	_ =	shalt  }
0x3e: {  	_ =	shalt  }
0x3f: {  	_ =	shalt  }
0x40: {  	_ =	shalt  }
0x41: {  	_ =	shalt  }
0x42: {  	_ =	shalt  }
0x43: {  	_ =	shalt  }
0x44: {  	_ =	shalt  }
0x45: {  	_ =	shalt  }
0x46: {  	_ =	shalt  }
0x47: {  	_ =	shalt  }
0x48: {  	_ =	shalt  }
0x49: {  	_ =	shalt  }
0x4a: {  	_ =	shalt  }
0x4b: {  	_ =	shalt  }
0x4c: {  	_ =	shalt  }
0x4d: {  	_ =	shalt  }
0x4e: {  	_ =	shalt  }
0x4f: {  	_ =	shalt  }
0x50: {  	_ =	shalt  }
0x51: {  	_ =	shalt  }
0x52: {  	_ =	shalt  }
0x53: {  	_ =	shalt  }
0x54: {  	_ =	shalt  }
0x55: {  	_ =	shalt  }
0x56: {  	_ =	shalt  }
0x57: {  	_ =	shalt  }
0x58: {  	_ =	shalt  }
0x59: {  	_ =	shalt  }
0x5a: {  	_ =	shalt  }
0x5b: {  	_ =	shalt  }
0x5c: {  	_ =	shalt  }
0x5d: {  	_ =	shalt  }
0x5e: {  	_ =	shalt  }
0x5f: {  	_ =	shalt  }
0x60: {  	_ =	shalt  }
0x61: {  	_ =	shalt  }
0x62: {  	_ =	shalt  }
0x63: {  	_ =	shalt  }
0x64: {  	_ =	shalt  }
0x65: {  	_ =	shalt  }
0x66: {  	_ =	shalt  }
0x67: {  	_ =	shalt  }
0x68: {  	_ =	shalt  }
0x69: {  	_ =	shalt  }
0x6a: {  	_ =	shalt  }
0x6b: {  	_ =	shalt  }
0x6c: {  	_ =	shalt  }
0x6d: {  	_ =	shalt  }
0x6e: {  	_ =	shalt  }
0x6f: {  	_ =	shalt  }
0x70: {  	_ =	shalt  }
0x71: {  	_ =	shalt  }
0x72: {  	_ =	shalt  }
0x73: {  	_ =	shalt  }
0x74: {  	_ =	shalt  }
0x75: {  	_ =	shalt  }
0x76: {  	_ =	shalt  }
0x77: {  	_ =	shalt  }
0x78: {  	_ =	shalt  }
0x79: {  	_ =	shalt  }
0x7a: {  	_ =	shalt  }
0x7b: {  	_ =	shalt  }
0x7c: {  	_ =	shalt  }
0x7d: {  	_ =	shalt  }
0x7e: {  	_ =	shalt  }
0x7f: {  	_ =	shalt  }
0x80: {  	_ =	shalt  }
0x81: {  	_ =	shalt  }
0x82: {  	_ =	shalt  }
0x83: {  	_ =	shalt  }
0x84: {  	_ =	shalt  }
0x85: {  	_ =	shalt  }
0x86: {  	_ =	shalt  }
0x87: {  	_ =	shalt  }
.Lfunc_end0:
.L_simem_size_0:
called_computation.1_lowered:
.L_overlay_start_0:
0x88: {  	s2 =	sld [smem:$0x3FD9]  }
0x89: {  	s3 =	sld [smem:$0x3FFE];
	_ =	sdelay $0x1  }
0x8a: {  	s1 =	srdreg.scid  }
0x8b: {  	s0 =	sand.u32 $0x1, s1  }
0x8c: {  	s14 =	sshll.u32 s0, $0xA;
	s2 =	sadd.s32 s3, s2  }
0x8d: {  	s2 =	sadd.s32 s2, s14  }
0x8e: {  	[smem:$0x3FC6] =	sst s2  }
0x8f: {  	_ = 	snop  }
0x90: {  	s2 =	sld [smem:$0x3FD0];
	_ =	sdelay $0x2  }
0x91: {  	s15 =	simm.s32 $0xA;
	s4 =	simm.s32 $0x10  }
0x92: {  	[smem:s4], [sflag:s15] =	dma.local [hbm:s2], $0x1  }
0x93: {  	_ =	swait.eq [sflag:s15], $0x1  }
0x94: {  	[sflag:s15] =	ssyncset.done $0x0  }
0x95: {  	s16 =	sld [smem:$0x10];
	[sflag:s15] =	ssyncadd.s32 $0xFFFFFFFF  }
0x96: {  	s17 =	sld [smem:$0x11];
	(tm) =	ssettm $0x1  }
0x97: {  	s18 =	sld [smem:$0x3FFB];
	_ =	sdelay $0x3  }
0x98: {  	_ =	strace s18  }
0x99: {  	s4 =	sld [smem:$0x3FFC];
	_ =	sdelay $0x3  }
0x9a: {  	_ =	strace s4  }
0x9b: {  	s4 =	sld [smem:$0x3FFD];
	_ =	sdelay $0x3  }
0x9c: {  	_ =	strace s4  }
0x9d: {  	_ =	strace $0x8FFFFFFF  }
0x9e: {  	s19 =	sld [smem:$0x3FDB];
	_ =	sdelay $0x1  }
0x9f: {  	s5 =	simm.s32 $_scs_section_size  }
0xa0: {  	s6 =	simm.s32 $_size__tile_overlayer_lowered;
	s7 =	simm.s32 $_tile_overlayer_lowered  }
0xa1: {  	s22 =	simm.s32 $0x1BFF;
	s21 =	sshll.u32 s7, $0x1;
	s4 =	sadd.s32 s5, s19  }
0xa2: {  	s8 =	simm.s32 $0x0;
	s20 =	sshll.u32 s6, $0x1;
	s6 =	sadd.s32 s21, s4  }
0xa3: {  	[timem:s8], [sflag:s22] =	dma.local [hbm:s6], s20  }
0xa4: {  	_ =	swait.ge [sflag:s22], s20  }
0xa5: {  	s5 =	ssub.s32 $0x0, s20;
	[sflag:s22] =	ssyncset.done $0x0  }
0xa6: {  	[sflag:s22] =	ssyncadd.s32 s5;
	_ =	sdelay $0x1  }
0xa7: {  	s23 =	simm.s32 $0x1B8B  }
0xa8: {  	_ =	swait.ge [sflag:s23], $0x1  }
0xa9: {  	[sflag:s23] =	ssyncset.done $0x0  }
0xaa: {  	s25 =	simm.s32 $0x1B8E;
	s24 =	sld [smem:$0x3FFE];
	[sflag:s23] =	ssyncadd.s32 $0xFFFFFFFF  }
0xab: {  	s26 =	simm.s32 $execute0_lowered;
	[smem:$0x3FD2] =	sst s25  }
0xac: {  	s6 =	sshll.u32 s26, $0x1;
	_ =	strace $0x80000049;
	[dreg:$0x1] =	wrdreg $0xFFFFFFFF  }
0xad: {  	s28 =	simm.s32 $_size_execute0_lowered;
	s4 =	sadd.s32 s4, s6;
	[dreg:$0x0] =	wrdreg $0x0  }
0xae: {  	s6 =	sshll.u32 s28, $0x1;
	[dreg:$0x2] =	wrdreg s4  }
0xaf: {  	[dreg:$0x3] =	wrdreg s6  }
0xb0: {  	[dreg:$0x4] =	wrdreg $0xC0  }
0xb1: {  	_ =	task [dreg:s8], $0x5FFFF  }
0xb2: {  	[dreg:$0x1] =	wrdreg $0xFFFFFFFF  }
0xb3: {  	[dreg:$0x0] =	wrdreg $0x60  }
0xb4: {  	[dreg:$0x2] =	wrdreg s24  }
0xb5: {  	[dreg:$0x3] =	wrdreg s17  }
0xb6: {  	[dreg:$0x4] =	wrdreg s16  }
0xb7: {  	[dreg:$0x5] =	wrdreg $0x9  }
0xb8: {  	_ =	task.clear_ibuf [dreg:s8], $0x6FFFF;
	_ =	strace $0x90000049  }
0xb9: {  	s29 =	simm.s32 $0x9;
	_ =	strace $0x8000004B  }
0xba: {  	_ =	swait.ge [sflag:s29], $0x1  }
0xbb: {  	[sflag:s29] =	ssyncadd.s32 $0xFFFFFFFF  }
0xbc: {  	_ =	strace $0x9000004B  }
0xbd: {  	_ =	sfence  }
0xbe: {  	s30 =	sld [smem:$0x0];
	_ =	sdelay $0x2  }
0xbf: {  	s31 =	sshll.u32 s1, $0xD;
	s1 =	sshrl.u32 s1, $0x2  }
0xc0: {  	s3 =	sand.u32 $0x4000, s31;
	s1 =	sadd.s32 s1, s30  }
0xc1: {  	s0 =	sor.u32 s3, s0;
	s1 =	sshll.u32 s1, $0x11  }
0xc2: {  	s0 =	sor.u32 s1, s0  }
0xc3: {  	s0 =	sadd.s32 $0x8F2B, s0  }
0xc4: {  	[sflag:s0] =	ssyncadd.remote.s32 $0x1  }
0xc5: {  	_ =	sfence.sel $0xFFFF  }
0xc6: {  	[dreg:$0x0] =	wrdreg $0xFFFFFFFF;
	(pc) =	sbr.abs _section_cstart, $3  }
0xc7: {  	[dreg:$0x1] =	wrdreg $0xFFFFFFFF  }
0xc8: {  	_ =	task.clear_ibuf [dreg:s8], $0x2FFFF;
	_ =	strace $0x9FFFFFFF  }
0xc9: {  	(tm) =	ssettm $0x7FFFFFFF  }
tec
execute0_lowered:
.L_overlay_start_1:
0x0: {  	(tag) =	ssettag $0x1  }
0x1: {  	s0 =	rddreg [dreg:$0x0]  }
0x2: {  	s1 =	rddreg [dreg:$0x2];
	s2 =	simm.s32 $0x0  }
0x3: {  	s3 =	srdreg.scid;
	s6 =	stileid.u32;
	s16 =	simm.s32 $0x3  }
0x4: {  	s18 =	simm.s32 $0x10000;
	s19 =	simm.s32 $0x8000;
	s20 =	simm.s32 $0x10200  }
0x5: {  	s21 =	simm.s32 $0x1;
	s22 =	simm.s32 $0x2;
	[smem:$0x7FF] =	sst s2  }
0x6: {  	s24 =	simm.s32 $0x0;
	s4 =	sadd.s32 $0x200200, s0;
	s5 =	sadd.s32 $0x400400, s0  }
0x7: {  	s3 =	sand.u32 $0x1, s3;
	s7 =	sshll.u32 s6, $0x1;
	s6 =	sadd.s32 $0x400200, s0  }
0x8: {  	_ =	strace $0x8000004A;
	s29 =	ssub.s32 $0x2, s3;
	s3 =	sor.u32 s3, s7  }
0x9: {  	s30 =	sshrl.u32 s29, $0x1;
	s12 =	sshll.u32 s3, $0x7;
	s8 =	sshll.u32 s3, $0x10  }
.Ltmp0:
0xa: {  	s9 =	sshll.u32 s3, $0xA;
	s3 =	sshll.u32 s3, $0x8;
	(pc) =	sbr.rel .LBB2_1-.Ltmp0, $4  }
0xb: {  	v0 =	vlaneseq.u32;
	s0 =	ssub.s32 s29, s30;
	s7 =	sadd.s32 s4, s8;
	s31 =	sor.u32 $0x8, s12  }
0xc: {  	v1 =	vmul.u32 $0xFFFFFFFF, v0;
	s8 =	sadd.s32 s5, s9;
	s13 =	sadd.s32 s1, s3;
	s10 =	sshll.u32 s31, $0x9  }
0xd: {  	s11 =	sshll.u32 s31, $0x3;
	s14 =	smax.u32 s0, $0x1;
	s9 =	sadd.s32 s4, s10  }
0xe: {  	v2 =	vimm.f32 $0.0e+00;
	v1 =	vadd.s32 $0xF, v1;
	s10 =	sadd.s32 s5, s11;
	s11 =	sor.u32 $0x10, s12;
	s12 =	sor.u32 $0x18, s12  }
.LBB2_47:
0xf: {  	_ =	swait.ge [sflag:s21], $0x8000  }
0x10: {  	[sflag:s21] =	ssyncset.done $0x0  }
0x11: {  	[sflag:s21] =	ssyncadd.s32 $0xFFFF8000  }
0x12: {  	_ =	swait.ge [sflag:s21], $0x200  }
0x13: {  	[sflag:s21] =	ssyncset.done $0x0  }
0x14: {  	[sflag:s21] =	ssyncadd.s32 $0xFFFFFE00  }
0x15: {  	_ =	swait.ge [sflag:s22], $0x8000  }
0x16: {  	[sflag:s22] =	ssyncset.done $0x0  }
0x17: {  	[sflag:s22] =	ssyncadd.s32 $0xFFFF8000  }
0x18: {  	s24 =	sadd.s32 $0x1, s24;
	_ =	swait.ge [sflag:s22], $0x200  }
0x19: {  	p0 =	sne.s32 s24, s14;
	[sflag:s22] =	ssyncset.done $0x0  }
.Ltmp1:
0x1a: {  	s0 =	simm.s32 $0x12400;
	[sflag:s22] =	ssyncadd.s32 $0xFFFFFE00;
	(pc) =	sbr.rel @!p0 .LBB2_48-.Ltmp1, $4  }
0x1b: {  	[hbm4b:s13+s2] =	stream.linear.scatter [tilespmem:s0], [sflag:$0x3], $0x800, $0x38;
	[tilespmem:$0x12C00] =	vst v63  }
0x1c: {  	_ =	swait.ge [sflag:s16], $0x800  }
0x1d: {  	[sflag:s16] =	ssyncset.done $0x0  }
0x1e: {  	[sflag:s16] =	ssyncadd.s32 $0xFFFFF800  }
.LBB2_1:
0x1f: {  	s0 =	rddreg [dreg:$0x1];
	s1 =	simm.s32 $0x10400  }
0x20: {  	[tilespmem:s1], [sflag:$0x3] =	stream.linear.gather [hbm4b:s0+s2], $0x1000, $0x38;
	[tilespmem:$0x12C00] =	vst v63  }
0x21: {  	_ =	swait.ge [sflag:s16], $0x1000  }
0x22: {  	[sflag:s16] =	ssyncset.done $0x0  }
0x23: {  	s31 =	simm.s32 $0x11400;
	[sflag:s16] =	ssyncadd.s32 $0xFFFFF000  }
0x24: {  	[tilespmem:s31], [sflag:$0x3] =	stream.linear.gather [hbm4b:s6+s2], $0x1000, $0x38;
	[tilespmem:$0x12C00] =	vst v63  }
0x25: {  	_ =	swait.ge [sflag:s16], $0x1000  }
0x26: {  	[sflag:s16] =	ssyncset.done $0x0  }
0x27: {  	[sflag:s16] =	ssyncadd.s32 $0xFFFFF000  }
0x28: {  	[tilespmem:s2], [sflag:$0x1] =	stream.linear.gather [hbm4b:s7+s2], $0x8000, $0x38;
	[tilespmem:$0x12C00] =	vst v63  }
0x29: {  	_ = 	snop  }
0x2a: {  	[tilespmem:s18], [sflag:$0x1] =	stream.linear.gather [hbm4b:s8+s2], $0x200, $0x38;
	[tilespmem:$0x12C00] =	vst v63  }
.Ltmp2:
0x2b: {  	_ = 	snop;
	(pc) =	sbr.rel .LBB2_2-.Ltmp2, $4  }
0x2c: {  	_ = 	snop  }
0x2d: {  	[tilespmem:s19], [sflag:$0x2] =	stream.linear.gather [hbm4b:s9+s2], $0x8000, $0x38;
	[tilespmem:$0x12C00] =	vst v63  }
0x2e: {  	s25 =	simm.s32 $0x0  }
0x2f: {  	[tilespmem:s20], [sflag:$0x2] =	stream.linear.gather [hbm4b:s10+s2], $0x200, $0x38;
	[tilespmem:$0x12C00] =	vst v63  }
.LBB2_46:
0x30: {  	s0 =	smin.u32 s26, $0xC  }
0x31: {  	s0 =	sshll.u32 s0, $0x3  }
0x32: {  	s25 =	sadd.s32 $0x1, s25;
	s0 =	sadd.s32 s0, s12  }
0x33: {  	p0 =	sne.s32 s25, $0x8;
	s1 =	sshll.u32 s0, $0x9  }
.Ltmp3:
0x34: {  	s0 =	sshll.u32 s0, $0x3;
	s1 =	sand.u32 $0x3FF000, s1;
	(pc) =	sbr.rel @!p0 .LBB2_47-.Ltmp3, $4  }
0x35: {  	s0 =	sand.u32 $0xFFC0, s0;
	s1 =	sadd.s32 s4, s1  }
0x36: {  	[tilespmem:s19], [sflag:$0x2] =	stream.linear.gather [hbm4b:s1+s2], $0x8000, $0x38;
	[tilespmem:$0x12C00] =	vst v63  }
0x37: {  	s0 =	sadd.s32 s5, s0  }
0x38: {  	[tilespmem:s20], [sflag:$0x2] =	stream.linear.gather [hbm4b:s0+s2], $0x200, $0x38;
	[tilespmem:$0x12C00] =	vst v63  }
.LBB2_2:
0x39: {  	_ =	swait.ge [sflag:s21], $0x8000  }
.Ltmp4:
0x3a: {  	[sflag:s21] =	ssyncset.done $0x0;
	(pc) =	sbr.rel .LBB2_3-.Ltmp4, $4  }
0x3b: {  	s0 =	sshll.u32 s25, $0x8;
	[sflag:s21] =	ssyncadd.s32 $0xFFFF8000  }
0x3c: {  	s0 =	sand.u32 $0x3FFFFF00, s0;
	_ =	swait.ge [sflag:s21], $0x200  }
0x3d: {  	s0 =	sadd.s32 $0x12400, s0;
	[sflag:s21] =	ssyncset.done $0x0  }
0x3e: {  	s26 =	simm.s32 $0x0;
	v3 =	vmov s0;
	[sflag:s21] =	ssyncadd.s32 $0xFFFFFE00  }
.LBB2_23:
0x3f: {  	(xrf0) =	vadd.scan.msk.s32 $0xffff, v9  }
0x40: {  	(xrf0) =	vadd.scan.msk.s32 $0xffff, v7;
	_ =	sdelay $0x4  }
0x41: {  	v4, _, _ =	vpop (xrf0)  }
0x42: {  	v5, _, _ =	vpop (xrf0)  }
0x43: {  	v6 =	vbroadcast v4, $0xF;
	v4 =	vand.u32 $0x7, v0;
	v5 =	vbroadcast v5, $0xF  }
0x44: {  	vm0 =	vmmov $0xff;
	s26 =	sadd.s32 $0x1, s26;
	v4 =	vmul.u32 $0x4, v4  }
0x45: {  	p0 =	sne.s32 s26, $0x8;
	v5 =	vsel vm0, v6, v5  }
.Ltmp5:
0x46: {  	v5 =	vshra.s32 v5, v4;
	(pc) =	sbr.rel @!p0 .LBB2_24-.Ltmp5, $4  }
0x47: {  	v5 =	vand.u32 $0xF, v5  }
0x48: {  	v5 =	vcvt.s32.f32 v5  }
0x49: {  	s0 =	sshrl.u32 s28, $0x2  }
0x4a: {  	[tilespmem:v3+s0+$0x0 ss:$0x1] =	vst.idx.msk $0xffff, v5  }
.LBB2_3:
0x4b: {  	s28 =	sshll.u32 s26, $0x6  }
0x4c: {  	v7 =	vld [tilespmem:s28+$0x10000]  }
0x4d: {  	v6 =	vld [tilespmem:s28+$0x10010]  }
0x4e: {  	v5 =	vld [tilespmem:s28+$0x10020]  }
0x4f: {  	v4 =	vld [tilespmem:s28+$0x10030];
	_ =	sdelay $0x1  }
0x50: {  	(xrf1) =	vsort.ascd.msk.f32 $0xffff, v7, v7  }
0x51: {  	(xrf1) =	vsort.ascd.msk.f32 $0xffff, v6, v6  }
0x52: {  	(xrf1) =	vsort.ascd.msk.f32 $0xffff, v5, v5  }
0x53: {  	(xrf1) =	vsort.ascd.msk.f32 $0xffff, v4, v4;
	_ =	sdelay $0xa  }
0x54: {  	v8, _, _ =	vpop (xrf1)  }
0x55: {  	v9, _, _ =	vpop (xrf1)  }
0x56: {  	v10, _, _ =	vpop (xrf1)  }
0x57: {  	v9 =	vperm.xlane v9, v1;
	v11, _, _ =	vpop (xrf1)  }
0x58: {  	v11 =	vperm.xlane v11, v1  }
0x59: {  	v8 =	vmin.f32 v8, v9  }
0x5a: {  	(xrf1) =	vsort.ascd.msk.f32 $0xffff, v8, v8;
	v8 =	vmin.f32 v10, v11  }
0x5b: {  	(xrf1) =	vsort.ascd.msk.f32 $0xffff, v8, v8;
	_ =	sdelay $0xc  }
0x5c: {  	v8, _, _ =	vpop (xrf1)  }
0x5d: {  	v9, _, _ =	vpop (xrf1)  }
0x5e: {  	v9 =	vperm.xlane v9, v1;
	_ =	sdelay $0x1  }
0x5f: {  	v8 =	vmin.f32 v8, v9  }
0x60: {  	(xrf1) =	vsort.ascd.msk.f32 $0xffff, v8, v8;
	_ =	sdelay $0xd  }
0x61: {  	v8, _, _ =	vpop (xrf1)  }
0x62: {  	(xrf0) =	vmax.scan.msk.f32 $0xffff, v8;
	_ =	sdelay $0x5  }
0x63: {  	v8, _, _ =	vpop (xrf0)  }
0x64: {  	v9 =	vbroadcast v8, $0xF;
	_ =	sdelay $0x1  }
0x65: {  	vm0 =	vle.f32 v7, v9  }
0x66: {  	v10 =	vsel vm0, $0x3F800000, v2  }
0x67: {  	(xrf0) =	vmax.scan.msk.f32 $0xffff, v10;
	_ =	sdelay $0x5  }
0x68: {  	(v2sf) =	vpush v8, $0xF;
	v8, _, _ =	vpop (xrf0)  }
0x69: {  	(v2sf) =	vpush v8, $0xF;
	_ =	sdelay $0xd  }
0x6a: {  	s3 =	spop (v2sf)  }
0x6b: {  	s0 =	spop (v2sf)  }
0x6c: {  	p0 =	sgt.f32 s0, $0.0e+00  }
.Ltmp6:
0x6d: {  	_ = 	snop;
	(pc) =	sbr.rel @!p0 .LBB2_6-.Ltmp6, $2  }
0x6e: {  	_ =	sdelay $0x2  }
0x6f: {  	s29 =	sshll.u32 s26, $0xC;
	v8 =	vimm.f32 $+Inf  }
.LBB2_4:
0x70: {  	v9 =	vmctz.xlane vm0;
	_ =	sdelay $0x1  }
0x71: {  	v9 =	vxor.u32 $0x80000000, v9  }
0x72: {  	(xrf0) =	vmax.scan.msk.u32 $0xffff, v9;
	_ =	sdelay $0x5  }
0x73: {  	v9, _, _ =	vpop (xrf0)  }
0x74: {  	(v2sf) =	vpush v9, $0xF;
	_ =	sdelay $0xe  }
0x75: {  	s0 =	spop (v2sf)  }
0x76: {  	s1 =	sshll.u32 s0, $0x4  }
0x77: {  	s30 =	sadd.s32 s29, s1  }
0x78: {  	s1 =	sand.u32 $0x70, s1;
	s30 =	sand.u32 $0xFFFFFF80, s30  }
0x79: {  	s1 =	sor.u32 s1, s30  }
0x7a: {  	v9 =	vld [tilespmem:s1+$0x0];
	_ =	sdelay $0x4  }
0x7b: {  	(xrf1) =	vsort.ascd.msk.f32 $0xffff, v9, v9;
	_ =	sdelay $0xd  }
0x7c: {  	v10 =	vld [tilespmem:s1+$0x400];
	v9, _, _ =	vpop (xrf1)  }
0x7d: {  	v9 =	vperm.xlane v9, v1;
	_ =	sdelay $0x1  }
0x7e: {  	v8 =	vmin.f32 v8, v9  }
0x7f: {  	(xrf1) =	vsort.ascd.msk.f32 $0xffff, v8, v8  }
0x80: {  	(xrf1) =	vsort.ascd.msk.f32 $0xffff, v10, v10;
	_ =	sdelay $0xc  }
0x81: {  	v8, _, _ =	vpop (xrf1)  }
0x82: {  	v10 =	vld [tilespmem:s1+$0x800];
	v9, _, _ =	vpop (xrf1)  }
0x83: {  	v9 =	vperm.xlane v9, v1;
	_ =	sdelay $0x1  }
0x84: {  	v8 =	vmin.f32 v8, v9  }
0x85: {  	(xrf1) =	vsort.ascd.msk.f32 $0xffff, v8, v8  }
0x86: {  	(xrf1) =	vsort.ascd.msk.f32 $0xffff, v10, v10;
	_ =	sdelay $0xc  }
0x87: {  	v8, _, _ =	vpop (xrf1)  }
0x88: {  	v10 =	vld [tilespmem:s1+$0xC00];
	v9, _, _ =	vpop (xrf1)  }
0x89: {  	v9 =	vperm.xlane v9, v1;
	_ =	sdelay $0x1  }
0x8a: {  	v8 =	vmin.f32 v8, v9  }
0x8b: {  	(xrf1) =	vsort.ascd.msk.f32 $0xffff, v8, v8  }
0x8c: {  	(xrf1) =	vsort.ascd.msk.f32 $0xffff, v10, v10;
	_ =	sdelay $0xc  }
0x8d: {  	v8, _, _ =	vpop (xrf1)  }
0x8e: {  	v9, _, _ =	vpop (xrf1)  }
0x8f: {  	v9 =	vperm.xlane v9, v1;
	_ =	sdelay $0x1  }
0x90: {  	v8 =	vmin.f32 v8, v9  }
0x91: {  	(xrf1) =	vsort.ascd.msk.f32 $0xffff, v8, v8;
	_ =	sdelay $0xd  }
0x92: {  	v8, _, _ =	vpop (xrf1)  }
0x93: {  	(xrf0) =	vmax.scan.msk.f32 $0xffff, v8;
	_ =	sdelay $0x5  }
0x94: {  	v9, _, _ =	vpop (xrf0)  }
0x95: {  	(v2sf) =	vpush v9, $0xF;
	_ =	sdelay $0xe  }
0x96: {  	s0 =	sxor.u32 $0x80000000, s0;
	s30 =	spop (v2sf)  }
0x97: {  	v9 =	vmov s0;
	s3 =	smin.f32 s3, s30  }
0x98: {  	vm1 =	vne.s32 v9, v0;
	vm2 =	vle.f32 v7, s3  }
0x99: {  	vm1 =	vmand vm1, vm2  }
0x9a: {  	vm0 =	vmand vm0, vm1  }
0x9b: {  	v9 =	vsel vm0, $0x3F800000, v2  }
0x9c: {  	(xrf0) =	vmax.scan.msk.f32 $0xffff, v9;
	_ =	sdelay $0x5  }
0x9d: {  	v9, _, _ =	vpop (xrf0)  }
0x9e: {  	(v2sf) =	vpush v9, $0xF;
	_ =	sdelay $0xe  }
0x9f: {  	s31 =	spop (v2sf)  }
0xa0: {  	p0 =	sgt.f32 s31, $0.0e+00  }
.Ltmp7:
0xa1: {  	_ = 	snop;
	(pc) =	sbr.rel @p0 .LBB2_4-.Ltmp7, $1  }
0xa2: {  	_ =	sdelay $0x3  }
0xa3: {  	v9 =	vmov s3  }
.LBB2_6:
0xa4: {  	vm0 =	vle.f32 v6, v9  }
0xa5: {  	v10 =	vsel vm0, $0x3F800000, v2  }
0xa6: {  	(xrf0) =	vmax.scan.msk.f32 $0xffff, v10;
	_ =	sdelay $0x5  }
0xa7: {  	v10, _, _ =	vpop (xrf0)  }
0xa8: {  	(v2sf) =	vpush v10, $0xF;
	_ =	sdelay $0xe  }
0xa9: {  	s0 =	spop (v2sf)  }
0xaa: {  	p0 =	sgt.f32 s0, $0.0e+00  }
.Ltmp8:
0xab: {  	_ = 	snop;
	(pc) =	sbr.rel @!p0 .LBB2_9-.Ltmp8, $2  }
0xac: {  	_ =	sdelay $0x2  }
0xad: {  	s30 =	sor.u32 $0x100, s29  }
.LBB2_7:
0xae: {  	v9 =	vmctz.xlane vm0;
	_ =	sdelay $0x1  }
0xaf: {  	v9 =	vxor.u32 $0x80000000, v9  }
0xb0: {  	(xrf0) =	vmax.scan.msk.u32 $0xffff, v9;
	_ =	sdelay $0x5  }
0xb1: {  	v9, _, _ =	vpop (xrf0)  }
0xb2: {  	(v2sf) =	vpush v9, $0xF;
	_ =	sdelay $0xe  }
0xb3: {  	s0 =	spop (v2sf)  }
0xb4: {  	s1 =	sshll.u32 s0, $0x4  }
0xb5: {  	s31 =	sadd.s32 s30, s1  }
0xb6: {  	s1 =	sand.u32 $0x70, s1;
	s31 =	sand.u32 $0xFFFFFF80, s31  }
0xb7: {  	s1 =	sor.u32 s1, s31  }
0xb8: {  	v9 =	vld [tilespmem:s1+$0x0];
	_ =	sdelay $0x4  }
0xb9: {  	(xrf1) =	vsort.ascd.msk.f32 $0xffff, v9, v9;
	_ =	sdelay $0xd  }
0xba: {  	v10 =	vld [tilespmem:s1+$0x400];
	v9, _, _ =	vpop (xrf1)  }
0xbb: {  	v9 =	vperm.xlane v9, v1;
	_ =	sdelay $0x1  }
0xbc: {  	v8 =	vmin.f32 v8, v9  }
0xbd: {  	(xrf1) =	vsort.ascd.msk.f32 $0xffff, v8, v8  }
0xbe: {  	(xrf1) =	vsort.ascd.msk.f32 $0xffff, v10, v10;
	_ =	sdelay $0xc  }
0xbf: {  	v8, _, _ =	vpop (xrf1)  }
0xc0: {  	v10 =	vld [tilespmem:s1+$0x800];
	v9, _, _ =	vpop (xrf1)  }
0xc1: {  	v9 =	vperm.xlane v9, v1;
	_ =	sdelay $0x1  }
0xc2: {  	v8 =	vmin.f32 v8, v9  }
0xc3: {  	(xrf1) =	vsort.ascd.msk.f32 $0xffff, v8, v8  }
0xc4: {  	(xrf1) =	vsort.ascd.msk.f32 $0xffff, v10, v10;
	_ =	sdelay $0xc  }
0xc5: {  	v8, _, _ =	vpop (xrf1)  }
0xc6: {  	v10 =	vld [tilespmem:s1+$0xC00];
	v9, _, _ =	vpop (xrf1)  }
0xc7: {  	v9 =	vperm.xlane v9, v1;
	_ =	sdelay $0x1  }
0xc8: {  	v8 =	vmin.f32 v8, v9  }
0xc9: {  	(xrf1) =	vsort.ascd.msk.f32 $0xffff, v8, v8  }
0xca: {  	(xrf1) =	vsort.ascd.msk.f32 $0xffff, v10, v10;
	_ =	sdelay $0xc  }
0xcb: {  	v8, _, _ =	vpop (xrf1)  }
0xcc: {  	v9, _, _ =	vpop (xrf1)  }
0xcd: {  	v9 =	vperm.xlane v9, v1;
	_ =	sdelay $0x1  }
0xce: {  	v8 =	vmin.f32 v8, v9  }
0xcf: {  	(xrf1) =	vsort.ascd.msk.f32 $0xffff, v8, v8;
	_ =	sdelay $0xd  }
0xd0: {  	v8, _, _ =	vpop (xrf1)  }
0xd1: {  	(xrf0) =	vmax.scan.msk.f32 $0xffff, v8;
	_ =	sdelay $0x5  }
0xd2: {  	v9, _, _ =	vpop (xrf0)  }
0xd3: {  	(v2sf) =	vpush v9, $0xF;
	_ =	sdelay $0xe  }
0xd4: {  	s0 =	sxor.u32 $0x80000000, s0;
	s23 =	spop (v2sf)  }
0xd5: {  	v9 =	vmov s0;
	s3 =	smin.f32 s3, s23  }
0xd6: {  	vm1 =	vne.s32 v9, v0;
	vm2 =	vle.f32 v6, s3  }
0xd7: {  	vm1 =	vmand vm1, vm2  }
0xd8: {  	vm0 =	vmand vm0, vm1  }
0xd9: {  	v9 =	vsel vm0, $0x3F800000, v2  }
0xda: {  	(xrf0) =	vmax.scan.msk.f32 $0xffff, v9;
	_ =	sdelay $0x5  }
0xdb: {  	v9, _, _ =	vpop (xrf0)  }
0xdc: {  	(v2sf) =	vpush v9, $0xF;
	_ =	sdelay $0xe  }
0xdd: {  	s31 =	spop (v2sf)  }
0xde: {  	p0 =	sgt.f32 s31, $0.0e+00  }
.Ltmp9:
0xdf: {  	_ = 	snop;
	(pc) =	sbr.rel @p0 .LBB2_7-.Ltmp9, $1  }
0xe0: {  	_ =	sdelay $0x3  }
0xe1: {  	v9 =	vmov s3  }
.LBB2_9:
0xe2: {  	vm0 =	vle.f32 v5, v9  }
0xe3: {  	v10 =	vsel vm0, $0x3F800000, v2  }
0xe4: {  	(xrf0) =	vmax.scan.msk.f32 $0xffff, v10;
	_ =	sdelay $0x5  }
0xe5: {  	v10, _, _ =	vpop (xrf0)  }
0xe6: {  	(v2sf) =	vpush v10, $0xF;
	_ =	sdelay $0xe  }
0xe7: {  	s0 =	spop (v2sf)  }
0xe8: {  	p0 =	sgt.f32 s0, $0.0e+00  }
.Ltmp10:
0xe9: {  	_ = 	snop;
	(pc) =	sbr.rel @!p0 .LBB2_12-.Ltmp10, $2  }
0xea: {  	_ =	sdelay $0x2  }
0xeb: {  	s31 =	sor.u32 $0x200, s29  }
.LBB2_10:
0xec: {  	v9 =	vmctz.xlane vm0;
	_ =	sdelay $0x1  }
0xed: {  	v9 =	vxor.u32 $0x80000000, v9  }
0xee: {  	(xrf0) =	vmax.scan.msk.u32 $0xffff, v9;
	_ =	sdelay $0x5  }
0xef: {  	v9, _, _ =	vpop (xrf0)  }
0xf0: {  	(v2sf) =	vpush v9, $0xF;
	_ =	sdelay $0xe  }
0xf1: {  	s0 =	spop (v2sf)  }
0xf2: {  	s1 =	sshll.u32 s0, $0x4  }
0xf3: {  	s15 =	sadd.s32 s31, s1  }
0xf4: {  	s1 =	sand.u32 $0x70, s1;
	s15 =	sand.u32 $0xFFFFFF80, s15  }
0xf5: {  	s1 =	sor.u32 s1, s15  }
0xf6: {  	v9 =	vld [tilespmem:s1+$0x0];
	_ =	sdelay $0x4  }
0xf7: {  	(xrf1) =	vsort.ascd.msk.f32 $0xffff, v9, v9;
	_ =	sdelay $0xd  }
0xf8: {  	v10 =	vld [tilespmem:s1+$0x400];
	v9, _, _ =	vpop (xrf1)  }
0xf9: {  	v9 =	vperm.xlane v9, v1;
	_ =	sdelay $0x1  }
0xfa: {  	v8 =	vmin.f32 v8, v9  }
0xfb: {  	(xrf1) =	vsort.ascd.msk.f32 $0xffff, v8, v8  }
0xfc: {  	(xrf1) =	vsort.ascd.msk.f32 $0xffff, v10, v10;
	_ =	sdelay $0xc  }
0xfd: {  	v8, _, _ =	vpop (xrf1)  }
0xfe: {  	v10 =	vld [tilespmem:s1+$0x800];
	v9, _, _ =	vpop (xrf1)  }
0xff: {  	v9 =	vperm.xlane v9, v1;
	_ =	sdelay $0x1  }
0x100: {  	v8 =	vmin.f32 v8, v9  }
0x101: {  	(xrf1) =	vsort.ascd.msk.f32 $0xffff, v8, v8  }
0x102: {  	(xrf1) =	vsort.ascd.msk.f32 $0xffff, v10, v10;
	_ =	sdelay $0xc  }
0x103: {  	v8, _, _ =	vpop (xrf1)  }
0x104: {  	v10 =	vld [tilespmem:s1+$0xC00];
	v9, _, _ =	vpop (xrf1)  }
0x105: {  	v9 =	vperm.xlane v9, v1;
	_ =	sdelay $0x1  }
0x106: {  	v8 =	vmin.f32 v8, v9  }
0x107: {  	(xrf1) =	vsort.ascd.msk.f32 $0xffff, v8, v8  }
0x108: {  	(xrf1) =	vsort.ascd.msk.f32 $0xffff, v10, v10;
	_ =	sdelay $0xc  }
0x109: {  	v8, _, _ =	vpop (xrf1)  }
0x10a: {  	v9, _, _ =	vpop (xrf1)  }
0x10b: {  	v9 =	vperm.xlane v9, v1;
	_ =	sdelay $0x1  }
0x10c: {  	v8 =	vmin.f32 v8, v9  }
0x10d: {  	(xrf1) =	vsort.ascd.msk.f32 $0xffff, v8, v8;
	_ =	sdelay $0xd  }
0x10e: {  	v8, _, _ =	vpop (xrf1)  }
0x10f: {  	(xrf0) =	vmax.scan.msk.f32 $0xffff, v8;
	_ =	sdelay $0x5  }
0x110: {  	v9, _, _ =	vpop (xrf0)  }
0x111: {  	(v2sf) =	vpush v9, $0xF;
	_ =	sdelay $0xe  }
0x112: {  	s0 =	sxor.u32 $0x80000000, s0;
	s17 =	spop (v2sf)  }
0x113: {  	v9 =	vmov s0;
	s3 =	smin.f32 s3, s17  }
0x114: {  	vm1 =	vne.s32 v9, v0;
	vm2 =	vle.f32 v5, s3  }
0x115: {  	vm1 =	vmand vm1, vm2  }
0x116: {  	vm0 =	vmand vm0, vm1  }
0x117: {  	v9 =	vsel vm0, $0x3F800000, v2  }
0x118: {  	(xrf0) =	vmax.scan.msk.f32 $0xffff, v9;
	_ =	sdelay $0x5  }
0x119: {  	v9, _, _ =	vpop (xrf0)  }
0x11a: {  	(v2sf) =	vpush v9, $0xF;
	_ =	sdelay $0xe  }
0x11b: {  	s23 =	spop (v2sf)  }
0x11c: {  	p0 =	sgt.f32 s23, $0.0e+00  }
.Ltmp11:
0x11d: {  	_ = 	snop;
	(pc) =	sbr.rel @p0 .LBB2_10-.Ltmp11, $1  }
0x11e: {  	_ =	sdelay $0x3  }
0x11f: {  	v9 =	vmov s3  }
.LBB2_12:
0x120: {  	vm0 =	vle.f32 v4, v9  }
0x121: {  	v9 =	vsel vm0, $0x3F800000, v2  }
0x122: {  	(xrf0) =	vmax.scan.msk.f32 $0xffff, v9;
	_ =	sdelay $0x5  }
0x123: {  	v9, _, _ =	vpop (xrf0)  }
0x124: {  	(v2sf) =	vpush v9, $0xF;
	_ =	sdelay $0xe  }
0x125: {  	s0 =	spop (v2sf)  }
0x126: {  	p0 =	sgt.f32 s0, $0.0e+00  }
.Ltmp12:
0x127: {  	_ = 	snop;
	(pc) =	sbr.rel @!p0 .LBB2_13-.Ltmp12, $2  }
0x128: {  	_ =	sdelay $0x2  }
0x129: {  	s0 =	sor.u32 $0x300, s29  }
.LBB2_14:
0x12a: {  	v9 =	vmctz.xlane vm0;
	_ =	sdelay $0x1  }
0x12b: {  	v9 =	vxor.u32 $0x80000000, v9  }
0x12c: {  	(xrf0) =	vmax.scan.msk.u32 $0xffff, v9;
	_ =	sdelay $0x5  }
0x12d: {  	v9, _, _ =	vpop (xrf0)  }
0x12e: {  	(v2sf) =	vpush v9, $0xF;
	_ =	sdelay $0xe  }
0x12f: {  	s1 =	spop (v2sf)  }
0x130: {  	s15 =	sshll.u32 s1, $0x4  }
0x131: {  	s17 =	sadd.s32 s0, s15  }
0x132: {  	s15 =	sand.u32 $0x70, s15;
	s17 =	sand.u32 $0xFFFFFF80, s17  }
0x133: {  	s15 =	sor.u32 s15, s17  }
0x134: {  	v9 =	vld [tilespmem:s15+$0x0];
	_ =	sdelay $0x4  }
0x135: {  	(xrf1) =	vsort.ascd.msk.f32 $0xffff, v9, v9;
	_ =	sdelay $0xd  }
0x136: {  	v10 =	vld [tilespmem:s15+$0x400];
	v9, _, _ =	vpop (xrf1)  }
0x137: {  	v9 =	vperm.xlane v9, v1;
	_ =	sdelay $0x1  }
0x138: {  	v8 =	vmin.f32 v8, v9  }
0x139: {  	(xrf1) =	vsort.ascd.msk.f32 $0xffff, v8, v8  }
0x13a: {  	(xrf1) =	vsort.ascd.msk.f32 $0xffff, v10, v10;
	_ =	sdelay $0xc  }
0x13b: {  	v8, _, _ =	vpop (xrf1)  }
0x13c: {  	v10 =	vld [tilespmem:s15+$0x800];
	v9, _, _ =	vpop (xrf1)  }
0x13d: {  	v9 =	vperm.xlane v9, v1;
	_ =	sdelay $0x1  }
0x13e: {  	v8 =	vmin.f32 v8, v9  }
0x13f: {  	(xrf1) =	vsort.ascd.msk.f32 $0xffff, v8, v8  }
0x140: {  	(xrf1) =	vsort.ascd.msk.f32 $0xffff, v10, v10;
	_ =	sdelay $0xc  }
0x141: {  	v8, _, _ =	vpop (xrf1)  }
0x142: {  	v10 =	vld [tilespmem:s15+$0xC00];
	v9, _, _ =	vpop (xrf1)  }
0x143: {  	v9 =	vperm.xlane v9, v1;
	_ =	sdelay $0x1  }
0x144: {  	v8 =	vmin.f32 v8, v9  }
0x145: {  	(xrf1) =	vsort.ascd.msk.f32 $0xffff, v8, v8  }
0x146: {  	(xrf1) =	vsort.ascd.msk.f32 $0xffff, v10, v10;
	_ =	sdelay $0xc  }
0x147: {  	v8, _, _ =	vpop (xrf1)  }
0x148: {  	v9, _, _ =	vpop (xrf1)  }
0x149: {  	v9 =	vperm.xlane v9, v1;
	_ =	sdelay $0x1  }
0x14a: {  	v8 =	vmin.f32 v8, v9  }
0x14b: {  	(xrf1) =	vsort.ascd.msk.f32 $0xffff, v8, v8;
	_ =	sdelay $0xd  }
0x14c: {  	v8, _, _ =	vpop (xrf1)  }
0x14d: {  	(xrf0) =	vmax.scan.msk.f32 $0xffff, v8;
	_ =	sdelay $0x5  }
0x14e: {  	v9, _, _ =	vpop (xrf0)  }
0x14f: {  	(v2sf) =	vpush v9, $0xF;
	_ =	sdelay $0xe  }
0x150: {  	s1 =	sxor.u32 $0x80000000, s1;
	s17 =	spop (v2sf)  }
0x151: {  	v10 =	vmov s1;
	s3 =	smin.f32 s3, s17  }
0x152: {  	vm1 =	vne.s32 v10, v0;
	vm2 =	vle.f32 v4, s3  }
0x153: {  	vm1 =	vmand vm1, vm2  }
0x154: {  	vm0 =	vmand vm0, vm1  }
0x155: {  	v10 =	vsel vm0, $0x3F800000, v2  }
0x156: {  	(xrf0) =	vmax.scan.msk.f32 $0xffff, v10;
	_ =	sdelay $0x5  }
0x157: {  	v10, _, _ =	vpop (xrf0)  }
0x158: {  	(v2sf) =	vpush v10, $0xF;
	_ =	sdelay $0xe  }
0x159: {  	s23 =	spop (v2sf)  }
0x15a: {  	p0 =	sgt.f32 s23, $0.0e+00  }
.Ltmp13:
0x15b: {  	_ = 	snop;
	(pc) =	sbr.rel @p0 .LBB2_14-.Ltmp13, $1  }
0x15c: {  	_ =	sdelay $0x3  }
.Ltmp14:
0x15d: {  	_ = 	snop;
	(pc) =	sbr.rel .LBB2_15-.Ltmp14, $1  }
0x15e: {  	_ =	sdelay $0x3  }
.LBB2_13:
0x15f: {  	(xrf0) =	vmax.scan.msk.f32 $0xffff, v8;
	_ =	sdelay $0x5  }
0x160: {  	v9, _, _ =	vpop (xrf0)  }
.LBB2_15:
0x161: {  	v8 =	vbroadcast v9, $0xF;
	_ =	sdelay $0x1  }
0x162: {  	vm0 =	vlt.f32 v7, v8  }
0x163: {  	v7 =	vsel vm0, $0x3F800000, v2  }
0x164: {  	(xrf0) =	vmax.scan.msk.f32 $0xffff, v7;
	_ =	sdelay $0x5  }
0x165: {  	v7, _, _ =	vpop (xrf0)  }
0x166: {  	(v2sf) =	vpush v7, $0xF;
	_ =	sdelay $0xe  }
0x167: {  	s1 =	spop (v2sf)  }
0x168: {  	p0 =	sgt.f32 s1, $0.0e+00  }
.Ltmp15:
0x169: {  	_ = 	snop;
	(pc) =	sbr.rel @!p0 .LBB2_17-.Ltmp15, $2  }
0x16a: {  	_ =	sdelay $0x2  }
0x16b: {  	v9 =	vimm.s32 $0x0;
	v7 =	vimm.s32 $0x0  }
.LBB2_16:
0x16c: {  	v10 =	vmctz.xlane vm0;
	_ =	sdelay $0x1  }
0x16d: {  	v10 =	vxor.u32 $0x80000000, v10  }
0x16e: {  	(xrf0) =	vmax.scan.msk.u32 $0xffff, v10;
	_ =	sdelay $0x5  }
0x16f: {  	v10, _, _ =	vpop (xrf0)  }
0x170: {  	(v2sf) =	vpush v10, $0xF;
	_ =	sdelay $0xe  }
0x171: {  	s1 =	spop (v2sf)  }
0x172: {  	s3 =	sxor.u32 $0x80000000, s1  }
0x173: {  	v10 =	vmov s3  }
0x174: {  	vm1 =	vne.s32 v10, v0  }
0x175: {  	vm0 =	vmand vm0, vm1  }
0x176: {  	v10 =	vsel vm0, $0x3F800000, v2  }
0x177: {  	(xrf0) =	vmax.scan.msk.f32 $0xffff, v10;
	_ =	sdelay $0x5  }
0x178: {  	v10, _, _ =	vpop (xrf0)  }
0x179: {  	(v2sf) =	vpush v10, $0xF;
	_ =	sdelay $0x2  }
0x17a: {  	s1 =	sshll.u32 s1, $0x4  }
0x17b: {  	v11 =	vld [tilespmem:s1+$0x10400]  }
0x17c: {  	v12 =	vld [tilespmem:s1+$0x11400]  }
0x17d: {  	s17 =	sadd.s32 s29, s1;
	v14 =	vld [tilespmem:s1+$0x10800]  }
0x17e: {  	s15 =	sand.u32 $0x70, s1;
	v15 =	vld [tilespmem:s1+$0x11800];
	s3 =	sand.u32 $0xFFFFFF80, s17  }
0x17f: {  	v17 =	vld [tilespmem:s1+$0x10C00];
	s3 =	sor.u32 s15, s3  }
0x180: {  	v10 =	vld [tilespmem:s3+$0x0]  }
0x181: {  	v18 =	vld [tilespmem:s1+$0x11C00]  }
0x182: {  	v13 =	vld [tilespmem:s3+$0x400]  }
0x183: {  	v16 =	vld [tilespmem:s3+$0x800]  }
0x184: {  	v20 =	vld [tilespmem:s1+$0x12000]  }
0x185: {  	v19 =	vld [tilespmem:s3+$0xC00];
	vm1 =	vlt.f32 v10, v8  }
0x186: {  	v10 =	vld [tilespmem:s1+$0x11000];
	v11 =	vnsel vm1, $0x0, v11;
	v12 =	vnsel vm1, $0x0, v12;
	s23 =	spop (v2sf)  }
0x187: {  	vm1 =	vlt.f32 v13, v8;
	v9 =	vadd.s32 v9, v11;
	v7 =	vadd.s32 v7, v12;
	p0 =	sgt.f32 s23, $0.0e+00  }
.Ltmp16:
0x188: {  	v11 =	vnsel vm1, $0x0, v14;
	v63 =	vnsel vm1, $0x0, v15;
	vm1 =	vlt.f32 v16, v8;
	(pc) =	sbr.rel @p0 .LBB2_16-.Ltmp16, $4  }
0x189: {  	v9 =	vadd.s32 v11, v9;
	v7 =	vadd.s32 v63, v7;
	v11 =	vnsel vm1, $0x0, v17  }
0x18a: {  	v9 =	vadd.s32 v11, v9;
	v11 =	vnsel vm1, $0x0, v18;
	vm1 =	vlt.f32 v19, v8  }
0x18b: {  	v7 =	vadd.s32 v11, v7;
	v10 =	vnsel vm1, $0x0, v10;
	v11 =	vnsel vm1, $0x0, v20  }
0x18c: {  	v9 =	vadd.s32 v10, v9;
	v7 =	vadd.s32 v11, v7  }
.LBB2_17:
0x18d: {  	vm0 =	vlt.f32 v6, v8  }
0x18e: {  	v6 =	vsel vm0, $0x3F800000, v2  }
0x18f: {  	(xrf0) =	vmax.scan.msk.f32 $0xffff, v6;
	_ =	sdelay $0x5  }
0x190: {  	v6, _, _ =	vpop (xrf0)  }
0x191: {  	(v2sf) =	vpush v6, $0xF;
	_ =	sdelay $0xe  }
0x192: {  	s1 =	spop (v2sf)  }
0x193: {  	p0 =	sgt.f32 s1, $0.0e+00  }
.Ltmp17:
0x194: {  	_ = 	snop;
	(pc) =	sbr.rel @!p0 .LBB2_19-.Ltmp17, $1  }
0x195: {  	_ =	sdelay $0x3  }
.LBB2_18:
0x196: {  	v6 =	vmctz.xlane vm0;
	_ =	sdelay $0x1  }
0x197: {  	v6 =	vxor.u32 $0x80000000, v6  }
0x198: {  	(xrf0) =	vmax.scan.msk.u32 $0xffff, v6;
	_ =	sdelay $0x5  }
0x199: {  	v6, _, _ =	vpop (xrf0)  }
0x19a: {  	(v2sf) =	vpush v6, $0xF;
	_ =	sdelay $0xe  }
0x19b: {  	s1 =	spop (v2sf)  }
0x19c: {  	s3 =	sxor.u32 $0x80000000, s1  }
0x19d: {  	v6 =	vmov s3  }
0x19e: {  	vm1 =	vne.s32 v6, v0  }
0x19f: {  	vm0 =	vmand vm0, vm1  }
0x1a0: {  	v6 =	vsel vm0, $0x3F800000, v2  }
0x1a1: {  	(xrf0) =	vmax.scan.msk.f32 $0xffff, v6;
	_ =	sdelay $0x5  }
0x1a2: {  	v6, _, _ =	vpop (xrf0)  }
0x1a3: {  	(v2sf) =	vpush v6, $0xF;
	_ =	sdelay $0x2  }
0x1a4: {  	s1 =	sshll.u32 s1, $0x4  }
0x1a5: {  	v10 =	vld [tilespmem:s1+$0x10500]  }
0x1a6: {  	v11 =	vld [tilespmem:s1+$0x11500]  }
0x1a7: {  	s23 =	sadd.s32 s30, s1;
	v13 =	vld [tilespmem:s1+$0x10900]  }
0x1a8: {  	s15 =	sand.u32 $0x70, s1;
	v14 =	vld [tilespmem:s1+$0x11900];
	s3 =	sand.u32 $0xFFFFFF80, s23  }
0x1a9: {  	v16 =	vld [tilespmem:s1+$0x10D00];
	s3 =	sor.u32 s15, s3  }
0x1aa: {  	v6 =	vld [tilespmem:s3+$0x0]  }
0x1ab: {  	v17 =	vld [tilespmem:s1+$0x11D00]  }
0x1ac: {  	v12 =	vld [tilespmem:s3+$0x400]  }
0x1ad: {  	v15 =	vld [tilespmem:s3+$0x800]  }
0x1ae: {  	v19 =	vld [tilespmem:s1+$0x12100]  }
0x1af: {  	v18 =	vld [tilespmem:s3+$0xC00];
	vm1 =	vlt.f32 v6, v8  }
0x1b0: {  	v6 =	vld [tilespmem:s1+$0x11100];
	v10 =	vnsel vm1, $0x0, v10;
	v11 =	vnsel vm1, $0x0, v11;
	s29 =	spop (v2sf)  }
0x1b1: {  	vm1 =	vlt.f32 v12, v8;
	v9 =	vadd.s32 v9, v10;
	v7 =	vadd.s32 v7, v11;
	p0 =	sgt.f32 s29, $0.0e+00  }
.Ltmp18:
0x1b2: {  	v10 =	vnsel vm1, $0x0, v13;
	v11 =	vnsel vm1, $0x0, v14;
	vm1 =	vlt.f32 v15, v8;
	(pc) =	sbr.rel @p0 .LBB2_18-.Ltmp18, $4  }
0x1b3: {  	v9 =	vadd.s32 v10, v9;
	v7 =	vadd.s32 v11, v7;
	v10 =	vnsel vm1, $0x0, v16  }
0x1b4: {  	v9 =	vadd.s32 v10, v9;
	v10 =	vnsel vm1, $0x0, v17;
	vm1 =	vlt.f32 v18, v8  }
0x1b5: {  	v7 =	vadd.s32 v10, v7;
	v6 =	vnsel vm1, $0x0, v6;
	v10 =	vnsel vm1, $0x0, v19  }
0x1b6: {  	v9 =	vadd.s32 v6, v9;
	v7 =	vadd.s32 v10, v7  }
.LBB2_19:
0x1b7: {  	vm0 =	vlt.f32 v5, v8  }
0x1b8: {  	v5 =	vsel vm0, $0x3F800000, v2  }
0x1b9: {  	(xrf0) =	vmax.scan.msk.f32 $0xffff, v5;
	_ =	sdelay $0x5  }
0x1ba: {  	v5, _, _ =	vpop (xrf0)  }
0x1bb: {  	(v2sf) =	vpush v5, $0xF;
	_ =	sdelay $0xe  }
0x1bc: {  	s1 =	spop (v2sf)  }
0x1bd: {  	p0 =	sgt.f32 s1, $0.0e+00  }
.Ltmp19:
0x1be: {  	_ = 	snop;
	(pc) =	sbr.rel @!p0 .LBB2_21-.Ltmp19, $1  }
0x1bf: {  	_ =	sdelay $0x3  }
.LBB2_20:
0x1c0: {  	v5 =	vmctz.xlane vm0;
	_ =	sdelay $0x1  }
0x1c1: {  	v5 =	vxor.u32 $0x80000000, v5  }
0x1c2: {  	(xrf0) =	vmax.scan.msk.u32 $0xffff, v5;
	_ =	sdelay $0x5  }
0x1c3: {  	v5, _, _ =	vpop (xrf0)  }
0x1c4: {  	(v2sf) =	vpush v5, $0xF;
	_ =	sdelay $0xe  }
0x1c5: {  	s1 =	spop (v2sf)  }
0x1c6: {  	s3 =	sxor.u32 $0x80000000, s1  }
0x1c7: {  	v5 =	vmov s3  }
0x1c8: {  	vm1 =	vne.s32 v5, v0  }
0x1c9: {  	vm0 =	vmand vm0, vm1  }
0x1ca: {  	v5 =	vsel vm0, $0x3F800000, v2  }
0x1cb: {  	(xrf0) =	vmax.scan.msk.f32 $0xffff, v5;
	_ =	sdelay $0x5  }
0x1cc: {  	v5, _, _ =	vpop (xrf0)  }
0x1cd: {  	(v2sf) =	vpush v5, $0xF;
	_ =	sdelay $0x2  }
0x1ce: {  	s1 =	sshll.u32 s1, $0x4  }
0x1cf: {  	v6 =	vld [tilespmem:s1+$0x10600]  }
0x1d0: {  	v10 =	vld [tilespmem:s1+$0x11600]  }
0x1d1: {  	s29 =	sadd.s32 s31, s1;
	v12 =	vld [tilespmem:s1+$0x10A00]  }
0x1d2: {  	s15 =	sand.u32 $0x70, s1;
	v13 =	vld [tilespmem:s1+$0x11A00];
	s3 =	sand.u32 $0xFFFFFF80, s29  }
0x1d3: {  	v15 =	vld [tilespmem:s1+$0x10E00];
	s3 =	sor.u32 s15, s3  }
0x1d4: {  	v5 =	vld [tilespmem:s3+$0x0]  }
0x1d5: {  	v16 =	vld [tilespmem:s1+$0x11E00]  }
0x1d6: {  	v11 =	vld [tilespmem:s3+$0x400]  }
0x1d7: {  	v14 =	vld [tilespmem:s3+$0x800]  }
0x1d8: {  	v18 =	vld [tilespmem:s1+$0x12200]  }
0x1d9: {  	v17 =	vld [tilespmem:s3+$0xC00];
	vm1 =	vlt.f32 v5, v8  }
0x1da: {  	v5 =	vld [tilespmem:s1+$0x11200];
	v6 =	vnsel vm1, $0x0, v6;
	v10 =	vnsel vm1, $0x0, v10;
	s30 =	spop (v2sf)  }
0x1db: {  	vm1 =	vlt.f32 v11, v8;
	v6 =	vadd.s32 v9, v6;
	v7 =	vadd.s32 v7, v10;
	p0 =	sgt.f32 s30, $0.0e+00  }
.Ltmp20:
0x1dc: {  	v9 =	vnsel vm1, $0x0, v12;
	v10 =	vnsel vm1, $0x0, v13;
	vm1 =	vlt.f32 v14, v8;
	(pc) =	sbr.rel @p0 .LBB2_20-.Ltmp20, $4  }
0x1dd: {  	v6 =	vadd.s32 v9, v6;
	v7 =	vadd.s32 v10, v7;
	v9 =	vnsel vm1, $0x0, v15  }
0x1de: {  	v6 =	vadd.s32 v9, v6;
	v9 =	vnsel vm1, $0x0, v16;
	vm1 =	vlt.f32 v17, v8  }
0x1df: {  	v7 =	vadd.s32 v9, v7;
	v5 =	vnsel vm1, $0x0, v5;
	v10 =	vnsel vm1, $0x0, v18  }
0x1e0: {  	v9 =	vadd.s32 v5, v6;
	v7 =	vadd.s32 v10, v7  }
.LBB2_21:
0x1e1: {  	vm0 =	vlt.f32 v4, v8  }
0x1e2: {  	v4 =	vsel vm0, $0x3F800000, v2  }
0x1e3: {  	(xrf0) =	vmax.scan.msk.f32 $0xffff, v4;
	_ =	sdelay $0x5  }
0x1e4: {  	v4, _, _ =	vpop (xrf0)  }
0x1e5: {  	(v2sf) =	vpush v4, $0xF;
	_ =	sdelay $0xe  }
0x1e6: {  	s1 =	spop (v2sf)  }
0x1e7: {  	p0 =	sgt.f32 s1, $0.0e+00  }
.Ltmp21:
0x1e8: {  	_ = 	snop;
	(pc) =	sbr.rel @!p0 .LBB2_23-.Ltmp21, $1  }
0x1e9: {  	_ =	sdelay $0x3  }
.LBB2_22:
0x1ea: {  	v4 =	vmctz.xlane vm0;
	_ =	sdelay $0x1  }
0x1eb: {  	v4 =	vxor.u32 $0x80000000, v4  }
0x1ec: {  	(xrf0) =	vmax.scan.msk.u32 $0xffff, v4;
	_ =	sdelay $0x5  }
0x1ed: {  	v4, _, _ =	vpop (xrf0)  }
0x1ee: {  	(v2sf) =	vpush v4, $0xF;
	_ =	sdelay $0xe  }
0x1ef: {  	s1 =	spop (v2sf)  }
0x1f0: {  	s3 =	sxor.u32 $0x80000000, s1  }
0x1f1: {  	v4 =	vmov s3  }
0x1f2: {  	vm1 =	vne.s32 v4, v0  }
0x1f3: {  	vm0 =	vmand vm0, vm1  }
0x1f4: {  	v4 =	vsel vm0, $0x3F800000, v2  }
0x1f5: {  	(xrf0) =	vmax.scan.msk.f32 $0xffff, v4;
	_ =	sdelay $0x5  }
0x1f6: {  	v4, _, _ =	vpop (xrf0)  }
0x1f7: {  	(v2sf) =	vpush v4, $0xF;
	_ =	sdelay $0x2  }
0x1f8: {  	s1 =	sshll.u32 s1, $0x4  }
0x1f9: {  	v5 =	vld [tilespmem:s1+$0x10700]  }
0x1fa: {  	v6 =	vld [tilespmem:s1+$0x11700]  }
0x1fb: {  	s30 =	sadd.s32 s0, s1;
	v11 =	vld [tilespmem:s1+$0x10B00]  }
0x1fc: {  	s15 =	sand.u32 $0x70, s1;
	v12 =	vld [tilespmem:s1+$0x11B00];
	s3 =	sand.u32 $0xFFFFFF80, s30  }
0x1fd: {  	v14 =	vld [tilespmem:s1+$0x10F00];
	s3 =	sor.u32 s15, s3  }
0x1fe: {  	v4 =	vld [tilespmem:s3+$0x0]  }
0x1ff: {  	v15 =	vld [tilespmem:s1+$0x11F00]  }
0x200: {  	v10 =	vld [tilespmem:s3+$0x400]  }
0x201: {  	v13 =	vld [tilespmem:s3+$0x800]  }
0x202: {  	v17 =	vld [tilespmem:s1+$0x12300]  }
0x203: {  	v16 =	vld [tilespmem:s3+$0xC00];
	vm1 =	vlt.f32 v4, v8  }
0x204: {  	v4 =	vld [tilespmem:s1+$0x11300];
	v5 =	vnsel vm1, $0x0, v5;
	v6 =	vnsel vm1, $0x0, v6;
	s31 =	spop (v2sf)  }
0x205: {  	vm1 =	vlt.f32 v10, v8;
	v5 =	vadd.s32 v9, v5;
	v6 =	vadd.s32 v7, v6;
	p0 =	sgt.f32 s31, $0.0e+00  }
.Ltmp22:
0x206: {  	v7 =	vnsel vm1, $0x0, v11;
	v9 =	vnsel vm1, $0x0, v12;
	vm1 =	vlt.f32 v13, v8;
	(pc) =	sbr.rel @p0 .LBB2_22-.Ltmp22, $4  }
0x207: {  	v5 =	vadd.s32 v7, v5;
	v6 =	vadd.s32 v9, v6;
	v7 =	vnsel vm1, $0x0, v14  }
0x208: {  	v5 =	vadd.s32 v7, v5;
	v7 =	vnsel vm1, $0x0, v15;
	vm1 =	vlt.f32 v16, v8  }
0x209: {  	v6 =	vadd.s32 v7, v6;
	v4 =	vnsel vm1, $0x0, v4;
	v7 =	vnsel vm1, $0x0, v17  }
0x20a: {  	v9 =	vadd.s32 v4, v5;
	v7 =	vadd.s32 v7, v6  }
.Ltmp23:
0x20b: {  	_ = 	snop;
	(pc) =	sbr.rel .LBB2_23-.Ltmp23, $1  }
0x20c: {  	_ =	sdelay $0x3  }
.LBB2_24:
0x20d: {  	s26 =	sshll.u32 s25, $0x1  }
0x20e: {  	s0 =	smin.u32 s26, $0xD  }
0x20f: {  	s0 =	sshll.u32 s0, $0x3  }
0x210: {  	s0 =	sadd.s32 s0, s11  }
0x211: {  	s1 =	sshll.u32 s0, $0x9  }
0x212: {  	s0 =	sshll.u32 s0, $0x3;
	s1 =	sand.u32 $0x3FF000, s1  }
0x213: {  	s28 =	simm.s32 $0x0;
	s0 =	sand.u32 $0xFFC0, s0;
	s1 =	sadd.s32 s4, s1  }
0x214: {  	[tilespmem:s28], [sflag:$0x1] =	stream.linear.gather [hbm4b:s1+s28], $0x8000, $0x38;
	[tilespmem:$0x12C00] =	vst v63  }
0x215: {  	s0 =	sadd.s32 s5, s0  }
0x216: {  	[tilespmem:s18], [sflag:$0x1] =	stream.linear.gather [hbm4b:s0+s28], $0x200, $0x38;
	[tilespmem:$0x12C00] =	vst v63  }
0x217: {  	_ =	swait.ge [sflag:s22], $0x8000  }
.Ltmp24:
0x218: {  	[sflag:s22] =	ssyncset.done $0x0;
	(pc) =	sbr.rel .LBB2_25-.Ltmp24, $4  }
0x219: {  	[sflag:s22] =	ssyncadd.s32 $0xFFFF8000  }
0x21a: {  	_ =	swait.ge [sflag:s22], $0x200  }
0x21b: {  	[sflag:s22] =	ssyncset.done $0x0  }
0x21c: {  	[sflag:s22] =	ssyncadd.s32 $0xFFFFFE00  }
.LBB2_45:
0x21d: {  	(xrf0) =	vadd.scan.msk.s32 $0xffff, v10  }
0x21e: {  	(xrf0) =	vadd.scan.msk.s32 $0xffff, v8;
	_ =	sdelay $0x4  }
0x21f: {  	v5, _, _ =	vpop (xrf0)  }
0x220: {  	v6, _, _ =	vpop (xrf0)  }
0x221: {  	v5 =	vbroadcast v5, $0xF;
	v6 =	vbroadcast v6, $0xF  }
0x222: {  	s28 =	sadd.s32 $0x1, s28  }
0x223: {  	p0 =	sne.s32 s28, $0x8;
	v5 =	vsel vm0, v5, v6  }
.Ltmp25:
0x224: {  	v5 =	vshra.s32 v5, v4;
	(pc) =	sbr.rel @!p0 .LBB2_46-.Ltmp25, $4  }
0x225: {  	v5 =	vand.u32 $0xF, v5  }
0x226: {  	v5 =	vcvt.s32.f32 v5  }
0x227: {  	s0 =	sshrl.u32 s29, $0x2  }
0x228: {  	[tilespmem:v3+s0+$0x80 ss:$0x1] =	vst.idx.msk $0xffff, v5  }
.LBB2_25:
0x229: {  	s29 =	sshll.u32 s28, $0x6  }
0x22a: {  	v8 =	vld [tilespmem:s29+$0x10200]  }
0x22b: {  	v7 =	vld [tilespmem:s29+$0x10210]  }
0x22c: {  	v6 =	vld [tilespmem:s29+$0x10220]  }
0x22d: {  	v5 =	vld [tilespmem:s29+$0x10230];
	_ =	sdelay $0x1  }
0x22e: {  	(xrf1) =	vsort.ascd.msk.f32 $0xffff, v8, v8  }
0x22f: {  	(xrf1) =	vsort.ascd.msk.f32 $0xffff, v7, v7  }
0x230: {  	(xrf1) =	vsort.ascd.msk.f32 $0xffff, v6, v6  }
0x231: {  	(xrf1) =	vsort.ascd.msk.f32 $0xffff, v5, v5;
	_ =	sdelay $0xa  }
0x232: {  	v9, _, _ =	vpop (xrf1)  }
0x233: {  	v10, _, _ =	vpop (xrf1)  }
0x234: {  	v11, _, _ =	vpop (xrf1)  }
0x235: {  	v10 =	vperm.xlane v10, v1;
	v12, _, _ =	vpop (xrf1)  }
0x236: {  	v12 =	vperm.xlane v12, v1  }
0x237: {  	v9 =	vmin.f32 v9, v10  }
0x238: {  	(xrf1) =	vsort.ascd.msk.f32 $0xffff, v9, v9;
	v9 =	vmin.f32 v11, v12  }
0x239: {  	(xrf1) =	vsort.ascd.msk.f32 $0xffff, v9, v9;
	_ =	sdelay $0xc  }
0x23a: {  	v9, _, _ =	vpop (xrf1)  }
0x23b: {  	v10, _, _ =	vpop (xrf1)  }
0x23c: {  	v10 =	vperm.xlane v10, v1;
	_ =	sdelay $0x1  }
0x23d: {  	v9 =	vmin.f32 v9, v10  }
0x23e: {  	(xrf1) =	vsort.ascd.msk.f32 $0xffff, v9, v9;
	_ =	sdelay $0xd  }
0x23f: {  	v9, _, _ =	vpop (xrf1)  }
0x240: {  	(xrf0) =	vmax.scan.msk.f32 $0xffff, v9;
	_ =	sdelay $0x5  }
0x241: {  	v9, _, _ =	vpop (xrf0)  }
0x242: {  	v10 =	vbroadcast v9, $0xF;
	_ =	sdelay $0x1  }
0x243: {  	vm1 =	vle.f32 v8, v10  }
0x244: {  	v11 =	vsel vm1, $0x3F800000, v2  }
0x245: {  	(xrf0) =	vmax.scan.msk.f32 $0xffff, v11;
	_ =	sdelay $0x5  }
0x246: {  	(v2sf) =	vpush v9, $0xF;
	v9, _, _ =	vpop (xrf0)  }
0x247: {  	(v2sf) =	vpush v9, $0xF;
	_ =	sdelay $0xd  }
0x248: {  	s1 =	spop (v2sf)  }
0x249: {  	s0 =	spop (v2sf)  }
0x24a: {  	p0 =	sgt.f32 s0, $0.0e+00  }
.Ltmp26:
0x24b: {  	_ = 	snop;
	(pc) =	sbr.rel @!p0 .LBB2_28-.Ltmp26, $2  }
0x24c: {  	_ =	sdelay $0x2  }
0x24d: {  	s30 =	sshll.u32 s28, $0xC;
	v9 =	vimm.f32 $+Inf  }
.LBB2_26:
0x24e: {  	v10 =	vmctz.xlane vm1;
	_ =	sdelay $0x1  }
0x24f: {  	v10 =	vxor.u32 $0x80000000, v10  }
0x250: {  	(xrf0) =	vmax.scan.msk.u32 $0xffff, v10;
	_ =	sdelay $0x5  }
0x251: {  	v10, _, _ =	vpop (xrf0)  }
0x252: {  	(v2sf) =	vpush v10, $0xF;
	_ =	sdelay $0xe  }
0x253: {  	s0 =	spop (v2sf)  }
0x254: {  	s3 =	sshll.u32 s0, $0x4  }
0x255: {  	s15 =	sadd.s32 s30, s3  }
0x256: {  	s3 =	sand.u32 $0x70, s3;
	s15 =	sand.u32 $0xFFFFFF80, s15  }
0x257: {  	s3 =	sor.u32 s3, s15  }
0x258: {  	v10 =	vld [tilespmem:s3+$0x8000];
	_ =	sdelay $0x4  }
0x259: {  	(xrf1) =	vsort.ascd.msk.f32 $0xffff, v10, v10;
	_ =	sdelay $0xd  }
0x25a: {  	v11 =	vld [tilespmem:s3+$0x8400];
	v10, _, _ =	vpop (xrf1)  }
0x25b: {  	v10 =	vperm.xlane v10, v1;
	_ =	sdelay $0x1  }
0x25c: {  	v9 =	vmin.f32 v9, v10  }
0x25d: {  	(xrf1) =	vsort.ascd.msk.f32 $0xffff, v9, v9  }
0x25e: {  	(xrf1) =	vsort.ascd.msk.f32 $0xffff, v11, v11;
	_ =	sdelay $0xc  }
0x25f: {  	v9, _, _ =	vpop (xrf1)  }
0x260: {  	v11 =	vld [tilespmem:s3+$0x8800];
	v10, _, _ =	vpop (xrf1)  }
0x261: {  	v10 =	vperm.xlane v10, v1;
	_ =	sdelay $0x1  }
0x262: {  	v9 =	vmin.f32 v9, v10  }
0x263: {  	(xrf1) =	vsort.ascd.msk.f32 $0xffff, v9, v9  }
0x264: {  	(xrf1) =	vsort.ascd.msk.f32 $0xffff, v11, v11;
	_ =	sdelay $0xc  }
0x265: {  	v9, _, _ =	vpop (xrf1)  }
0x266: {  	v11 =	vld [tilespmem:s3+$0x8C00];
	v10, _, _ =	vpop (xrf1)  }
0x267: {  	v10 =	vperm.xlane v10, v1;
	_ =	sdelay $0x1  }
0x268: {  	v9 =	vmin.f32 v9, v10  }
0x269: {  	(xrf1) =	vsort.ascd.msk.f32 $0xffff, v9, v9  }
0x26a: {  	(xrf1) =	vsort.ascd.msk.f32 $0xffff, v11, v11;
	_ =	sdelay $0xc  }
0x26b: {  	v9, _, _ =	vpop (xrf1)  }
0x26c: {  	v10, _, _ =	vpop (xrf1)  }
0x26d: {  	v10 =	vperm.xlane v10, v1;
	_ =	sdelay $0x1  }
0x26e: {  	v9 =	vmin.f32 v9, v10  }
0x26f: {  	(xrf1) =	vsort.ascd.msk.f32 $0xffff, v9, v9;
	_ =	sdelay $0xd  }
0x270: {  	v9, _, _ =	vpop (xrf1)  }
0x271: {  	(xrf0) =	vmax.scan.msk.f32 $0xffff, v9;
	_ =	sdelay $0x5  }
0x272: {  	v10, _, _ =	vpop (xrf0)  }
0x273: {  	(v2sf) =	vpush v10, $0xF;
	_ =	sdelay $0xe  }
0x274: {  	s0 =	sxor.u32 $0x80000000, s0;
	s23 =	spop (v2sf)  }
0x275: {  	v10 =	vmov s0;
	s1 =	smin.f32 s1, s23  }
0x276: {  	vm2 =	vne.s32 v10, v0;
	vm3 =	vle.f32 v8, s1  }
0x277: {  	vm2 =	vmand vm2, vm3  }
0x278: {  	vm1 =	vmand vm1, vm2  }
0x279: {  	v10 =	vsel vm1, $0x3F800000, v2  }
0x27a: {  	(xrf0) =	vmax.scan.msk.f32 $0xffff, v10;
	_ =	sdelay $0x5  }
0x27b: {  	v10, _, _ =	vpop (xrf0)  }
0x27c: {  	(v2sf) =	vpush v10, $0xF;
	_ =	sdelay $0xe  }
0x27d: {  	s31 =	spop (v2sf)  }
0x27e: {  	p0 =	sgt.f32 s31, $0.0e+00  }
.Ltmp27:
0x27f: {  	_ = 	snop;
	(pc) =	sbr.rel @p0 .LBB2_26-.Ltmp27, $1  }
0x280: {  	_ =	sdelay $0x3  }
0x281: {  	v10 =	vmov s1  }
.LBB2_28:
0x282: {  	vm1 =	vle.f32 v7, v10  }
0x283: {  	v11 =	vsel vm1, $0x3F800000, v2  }
0x284: {  	(xrf0) =	vmax.scan.msk.f32 $0xffff, v11;
	_ =	sdelay $0x5  }
0x285: {  	v11, _, _ =	vpop (xrf0)  }
0x286: {  	(v2sf) =	vpush v11, $0xF;
	_ =	sdelay $0xe  }
0x287: {  	s0 =	spop (v2sf)  }
0x288: {  	p0 =	sgt.f32 s0, $0.0e+00  }
.Ltmp28:
0x289: {  	_ = 	snop;
	(pc) =	sbr.rel @!p0 .LBB2_31-.Ltmp28, $2  }
0x28a: {  	_ =	sdelay $0x2  }
0x28b: {  	s31 =	sor.u32 $0x100, s30  }
.LBB2_29:
0x28c: {  	v10 =	vmctz.xlane vm1;
	_ =	sdelay $0x1  }
0x28d: {  	v10 =	vxor.u32 $0x80000000, v10  }
0x28e: {  	(xrf0) =	vmax.scan.msk.u32 $0xffff, v10;
	_ =	sdelay $0x5  }
0x28f: {  	v10, _, _ =	vpop (xrf0)  }
0x290: {  	(v2sf) =	vpush v10, $0xF;
	_ =	sdelay $0xe  }
0x291: {  	s0 =	spop (v2sf)  }
0x292: {  	s3 =	sshll.u32 s0, $0x4  }
0x293: {  	s15 =	sadd.s32 s31, s3  }
0x294: {  	s3 =	sand.u32 $0x70, s3;
	s15 =	sand.u32 $0xFFFFFF80, s15  }
0x295: {  	s3 =	sor.u32 s3, s15  }
0x296: {  	v10 =	vld [tilespmem:s3+$0x8000];
	_ =	sdelay $0x4  }
0x297: {  	(xrf1) =	vsort.ascd.msk.f32 $0xffff, v10, v10;
	_ =	sdelay $0xd  }
0x298: {  	v11 =	vld [tilespmem:s3+$0x8400];
	v10, _, _ =	vpop (xrf1)  }
0x299: {  	v10 =	vperm.xlane v10, v1;
	_ =	sdelay $0x1  }
0x29a: {  	v9 =	vmin.f32 v9, v10  }
0x29b: {  	(xrf1) =	vsort.ascd.msk.f32 $0xffff, v9, v9  }
0x29c: {  	(xrf1) =	vsort.ascd.msk.f32 $0xffff, v11, v11;
	_ =	sdelay $0xc  }
0x29d: {  	v9, _, _ =	vpop (xrf1)  }
0x29e: {  	v11 =	vld [tilespmem:s3+$0x8800];
	v10, _, _ =	vpop (xrf1)  }
0x29f: {  	v10 =	vperm.xlane v10, v1;
	_ =	sdelay $0x1  }
0x2a0: {  	v9 =	vmin.f32 v9, v10  }
0x2a1: {  	(xrf1) =	vsort.ascd.msk.f32 $0xffff, v9, v9  }
0x2a2: {  	(xrf1) =	vsort.ascd.msk.f32 $0xffff, v11, v11;
	_ =	sdelay $0xc  }
0x2a3: {  	v9, _, _ =	vpop (xrf1)  }
0x2a4: {  	v11 =	vld [tilespmem:s3+$0x8C00];
	v10, _, _ =	vpop (xrf1)  }
0x2a5: {  	v10 =	vperm.xlane v10, v1;
	_ =	sdelay $0x1  }
0x2a6: {  	v9 =	vmin.f32 v9, v10  }
0x2a7: {  	(xrf1) =	vsort.ascd.msk.f32 $0xffff, v9, v9  }
0x2a8: {  	(xrf1) =	vsort.ascd.msk.f32 $0xffff, v11, v11;
	_ =	sdelay $0xc  }
0x2a9: {  	v9, _, _ =	vpop (xrf1)  }
0x2aa: {  	v10, _, _ =	vpop (xrf1)  }
0x2ab: {  	v10 =	vperm.xlane v10, v1;
	_ =	sdelay $0x1  }
0x2ac: {  	v9 =	vmin.f32 v9, v10  }
0x2ad: {  	(xrf1) =	vsort.ascd.msk.f32 $0xffff, v9, v9;
	_ =	sdelay $0xd  }
0x2ae: {  	v9, _, _ =	vpop (xrf1)  }
0x2af: {  	(xrf0) =	vmax.scan.msk.f32 $0xffff, v9;
	_ =	sdelay $0x5  }
0x2b0: {  	v10, _, _ =	vpop (xrf0)  }
0x2b1: {  	(v2sf) =	vpush v10, $0xF;
	_ =	sdelay $0xe  }
0x2b2: {  	s0 =	sxor.u32 $0x80000000, s0;
	s17 =	spop (v2sf)  }
0x2b3: {  	v10 =	vmov s0;
	s1 =	smin.f32 s1, s17  }
0x2b4: {  	vm2 =	vne.s32 v10, v0;
	vm3 =	vle.f32 v7, s1  }
0x2b5: {  	vm2 =	vmand vm2, vm3  }
0x2b6: {  	vm1 =	vmand vm1, vm2  }
0x2b7: {  	v10 =	vsel vm1, $0x3F800000, v2  }
0x2b8: {  	(xrf0) =	vmax.scan.msk.f32 $0xffff, v10;
	_ =	sdelay $0x5  }
0x2b9: {  	v10, _, _ =	vpop (xrf0)  }
0x2ba: {  	(v2sf) =	vpush v10, $0xF;
	_ =	sdelay $0xe  }
0x2bb: {  	s23 =	spop (v2sf)  }
0x2bc: {  	p0 =	sgt.f32 s23, $0.0e+00  }
.Ltmp29:
0x2bd: {  	_ = 	snop;
	(pc) =	sbr.rel @p0 .LBB2_29-.Ltmp29, $1  }
0x2be: {  	_ =	sdelay $0x3  }
0x2bf: {  	v10 =	vmov s1  }
.LBB2_31:
0x2c0: {  	vm1 =	vle.f32 v6, v10  }
0x2c1: {  	v11 =	vsel vm1, $0x3F800000, v2  }
0x2c2: {  	(xrf0) =	vmax.scan.msk.f32 $0xffff, v11;
	_ =	sdelay $0x5  }
0x2c3: {  	v11, _, _ =	vpop (xrf0)  }
0x2c4: {  	(v2sf) =	vpush v11, $0xF;
	_ =	sdelay $0xe  }
0x2c5: {  	s0 =	spop (v2sf)  }
0x2c6: {  	p0 =	sgt.f32 s0, $0.0e+00  }
.Ltmp30:
0x2c7: {  	_ = 	snop;
	(pc) =	sbr.rel @!p0 .LBB2_34-.Ltmp30, $2  }
0x2c8: {  	_ =	sdelay $0x2  }
0x2c9: {  	s0 =	sor.u32 $0x200, s30  }
.LBB2_32:
0x2ca: {  	v10 =	vmctz.xlane vm1;
	_ =	sdelay $0x1  }
0x2cb: {  	v10 =	vxor.u32 $0x80000000, v10  }
0x2cc: {  	(xrf0) =	vmax.scan.msk.u32 $0xffff, v10;
	_ =	sdelay $0x5  }
0x2cd: {  	v10, _, _ =	vpop (xrf0)  }
0x2ce: {  	(v2sf) =	vpush v10, $0xF;
	_ =	sdelay $0xe  }
0x2cf: {  	s3 =	spop (v2sf)  }
0x2d0: {  	s15 =	sshll.u32 s3, $0x4  }
0x2d1: {  	s17 =	sadd.s32 s0, s15  }
0x2d2: {  	s15 =	sand.u32 $0x70, s15;
	s17 =	sand.u32 $0xFFFFFF80, s17  }
0x2d3: {  	s15 =	sor.u32 s15, s17  }
0x2d4: {  	v10 =	vld [tilespmem:s15+$0x8000];
	_ =	sdelay $0x4  }
0x2d5: {  	(xrf1) =	vsort.ascd.msk.f32 $0xffff, v10, v10;
	_ =	sdelay $0xd  }
0x2d6: {  	v11 =	vld [tilespmem:s15+$0x8400];
	v10, _, _ =	vpop (xrf1)  }
0x2d7: {  	v10 =	vperm.xlane v10, v1;
	_ =	sdelay $0x1  }
0x2d8: {  	v9 =	vmin.f32 v9, v10  }
0x2d9: {  	(xrf1) =	vsort.ascd.msk.f32 $0xffff, v9, v9  }
0x2da: {  	(xrf1) =	vsort.ascd.msk.f32 $0xffff, v11, v11;
	_ =	sdelay $0xc  }
0x2db: {  	v9, _, _ =	vpop (xrf1)  }
0x2dc: {  	v11 =	vld [tilespmem:s15+$0x8800];
	v10, _, _ =	vpop (xrf1)  }
0x2dd: {  	v10 =	vperm.xlane v10, v1;
	_ =	sdelay $0x1  }
0x2de: {  	v9 =	vmin.f32 v9, v10  }
0x2df: {  	(xrf1) =	vsort.ascd.msk.f32 $0xffff, v9, v9  }
0x2e0: {  	(xrf1) =	vsort.ascd.msk.f32 $0xffff, v11, v11;
	_ =	sdelay $0xc  }
0x2e1: {  	v9, _, _ =	vpop (xrf1)  }
0x2e2: {  	v11 =	vld [tilespmem:s15+$0x8C00];
	v10, _, _ =	vpop (xrf1)  }
0x2e3: {  	v10 =	vperm.xlane v10, v1;
	_ =	sdelay $0x1  }
0x2e4: {  	v9 =	vmin.f32 v9, v10  }
0x2e5: {  	(xrf1) =	vsort.ascd.msk.f32 $0xffff, v9, v9  }
0x2e6: {  	(xrf1) =	vsort.ascd.msk.f32 $0xffff, v11, v11;
	_ =	sdelay $0xc  }
0x2e7: {  	v9, _, _ =	vpop (xrf1)  }
0x2e8: {  	v10, _, _ =	vpop (xrf1)  }
0x2e9: {  	v10 =	vperm.xlane v10, v1;
	_ =	sdelay $0x1  }
0x2ea: {  	v9 =	vmin.f32 v9, v10  }
0x2eb: {  	(xrf1) =	vsort.ascd.msk.f32 $0xffff, v9, v9;
	_ =	sdelay $0xd  }
0x2ec: {  	v9, _, _ =	vpop (xrf1)  }
0x2ed: {  	(xrf0) =	vmax.scan.msk.f32 $0xffff, v9;
	_ =	sdelay $0x5  }
0x2ee: {  	v10, _, _ =	vpop (xrf0)  }
0x2ef: {  	(v2sf) =	vpush v10, $0xF;
	_ =	sdelay $0xe  }
0x2f0: {  	s3 =	sxor.u32 $0x80000000, s3;
	s17 =	spop (v2sf)  }
0x2f1: {  	v10 =	vmov s3;
	s1 =	smin.f32 s1, s17  }
0x2f2: {  	vm2 =	vne.s32 v10, v0;
	vm3 =	vle.f32 v6, s1  }
0x2f3: {  	vm2 =	vmand vm2, vm3  }
0x2f4: {  	vm1 =	vmand vm1, vm2  }
0x2f5: {  	v10 =	vsel vm1, $0x3F800000, v2  }
0x2f6: {  	(xrf0) =	vmax.scan.msk.f32 $0xffff, v10;
	_ =	sdelay $0x5  }
0x2f7: {  	v10, _, _ =	vpop (xrf0)  }
0x2f8: {  	(v2sf) =	vpush v10, $0xF;
	_ =	sdelay $0xe  }
0x2f9: {  	s23 =	spop (v2sf)  }
0x2fa: {  	p0 =	sgt.f32 s23, $0.0e+00  }
.Ltmp31:
0x2fb: {  	_ = 	snop;
	(pc) =	sbr.rel @p0 .LBB2_32-.Ltmp31, $1  }
0x2fc: {  	_ =	sdelay $0x3  }
0x2fd: {  	v10 =	vmov s1  }
.LBB2_34:
0x2fe: {  	vm1 =	vle.f32 v5, v10  }
0x2ff: {  	v10 =	vsel vm1, $0x3F800000, v2  }
0x300: {  	(xrf0) =	vmax.scan.msk.f32 $0xffff, v10;
	_ =	sdelay $0x5  }
0x301: {  	v10, _, _ =	vpop (xrf0)  }
0x302: {  	(v2sf) =	vpush v10, $0xF;
	_ =	sdelay $0xe  }
0x303: {  	s3 =	spop (v2sf)  }
0x304: {  	p0 =	sgt.f32 s3, $0.0e+00  }
.Ltmp32:
0x305: {  	_ = 	snop;
	(pc) =	sbr.rel @!p0 .LBB2_35-.Ltmp32, $2  }
0x306: {  	_ =	sdelay $0x2  }
0x307: {  	s3 =	sor.u32 $0x300, s30  }
.LBB2_36:
0x308: {  	v10 =	vmctz.xlane vm1;
	_ =	sdelay $0x1  }
0x309: {  	v10 =	vxor.u32 $0x80000000, v10  }
0x30a: {  	(xrf0) =	vmax.scan.msk.u32 $0xffff, v10;
	_ =	sdelay $0x5  }
0x30b: {  	v10, _, _ =	vpop (xrf0)  }
0x30c: {  	(v2sf) =	vpush v10, $0xF;
	_ =	sdelay $0xe  }
0x30d: {  	s15 =	spop (v2sf)  }
0x30e: {  	s17 =	sshll.u32 s15, $0x4  }
0x30f: {  	s23 =	sadd.s32 s3, s17  }
0x310: {  	s17 =	sand.u32 $0x70, s17;
	s23 =	sand.u32 $0xFFFFFF80, s23  }
0x311: {  	s17 =	sor.u32 s17, s23  }
0x312: {  	v10 =	vld [tilespmem:s17+$0x8000];
	_ =	sdelay $0x4  }
0x313: {  	(xrf1) =	vsort.ascd.msk.f32 $0xffff, v10, v10;
	_ =	sdelay $0xd  }
0x314: {  	v11 =	vld [tilespmem:s17+$0x8400];
	v10, _, _ =	vpop (xrf1)  }
0x315: {  	v10 =	vperm.xlane v10, v1;
	_ =	sdelay $0x1  }
0x316: {  	v9 =	vmin.f32 v9, v10  }
0x317: {  	(xrf1) =	vsort.ascd.msk.f32 $0xffff, v9, v9  }
0x318: {  	(xrf1) =	vsort.ascd.msk.f32 $0xffff, v11, v11;
	_ =	sdelay $0xc  }
0x319: {  	v9, _, _ =	vpop (xrf1)  }
0x31a: {  	v11 =	vld [tilespmem:s17+$0x8800];
	v10, _, _ =	vpop (xrf1)  }
0x31b: {  	v10 =	vperm.xlane v10, v1;
	_ =	sdelay $0x1  }
0x31c: {  	v9 =	vmin.f32 v9, v10  }
0x31d: {  	(xrf1) =	vsort.ascd.msk.f32 $0xffff, v9, v9  }
0x31e: {  	(xrf1) =	vsort.ascd.msk.f32 $0xffff, v11, v11;
	_ =	sdelay $0xc  }
0x31f: {  	v9, _, _ =	vpop (xrf1)  }
0x320: {  	v11 =	vld [tilespmem:s17+$0x8C00];
	v10, _, _ =	vpop (xrf1)  }
0x321: {  	v10 =	vperm.xlane v10, v1;
	_ =	sdelay $0x1  }
0x322: {  	v9 =	vmin.f32 v9, v10  }
0x323: {  	(xrf1) =	vsort.ascd.msk.f32 $0xffff, v9, v9  }
0x324: {  	(xrf1) =	vsort.ascd.msk.f32 $0xffff, v11, v11;
	_ =	sdelay $0xc  }
0x325: {  	v9, _, _ =	vpop (xrf1)  }
0x326: {  	v10, _, _ =	vpop (xrf1)  }
0x327: {  	v10 =	vperm.xlane v10, v1;
	_ =	sdelay $0x1  }
0x328: {  	v9 =	vmin.f32 v9, v10  }
0x329: {  	(xrf1) =	vsort.ascd.msk.f32 $0xffff, v9, v9;
	_ =	sdelay $0xd  }
0x32a: {  	v9, _, _ =	vpop (xrf1)  }
0x32b: {  	(xrf0) =	vmax.scan.msk.f32 $0xffff, v9;
	_ =	sdelay $0x5  }
0x32c: {  	v10, _, _ =	vpop (xrf0)  }
0x32d: {  	(v2sf) =	vpush v10, $0xF;
	_ =	sdelay $0xe  }
0x32e: {  	s15 =	sxor.u32 $0x80000000, s15;
	s23 =	spop (v2sf)  }
0x32f: {  	v11 =	vmov s15;
	s1 =	smin.f32 s1, s23  }
0x330: {  	vm2 =	vne.s32 v11, v0;
	vm3 =	vle.f32 v5, s1  }
0x331: {  	vm2 =	vmand vm2, vm3  }
0x332: {  	vm1 =	vmand vm1, vm2  }
0x333: {  	v11 =	vsel vm1, $0x3F800000, v2  }
0x334: {  	(xrf0) =	vmax.scan.msk.f32 $0xffff, v11;
	_ =	sdelay $0x5  }
0x335: {  	v11, _, _ =	vpop (xrf0)  }
0x336: {  	(v2sf) =	vpush v11, $0xF;
	_ =	sdelay $0xe  }
0x337: {  	s23 =	spop (v2sf)  }
0x338: {  	p0 =	sgt.f32 s23, $0.0e+00  }
.Ltmp33:
0x339: {  	_ = 	snop;
	(pc) =	sbr.rel @p0 .LBB2_36-.Ltmp33, $1  }
0x33a: {  	_ =	sdelay $0x3  }
.Ltmp34:
0x33b: {  	_ = 	snop;
	(pc) =	sbr.rel .LBB2_37-.Ltmp34, $1  }
0x33c: {  	_ =	sdelay $0x3  }
.LBB2_35:
0x33d: {  	(xrf0) =	vmax.scan.msk.f32 $0xffff, v9;
	_ =	sdelay $0x5  }
0x33e: {  	v10, _, _ =	vpop (xrf0)  }
.LBB2_37:
0x33f: {  	v9 =	vbroadcast v10, $0xF;
	_ =	sdelay $0x1  }
0x340: {  	vm1 =	vlt.f32 v8, v9  }
0x341: {  	v8 =	vsel vm1, $0x3F800000, v2  }
0x342: {  	(xrf0) =	vmax.scan.msk.f32 $0xffff, v8;
	_ =	sdelay $0x5  }
0x343: {  	v8, _, _ =	vpop (xrf0)  }
0x344: {  	(v2sf) =	vpush v8, $0xF;
	_ =	sdelay $0xe  }
0x345: {  	s1 =	spop (v2sf)  }
0x346: {  	p0 =	sgt.f32 s1, $0.0e+00  }
.Ltmp35:
0x347: {  	_ = 	snop;
	(pc) =	sbr.rel @!p0 .LBB2_39-.Ltmp35, $2  }
0x348: {  	_ =	sdelay $0x2  }
0x349: {  	v10 =	vimm.s32 $0x0;
	v8 =	vimm.s32 $0x0  }
.LBB2_38:
0x34a: {  	v11 =	vmctz.xlane vm1;
	_ =	sdelay $0x1  }
0x34b: {  	v11 =	vxor.u32 $0x80000000, v11  }
0x34c: {  	(xrf0) =	vmax.scan.msk.u32 $0xffff, v11;
	_ =	sdelay $0x5  }
0x34d: {  	v11, _, _ =	vpop (xrf0)  }
0x34e: {  	(v2sf) =	vpush v11, $0xF;
	_ =	sdelay $0xe  }
0x34f: {  	s1 =	spop (v2sf)  }
0x350: {  	s15 =	sxor.u32 $0x80000000, s1  }
0x351: {  	v11 =	vmov s15  }
0x352: {  	vm2 =	vne.s32 v11, v0  }
0x353: {  	vm1 =	vmand vm1, vm2  }
0x354: {  	v11 =	vsel vm1, $0x3F800000, v2  }
0x355: {  	(xrf0) =	vmax.scan.msk.f32 $0xffff, v11;
	_ =	sdelay $0x5  }
0x356: {  	v11, _, _ =	vpop (xrf0)  }
0x357: {  	(v2sf) =	vpush v11, $0xF;
	_ =	sdelay $0x2  }
0x358: {  	s1 =	sshll.u32 s1, $0x4  }
0x359: {  	v12 =	vld [tilespmem:s1+$0x10400]  }
0x35a: {  	v13 =	vld [tilespmem:s1+$0x11400]  }
0x35b: {  	s17 =	sadd.s32 s30, s1;
	v15 =	vld [tilespmem:s1+$0x10800]  }
0x35c: {  	v16 =	vld [tilespmem:s1+$0x11800];
	s15 =	sand.u32 $0xFFFFFF80, s17;
	s17 =	sand.u32 $0x70, s1  }
0x35d: {  	v18 =	vld [tilespmem:s1+$0x10C00];
	s15 =	sor.u32 s17, s15  }
0x35e: {  	v11 =	vld [tilespmem:s15+$0x8000]  }
0x35f: {  	v19 =	vld [tilespmem:s1+$0x11C00]  }
0x360: {  	v14 =	vld [tilespmem:s15+$0x8400]  }
0x361: {  	v17 =	vld [tilespmem:s15+$0x8800]  }
0x362: {  	v21 =	vld [tilespmem:s1+$0x12000]  }
0x363: {  	v20 =	vld [tilespmem:s15+$0x8C00];
	vm2 =	vlt.f32 v11, v9  }
0x364: {  	v11 =	vld [tilespmem:s1+$0x11000];
	v12 =	vnsel vm2, $0x0, v12;
	v13 =	vnsel vm2, $0x0, v13;
	s23 =	spop (v2sf)  }
0x365: {  	vm2 =	vlt.f32 v14, v9;
	v10 =	vadd.s32 v10, v12;
	v8 =	vadd.s32 v8, v13;
	p0 =	sgt.f32 s23, $0.0e+00  }
.Ltmp36:
0x366: {  	v59 =	vnsel vm2, $0x0, v15;
	v60 =	vnsel vm2, $0x0, v16;
	vm2 =	vlt.f32 v17, v9;
	(pc) =	sbr.rel @p0 .LBB2_38-.Ltmp36, $4  }
0x367: {  	v10 =	vadd.s32 v59, v10;
	v8 =	vadd.s32 v60, v8;
	v61 =	vnsel vm2, $0x0, v18  }
0x368: {  	v62 =	vnsel vm2, $0x0, v19;
	vm2 =	vlt.f32 v20, v9;
	v10 =	vadd.s32 v61, v10  }
0x369: {  	v8 =	vadd.s32 v62, v8;
	v63 =	vnsel vm2, $0x0, v21;
	v11 =	vnsel vm2, $0x0, v11  }
0x36a: {  	v8 =	vadd.s32 v63, v8;
	v10 =	vadd.s32 v11, v10  }
.LBB2_39:
0x36b: {  	vm1 =	vlt.f32 v7, v9  }
0x36c: {  	v7 =	vsel vm1, $0x3F800000, v2  }
0x36d: {  	(xrf0) =	vmax.scan.msk.f32 $0xffff, v7;
	_ =	sdelay $0x5  }
0x36e: {  	v7, _, _ =	vpop (xrf0)  }
0x36f: {  	(v2sf) =	vpush v7, $0xF;
	_ =	sdelay $0xe  }
0x370: {  	s1 =	spop (v2sf)  }
0x371: {  	p0 =	sgt.f32 s1, $0.0e+00  }
.Ltmp37:
0x372: {  	_ = 	snop;
	(pc) =	sbr.rel @!p0 .LBB2_41-.Ltmp37, $1  }
0x373: {  	_ =	sdelay $0x3  }
.LBB2_40:
0x374: {  	v7 =	vmctz.xlane vm1;
	_ =	sdelay $0x1  }
0x375: {  	v7 =	vxor.u32 $0x80000000, v7  }
0x376: {  	(xrf0) =	vmax.scan.msk.u32 $0xffff, v7;
	_ =	sdelay $0x5  }
0x377: {  	v7, _, _ =	vpop (xrf0)  }
0x378: {  	(v2sf) =	vpush v7, $0xF;
	_ =	sdelay $0xe  }
0x379: {  	s1 =	spop (v2sf)  }
0x37a: {  	s15 =	sxor.u32 $0x80000000, s1  }
0x37b: {  	v7 =	vmov s15  }
0x37c: {  	vm2 =	vne.s32 v7, v0  }
0x37d: {  	vm1 =	vmand vm1, vm2  }
0x37e: {  	v7 =	vsel vm1, $0x3F800000, v2  }
0x37f: {  	(xrf0) =	vmax.scan.msk.f32 $0xffff, v7;
	_ =	sdelay $0x5  }
0x380: {  	v7, _, _ =	vpop (xrf0)  }
0x381: {  	(v2sf) =	vpush v7, $0xF;
	_ =	sdelay $0x2  }
0x382: {  	s1 =	sshll.u32 s1, $0x4  }
0x383: {  	v11 =	vld [tilespmem:s1+$0x10500]  }
0x384: {  	v12 =	vld [tilespmem:s1+$0x11500]  }
0x385: {  	s23 =	sadd.s32 s31, s1;
	v14 =	vld [tilespmem:s1+$0x10900]  }
0x386: {  	s17 =	sand.u32 $0x70, s1;
	v15 =	vld [tilespmem:s1+$0x11900];
	s15 =	sand.u32 $0xFFFFFF80, s23  }
0x387: {  	v17 =	vld [tilespmem:s1+$0x10D00];
	s15 =	sor.u32 s17, s15  }
0x388: {  	v7 =	vld [tilespmem:s15+$0x8000]  }
0x389: {  	v18 =	vld [tilespmem:s1+$0x11D00]  }
0x38a: {  	v13 =	vld [tilespmem:s15+$0x8400]  }
0x38b: {  	v16 =	vld [tilespmem:s15+$0x8800]  }
0x38c: {  	v20 =	vld [tilespmem:s1+$0x12100]  }
0x38d: {  	v19 =	vld [tilespmem:s15+$0x8C00];
	vm2 =	vlt.f32 v7, v9  }
0x38e: {  	v7 =	vld [tilespmem:s1+$0x11100];
	v11 =	vnsel vm2, $0x0, v11;
	v12 =	vnsel vm2, $0x0, v12;
	s30 =	spop (v2sf)  }
0x38f: {  	vm2 =	vlt.f32 v13, v9;
	v10 =	vadd.s32 v10, v11;
	v8 =	vadd.s32 v8, v12;
	p0 =	sgt.f32 s30, $0.0e+00  }
.Ltmp38:
0x390: {  	v11 =	vnsel vm2, $0x0, v14;
	v63 =	vnsel vm2, $0x0, v15;
	vm2 =	vlt.f32 v16, v9;
	(pc) =	sbr.rel @p0 .LBB2_40-.Ltmp38, $4  }
0x391: {  	v10 =	vadd.s32 v11, v10;
	v8 =	vadd.s32 v63, v8;
	v11 =	vnsel vm2, $0x0, v17  }
0x392: {  	v10 =	vadd.s32 v11, v10;
	v11 =	vnsel vm2, $0x0, v18;
	vm2 =	vlt.f32 v19, v9  }
0x393: {  	v8 =	vadd.s32 v11, v8;
	v7 =	vnsel vm2, $0x0, v7;
	v11 =	vnsel vm2, $0x0, v20  }
0x394: {  	v10 =	vadd.s32 v7, v10;
	v8 =	vadd.s32 v11, v8  }
.LBB2_41:
0x395: {  	vm1 =	vlt.f32 v6, v9  }
0x396: {  	v6 =	vsel vm1, $0x3F800000, v2  }
0x397: {  	(xrf0) =	vmax.scan.msk.f32 $0xffff, v6;
	_ =	sdelay $0x5  }
0x398: {  	v6, _, _ =	vpop (xrf0)  }
0x399: {  	(v2sf) =	vpush v6, $0xF;
	_ =	sdelay $0xe  }
0x39a: {  	s1 =	spop (v2sf)  }
0x39b: {  	p0 =	sgt.f32 s1, $0.0e+00  }
.Ltmp39:
0x39c: {  	_ = 	snop;
	(pc) =	sbr.rel @!p0 .LBB2_43-.Ltmp39, $1  }
0x39d: {  	_ =	sdelay $0x3  }
.LBB2_42:
0x39e: {  	v6 =	vmctz.xlane vm1;
	_ =	sdelay $0x1  }
0x39f: {  	v6 =	vxor.u32 $0x80000000, v6  }
0x3a0: {  	(xrf0) =	vmax.scan.msk.u32 $0xffff, v6;
	_ =	sdelay $0x5  }
0x3a1: {  	v6, _, _ =	vpop (xrf0)  }
0x3a2: {  	(v2sf) =	vpush v6, $0xF;
	_ =	sdelay $0xe  }
0x3a3: {  	s1 =	spop (v2sf)  }
0x3a4: {  	s15 =	sxor.u32 $0x80000000, s1  }
0x3a5: {  	v6 =	vmov s15  }
0x3a6: {  	vm2 =	vne.s32 v6, v0  }
0x3a7: {  	vm1 =	vmand vm1, vm2  }
0x3a8: {  	v6 =	vsel vm1, $0x3F800000, v2  }
0x3a9: {  	(xrf0) =	vmax.scan.msk.f32 $0xffff, v6;
	_ =	sdelay $0x5  }
0x3aa: {  	v6, _, _ =	vpop (xrf0)  }
0x3ab: {  	(v2sf) =	vpush v6, $0xF;
	_ =	sdelay $0x2  }
0x3ac: {  	s1 =	sshll.u32 s1, $0x4  }
0x3ad: {  	v7 =	vld [tilespmem:s1+$0x10600]  }
0x3ae: {  	v11 =	vld [tilespmem:s1+$0x11600]  }
0x3af: {  	s30 =	sadd.s32 s0, s1;
	v13 =	vld [tilespmem:s1+$0x10A00]  }
0x3b0: {  	s17 =	sand.u32 $0x70, s1;
	v14 =	vld [tilespmem:s1+$0x11A00];
	s15 =	sand.u32 $0xFFFFFF80, s30  }
0x3b1: {  	v16 =	vld [tilespmem:s1+$0x10E00];
	s15 =	sor.u32 s17, s15  }
0x3b2: {  	v6 =	vld [tilespmem:s15+$0x8000]  }
0x3b3: {  	v17 =	vld [tilespmem:s1+$0x11E00]  }
0x3b4: {  	v12 =	vld [tilespmem:s15+$0x8400]  }
0x3b5: {  	v15 =	vld [tilespmem:s15+$0x8800]  }
0x3b6: {  	v19 =	vld [tilespmem:s1+$0x12200]  }
0x3b7: {  	v18 =	vld [tilespmem:s15+$0x8C00];
	vm2 =	vlt.f32 v6, v9  }
0x3b8: {  	v6 =	vld [tilespmem:s1+$0x11200];
	v7 =	vnsel vm2, $0x0, v7;
	v11 =	vnsel vm2, $0x0, v11;
	s31 =	spop (v2sf)  }
0x3b9: {  	vm2 =	vlt.f32 v12, v9;
	v7 =	vadd.s32 v10, v7;
	v8 =	vadd.s32 v8, v11;
	p0 =	sgt.f32 s31, $0.0e+00  }
.Ltmp40:
0x3ba: {  	v10 =	vnsel vm2, $0x0, v13;
	v11 =	vnsel vm2, $0x0, v14;
	vm2 =	vlt.f32 v15, v9;
	(pc) =	sbr.rel @p0 .LBB2_42-.Ltmp40, $4  }
0x3bb: {  	v7 =	vadd.s32 v10, v7;
	v8 =	vadd.s32 v11, v8;
	v10 =	vnsel vm2, $0x0, v16  }
0x3bc: {  	v7 =	vadd.s32 v10, v7;
	v10 =	vnsel vm2, $0x0, v17;
	vm2 =	vlt.f32 v18, v9  }
0x3bd: {  	v8 =	vadd.s32 v10, v8;
	v6 =	vnsel vm2, $0x0, v6;
	v11 =	vnsel vm2, $0x0, v19  }
0x3be: {  	v10 =	vadd.s32 v6, v7;
	v8 =	vadd.s32 v11, v8  }
.LBB2_43:
0x3bf: {  	vm1 =	vlt.f32 v5, v9  }
0x3c0: {  	v5 =	vsel vm1, $0x3F800000, v2  }
0x3c1: {  	(xrf0) =	vmax.scan.msk.f32 $0xffff, v5;
	_ =	sdelay $0x5  }
0x3c2: {  	v5, _, _ =	vpop (xrf0)  }
0x3c3: {  	(v2sf) =	vpush v5, $0xF;
	_ =	sdelay $0xe  }
0x3c4: {  	s0 =	spop (v2sf)  }
0x3c5: {  	p0 =	sgt.f32 s0, $0.0e+00  }
.Ltmp41:
0x3c6: {  	_ = 	snop;
	(pc) =	sbr.rel @!p0 .LBB2_45-.Ltmp41, $1  }
0x3c7: {  	_ =	sdelay $0x3  }
.LBB2_44:
0x3c8: {  	v5 =	vmctz.xlane vm1;
	_ =	sdelay $0x1  }
0x3c9: {  	v5 =	vxor.u32 $0x80000000, v5  }
0x3ca: {  	(xrf0) =	vmax.scan.msk.u32 $0xffff, v5;
	_ =	sdelay $0x5  }
0x3cb: {  	v5, _, _ =	vpop (xrf0)  }
0x3cc: {  	(v2sf) =	vpush v5, $0xF;
	_ =	sdelay $0xe  }
0x3cd: {  	s0 =	spop (v2sf)  }
0x3ce: {  	s1 =	sxor.u32 $0x80000000, s0  }
0x3cf: {  	v5 =	vmov s1  }
0x3d0: {  	vm2 =	vne.s32 v5, v0  }
0x3d1: {  	vm1 =	vmand vm1, vm2  }
0x3d2: {  	v5 =	vsel vm1, $0x3F800000, v2  }
0x3d3: {  	(xrf0) =	vmax.scan.msk.f32 $0xffff, v5;
	_ =	sdelay $0x5  }
0x3d4: {  	v5, _, _ =	vpop (xrf0)  }
0x3d5: {  	(v2sf) =	vpush v5, $0xF;
	_ =	sdelay $0x2  }
0x3d6: {  	s0 =	sshll.u32 s0, $0x4  }
0x3d7: {  	v6 =	vld [tilespmem:s0+$0x10700]  }
0x3d8: {  	v7 =	vld [tilespmem:s0+$0x11700]  }
0x3d9: {  	s30 =	sadd.s32 s3, s0;
	v12 =	vld [tilespmem:s0+$0x10B00]  }
0x3da: {  	s15 =	sand.u32 $0x70, s0;
	v13 =	vld [tilespmem:s0+$0x11B00];
	s1 =	sand.u32 $0xFFFFFF80, s30  }
0x3db: {  	v15 =	vld [tilespmem:s0+$0x10F00];
	s1 =	sor.u32 s15, s1  }
0x3dc: {  	v5 =	vld [tilespmem:s1+$0x8000]  }
0x3dd: {  	v16 =	vld [tilespmem:s0+$0x11F00]  }
0x3de: {  	v11 =	vld [tilespmem:s1+$0x8400]  }
0x3df: {  	v14 =	vld [tilespmem:s1+$0x8800]  }
0x3e0: {  	v18 =	vld [tilespmem:s0+$0x12300]  }
0x3e1: {  	v17 =	vld [tilespmem:s1+$0x8C00];
	vm2 =	vlt.f32 v5, v9  }
0x3e2: {  	v5 =	vld [tilespmem:s0+$0x11300];
	v6 =	vnsel vm2, $0x0, v6;
	v7 =	vnsel vm2, $0x0, v7;
	s31 =	spop (v2sf)  }
0x3e3: {  	vm2 =	vlt.f32 v11, v9;
	v6 =	vadd.s32 v10, v6;
	v7 =	vadd.s32 v8, v7;
	p0 =	sgt.f32 s31, $0.0e+00  }
.Ltmp42:
0x3e4: {  	v8 =	vnsel vm2, $0x0, v12;
	v10 =	vnsel vm2, $0x0, v13;
	vm2 =	vlt.f32 v14, v9;
	(pc) =	sbr.rel @p0 .LBB2_44-.Ltmp42, $4  }
0x3e5: {  	v6 =	vadd.s32 v8, v6;
	v7 =	vadd.s32 v10, v7;
	v8 =	vnsel vm2, $0x0, v15  }
0x3e6: {  	v6 =	vadd.s32 v8, v6;
	v8 =	vnsel vm2, $0x0, v16;
	vm2 =	vlt.f32 v17, v9  }
0x3e7: {  	v7 =	vadd.s32 v8, v7;
	v5 =	vnsel vm2, $0x0, v5;
	v8 =	vnsel vm2, $0x0, v18  }
0x3e8: {  	v10 =	vadd.s32 v5, v6;
	v8 =	vadd.s32 v8, v7  }
.Ltmp43:
0x3e9: {  	_ = 	snop;
	(pc) =	sbr.rel .LBB2_45-.Ltmp43, $1  }
0x3ea: {  	_ =	sdelay $0x3  }
.LBB2_48:
0x3eb: {  	_ =	sfence.sel $0x180000  }
0x3ec: {  	[bflag:$0x0] =	sbarrier.arrive $0xFFFF  }
0x3ed: {  	_ =	strace $0x9000004A  }
0x3ee: {  	s0 =	stileid.u32;
	[bflag:$0x2] =	sbarrier.arrive $0xFFFF  }
0x3ef: {  	p0 =	sne.s32 s0, $0x0;
	s0 =	rddreg [dreg:$0x3]  }
0x3f0: {  	s0 =	sadd.s32 @!p0 $0x100000, s0  }
0x3f1: {  	[sflag:s0] =	ssyncadd.tile.s32 @!p0 $0x1;
	_ =	shalt  }
.Lfunc_end2:
_tile_overlayer_lowered:
.L_overlay_start_2:
0x3f2: {  	(tag) =	ssettag $0x2  }
0x3f3: {  	s0 =	rddreg [dreg:$0x0];
	s2 =	stileid.u32  }
0x3f4: {  	s1 =	rddreg [dreg:$0x1];
	p0 =	sne.s32 s2, $0x0  }
0x3f5: {  	s3 =	rddreg [dreg:$0x2];
	[bflag:$0x3] =	sbarrier.arrive $0xFFFF;
	s2 =	simm.s32 @!p0 $0x1C03  }
0x3f6: {  	[timem:s3], [sflag:s2] =	dma.local @!p0 [hbm:s0], s1  }
0x3f7: {  	s0 =	simm.s32 @!p0 $0x3  }
0x3f8: {  	_ =	swait.ge @!p0 [sflag:s0], s1  }
0x3f9: {  	s1 =	ssub.s32 @!p0 $0x0, s1;
	[sflag:s0] =	ssyncset.done @!p0 $0x0  }
0x3fa: {  	[sflag:s0] =	ssyncadd.s32 @!p0 s1  }
0x3fb: {  	[bflag:$0x3] =	sbarrier.arrive $0xFFFF  }
0x3fc: {  	_ =	shalt  }

// kernel: sparse-core-data-format-call.cloned.1.call-start
scs
called_computation_lowered:
.L_overlay_start_0:
0x0: {  	s1 =	sld [smem:$0x3FD9]  }
0x1: {  	s2 =	sld [smem:$0x3FFE];
	_ =	sdelay $0x1  }
0x2: {  	s3 =	srdreg.scid  }
0x3: {  	s0 =	sand.u32 $0x1, s3  }
0x4: {  	s17 =	sshll.u32 s0, $0xA;
	s1 =	sadd.s32 s2, s1  }
0x5: {  	s1 =	sadd.s32 s1, s17  }
0x6: {  	[smem:$0x3FC6] =	sst s1  }
0x7: {  	_ = 	snop  }
0x8: {  	(tm) =	ssettm $0x1  }
0x9: {  	s18 =	sld [smem:$0x3FFB];
	_ =	sdelay $0x3  }
0xa: {  	_ =	strace s18  }
0xb: {  	s1 =	sld [smem:$0x3FFC];
	_ =	sdelay $0x3  }
0xc: {  	_ =	strace s1  }
0xd: {  	s1 =	sld [smem:$0x3FFD];
	_ =	sdelay $0x3  }
0xe: {  	_ =	strace s1  }
0xf: {  	_ =	strace $0x8FFFFFFF  }
0x10: {  	s19 =	sld [smem:$0x3FDB];
	_ =	sdelay $0x1  }
0x11: {  	s20 =	simm.s32 $_scs_section_size  }
0x12: {  	s4 =	simm.s32 $_size__tile_overlayer_lowered;
	s5 =	simm.s32 $_tile_overlayer_lowered  }
0x13: {  	s23 =	simm.s32 $0x1BFF;
	s22 =	sshll.u32 s5, $0x1;
	s1 =	sadd.s32 s20, s19  }
0x14: {  	s6 =	simm.s32 $0x0;
	s21 =	sshll.u32 s4, $0x1;
	s4 =	sadd.s32 s22, s1  }
0x15: {  	[timem:s6], [sflag:s23] =	dma.local [hbm:s4], s21  }
0x16: {  	_ =	swait.ge [sflag:s23], s21  }
0x17: {  	s2 =	ssub.s32 $0x0, s21;
	[sflag:s23] =	ssyncset.done $0x0  }
0x18: {  	[sflag:s23] =	ssyncadd.s32 s2;
	_ =	sdelay $0x1  }
0x19: {  	s24 =	simm.s32 $0x1B8B  }
0x1a: {  	_ =	swait.ge [sflag:s24], $0x1  }
0x1b: {  	[sflag:s24] =	ssyncset.done $0x0  }
0x1c: {  	s26 =	simm.s32 $0x1B8E;
	s25 =	sld [smem:$0x3FFE];
	[sflag:s24] =	ssyncadd.s32 $0xFFFFFFFF  }
0x1d: {  	s27 =	simm.s32 $execute0_lowered;
	[smem:$0x3FD2] =	sst s26  }
0x1e: {  	s4 =	sshll.u32 s27, $0x1;
	_ =	strace $0x80000046;
	[dreg:$0x1] =	wrdreg $0xFFFFFFFF  }
0x1f: {  	s28 =	simm.s32 $_size_execute0_lowered;
	s1 =	sadd.s32 s1, s4;
	[dreg:$0x0] =	wrdreg $0x0  }
0x20: {  	s4 =	sshll.u32 s28, $0x1;
	[dreg:$0x2] =	wrdreg s1  }
0x21: {  	[dreg:$0x3] =	wrdreg s4  }
0x22: {  	[dreg:$0x4] =	wrdreg $0xC0  }
0x23: {  	_ =	task [dreg:s6], $0x5FFFF  }
0x24: {  	[dreg:$0x1] =	wrdreg $0xFFFFFFFF  }
0x25: {  	[dreg:$0x0] =	wrdreg $0x60  }
0x26: {  	[dreg:$0x2] =	wrdreg s25  }
0x27: {  	[dreg:$0x3] =	wrdreg $0x9  }
0x28: {  	_ =	task.clear_ibuf [dreg:s6], $0x4FFFF;
	_ =	strace $0x90000046  }
0x29: {  	s29 =	simm.s32 $0x9;
	_ =	strace $0x80000048  }
0x2a: {  	_ =	swait.ge [sflag:s29], $0x1  }
0x2b: {  	[sflag:s29] =	ssyncadd.s32 $0xFFFFFFFF  }
0x2c: {  	_ =	strace $0x90000048  }
0x2d: {  	_ =	sfence  }
0x2e: {  	s30 =	sld [smem:$0x0];
	_ =	sdelay $0x2  }
0x2f: {  	s31 =	sshll.u32 s3, $0xD;
	s3 =	sshrl.u32 s3, $0x2  }
0x30: {  	s2 =	sand.u32 $0x4000, s31;
	s1 =	sadd.s32 s3, s30  }
0x31: {  	s0 =	sor.u32 s2, s0;
	s1 =	sshll.u32 s1, $0x11  }
0x32: {  	s0 =	sor.u32 s1, s0  }
0x33: {  	s0 =	sadd.s32 $0x8F2B, s0  }
0x34: {  	[sflag:s0] =	ssyncadd.remote.s32 $0x1  }
0x35: {  	_ =	sfence.sel $0xFFFF  }
0x36: {  	[dreg:$0x0] =	wrdreg $0xFFFFFFFF;
	(pc) =	sbr.abs _section_cstart, $3  }
0x37: {  	[dreg:$0x1] =	wrdreg $0xFFFFFFFF  }
0x38: {  	_ =	task.clear_ibuf [dreg:s6], $0x2FFFF;
	_ =	strace $0x9FFFFFFF  }
0x39: {  	(tm) =	ssettm $0x7FFFFFFF  }
tec
execute0_lowered:
.L_overlay_start_1:
0x0: {  	(tag) =	ssettag $0x1  }
0x1: {  	s1 =	rddreg [dreg:$0x0]  }
0x2: {  	s0 =	rddreg [dreg:$0x1]  }
0x3: {  	_ =	strace $0x80000047;
	s4 =	srdreg.scid;
	s6 =	simm.s32 $0x2  }
0x4: {  	s11 =	simm.s32 $0x0;
	p0 =	por $0x0, $0x0;
	s7 =	simm.s32 $0x1000  }
.Ltmp0:
0x5: {  	s12 =	simm.s32 $0x0;
	s9 =	simm.s32 $0x0;
	(pc) =	sbr.rel .LBB1_1-.Ltmp0, $4  }
0x6: {  	s2 =	sadd.s32 $0x200, s1;
	s3 =	sadd.s32 $0x200200, s1;
	s5 =	sshll.u32 s4, $0x4  }
0x7: {  	s1 =	stileid.u32;
	s4 =	simm.s32 $0x1;
	s5 =	sand.u32 $0x10, s5  }
0x8: {  	s8 =	simm.s32 $0x0;
	[sflag:s4] =	ssyncpa.u1 $0x0;
	s5 =	sor.u32 s1, s5  }
0x9: {  	[sflag:s6] =	ssyncpa.u1 $0x0;
	s6 =	simm.s32 $0x800;
	s10 =	smov.u32 s5  }
.LBB1_7:
0xa: {  	s13 =	sadd.s32 $0x10, s9  }
0xb: {  	s11 =	sadd.s32 $0x20, s10;
	s15 =	smov.u32 s10;
	p2 =	sgt.s32 s13, $0x1F  }
0xc: {  	p1 =	slt.u32 s8, $0x2;
	s15 =	smov.u32 @p2 s11  }
0xd: {  	s8 =	sadd.s32 $0x1, s8;
	s13 =	simm.s32 @p2 $0x0;
	p2 =	sgt.s32 s15, $0x1FF  }
0xe: {  	s15 =	smov.u32 @p2 s5;
	p2 =	sne.s32 s8, $0x22  }
.Ltmp1:
0xf: {  	_ = 	snop;
	(pc) =	sbr.rel @!p2 .LBB1_8-.Ltmp1, $4  }
0x10: {  	s14 =	simm.s32 @!p1 $0x2  }
0x11: {  	s12 =	smov.u32 s10;
	_ =	swait.ge @!p1 [sflag:s14], $0x4000  }
0x12: {  	p0 =	por !p0, !p0;
	s11 =	smov.u32 s9;
	[sflag:s14] =	ssyncset.done @!p1 $0x0  }
0x13: {  	s9 =	smov.u32 s13;
	[sflag:s14] =	ssyncadd.s32 @!p1 $0xFFFFC000;
	s10 =	smov.u32 s15  }
.LBB1_1:
0x14: {  	p1 =	sgt.u32 s8, $0x1F  }
0x15: {  	s13 =	sxor.u32 @!p1 $0xFFFFFFFF, s8;
	s14 =	sshll.u32 @!p1 s10, $0xC  }
0x16: {  	s15 =	sshll.u32 @!p1 s9, $0x7;
	s13 =	sshll.u32 @!p1 s13, $0xE;
	s14 =	sadd.s32 @!p1 s2, s14  }
0x17: {  	s13 =	sand.u32 @!p1 $0x4000, s13;
	s14 =	sadd.s32 @!p1 s15, s14;
	s15 =	simm.s32 @!p1 $0x0  }
0x18: {  	[tilespmem:s13], [sflag:$0x1] =	stream.linear.gather @!p1 [hbm4b:s14+s15], $0x4000, $0x38;
	[tilespmem:$0x10000] =	vst v63  }
0x19: {  	p1 =	seq.s32 s8, $0x0  }
0x1a: {  	p2 =	seq.s32 @!p1 s8, $0x21  }
0x1b: {  	p1 =	por p1, p2  }
.Ltmp2:
0x1c: {  	_ = 	snop;
	(pc) =	sbr.rel @p1 .LBB1_7-.Ltmp2, $1  }
0x1d: {  	_ =	sdelay $0x3  }
0x1e: {  	s13 =	simm.s32 $0x1;
	_ =	swait.ge [sflag:s4], $0x4000;
	s16 =	sshll.u32 s8, $0xE  }
0x1f: {  	s13 =	simm.s32 @!p0 $0x0;
	[sflag:s4] =	ssyncset.done $0x0;
	s31 =	sand.u32 $0x4000, s16  }
0x20: {  	s16 =	simm.s32 $0x0;
	s14 =	sshll.u32 s13, $0xE;
	[sflag:s4] =	ssyncadd.s32 $0xFFFFC000  }
0x21: {  	s13 =	sor.u32 $0x8040, s14;
	s15 =	sor.u32 $0x40, s14;
	s14 =	sor.u32 $0x8000, s31  }
.LBB1_3:
0x22: {  	v0 =	vmov s15;
	_ =	sdelay $0x3  }
0x23: {  	s18 =	simm.s32 $0x0  }
0x24: {  	v6 =	vld.idx.msk [tilespmem:v0+s18+$0x30 ss:$0x1], $0xffff  }
0x25: {  	v7 =	vld.idx.msk [tilespmem:v0+s18+$0xFFFFFFC0 ss:$0x1], $0xffff  }
0x26: {  	v5 =	vld.idx.msk [tilespmem:v0+s18+$0xFFFFFFD0 ss:$0x1], $0xffff  }
0x27: {  	v4 =	vld.idx.msk [tilespmem:v0+s18+$0xFFFFFFE0 ss:$0x1], $0xffff  }
0x28: {  	v3 =	vld.idx.msk [tilespmem:v0+s18+$0xFFFFFFF0 ss:$0x1], $0xffff  }
0x29: {  	v1 =	vld.idx.msk [tilespmem:v0+s18+$0x0 ss:$0x1], $0xffff  }
0x2a: {  	v2 =	vld.idx.msk [tilespmem:v0+s18+$0x10 ss:$0x1], $0xffff;
	[tilespmem:s13+$0x30] =	vst v6  }
0x2b: {  	s17 =	simm.s32 $0x80;
	s19 =	simm.s32 $0x400;
	[tilespmem:s13+$0xFFFFFFC0] =	vst v7;
	v6 =	vld.idx.msk [tilespmem:v0+s18+$0x20 ss:$0x1], $0xffff;
	s18 =	smov.u32 s13  }
.LBB1_4:
0x2c: {  	p1 =	sne.s32 s19, $0xE00;
	v7 =	vld.idx.msk [tilespmem:v0+s17+$0x30 ss:$0x1], $0xffff;
	[tilespmem:s18+$0xFFFFFFD0] =	vst v5  }
0x2d: {  	v8 =	vld.idx.msk [tilespmem:v0+s17+$0xFFFFFFC0 ss:$0x1], $0xffff;
	[tilespmem:s18+$0xFFFFFFE0] =	vst v4  }
0x2e: {  	v5 =	vld.idx.msk [tilespmem:v0+s17+$0xFFFFFFD0 ss:$0x1], $0xffff;
	[tilespmem:s18+$0xFFFFFFF0] =	vst v3  }
.Ltmp3:
0x2f: {  	v4 =	vld.idx.msk [tilespmem:v0+s17+$0xFFFFFFE0 ss:$0x1], $0xffff;
	[tilespmem:s18+$0x0] =	vst v1;
	(pc) =	sbr.rel @p1 .LBB1_4-.Ltmp3, $4  }
0x30: {  	v3 =	vld.idx.msk [tilespmem:v0+s17+$0xFFFFFFF0 ss:$0x1], $0xffff;
	[tilespmem:s18+$0x10] =	vst v2  }
0x31: {  	v1 =	vld.idx.msk [tilespmem:v0+s17+$0x0 ss:$0x1], $0xffff;
	[tilespmem:s18+$0x20] =	vst v6;
	s18 =	sadd.s32 $0x800, s18  }
0x32: {  	v2 =	vld.idx.msk [tilespmem:v0+s17+$0x10 ss:$0x1], $0xffff;
	[tilespmem:s18+$0x30] =	vst v7  }
0x33: {  	[tilespmem:s18+$0xFFFFFFC0] =	vst v8;
	v6 =	vld.idx.msk [tilespmem:v0+s17+$0x20 ss:$0x1], $0xffff;
	s17 =	sshra.s32 s19, $0x2;
	s19 =	sadd.s32 $0x200, s19  }
0x34: {  	_ =	sdelay $0x2  }
0x35: {  	[tilespmem:s18+$0xFFFFFFD0] =	vst v5  }
0x36: {  	v56 =	vld.idx.msk [tilespmem:v0+s17+$0x30 ss:$0x1], $0xffff;
	[tilespmem:s18+$0xFFFFFFE0] =	vst v4  }
0x37: {  	v57 =	vld.idx.msk [tilespmem:v0+s17+$0xFFFFFFC0 ss:$0x1], $0xffff;
	[tilespmem:s18+$0xFFFFFFF0] =	vst v3  }
0x38: {  	v58 =	vld.idx.msk [tilespmem:v0+s17+$0xFFFFFFD0 ss:$0x1], $0xffff;
	[tilespmem:s18+$0x0] =	vst v1  }
0x39: {  	v59 =	vld.idx.msk [tilespmem:v0+s17+$0xFFFFFFE0 ss:$0x1], $0xffff;
	[tilespmem:s18+$0x10] =	vst v2  }
0x3a: {  	v60 =	vld.idx.msk [tilespmem:v0+s17+$0xFFFFFFF0 ss:$0x1], $0xffff;
	s31 =	sadd.s32 $0x800, s18;
	[tilespmem:s18+$0x20] =	vst v6  }
0x3b: {  	v61 =	vld.idx.msk [tilespmem:v0+s17+$0x0 ss:$0x1], $0xffff;
	[tilespmem:s31+$0x30] =	vst v56  }
0x3c: {  	v62 =	vld.idx.msk [tilespmem:v0+s17+$0x10 ss:$0x1], $0xffff;
	s16 =	sadd.s32 $0x1, s16;
	[tilespmem:s31+$0xFFFFFFC0] =	vst v57  }
0x3d: {  	v63 =	vld.idx.msk [tilespmem:v0+s17+$0x20 ss:$0x1], $0xffff;
	p1 =	sne.s32 s16, $0x10;
	[tilespmem:s31+$0xFFFFFFD0] =	vst v58  }
.Ltmp4:
0x3e: {  	[tilespmem:s31+$0xFFFFFFE0] =	vst v59;
	(pc) =	sbr.rel @p1 .LBB1_3-.Ltmp4, $4  }
0x3f: {  	[tilespmem:s31+$0xFFFFFFF0] =	vst v60  }
0x40: {  	[tilespmem:s31+$0x0] =	vst v61  }
0x41: {  	[tilespmem:s31+$0x10] =	vst v62  }
0x42: {  	s13 =	sadd.s32 $0x80, s13;
	s15 =	sadd.s32 $0x400, s15;
	[tilespmem:s31+$0x20] =	vst v63  }
.Ltmp5:
0x43: {  	(pc) =	sbr.rel .LBB1_7-.Ltmp5, $4  }
0x44: {  	s12 =	sshll.u32 s12, $0xC;
	s11 =	sshll.u32 s11, $0x4  }
0x45: {  	s11 =	sand.u32 $0x1F0, s11;
	s12 =	sadd.s32 s3, s12  }
0x46: {  	s11 =	sadd.s32 s11, s12  }
0x47: {  	[hbm4b:s11+s6] =	stream.strided.scatter [tilespmem:s14], [sflag:$0x2], $0x4000, s7, s6, $0x38;
	[tilespmem:$0x10000] =	vst v63  }
.LBB1_8:
0x48: {  	_ =	sfence.sel $0x180000  }
0x49: {  	s2 =	simm.s32 $0x1;
	[bflag:$0x0] =	sbarrier.arrive $0xFFFF  }
0x4a: {  	s31 =	simm.s32 $0x2;
	[sflag:s2] =	ssyncpa.u1 $0x1  }
0x4b: {  	[sflag:s31] =	ssyncpa.u1 $0x1  }
0x4c: {  	p0 =	sne.s32 s1, $0x0;
	_ =	strace $0x90000047  }
0x4d: {  	s0 =	sadd.s32 @!p0 $0x100000, s0;
	[bflag:$0x2] =	sbarrier.arrive $0xFFFF  }
0x4e: {  	[sflag:s0] =	ssyncadd.tile.s32 @!p0 $0x1;
	_ =	shalt  }
.Lfunc_end1:
_tile_overlayer_lowered:
.L_overlay_start_2:
0x4f: {  	(tag) =	ssettag $0x2  }
0x50: {  	s0 =	rddreg [dreg:$0x0];
	s2 =	stileid.u32  }
0x51: {  	s1 =	rddreg [dreg:$0x1];
	p0 =	sne.s32 s2, $0x0  }
0x52: {  	s3 =	rddreg [dreg:$0x2];
	[bflag:$0x3] =	sbarrier.arrive $0xFFFF;
	s2 =	simm.s32 @!p0 $0x1C01  }
0x53: {  	[timem:s3], [sflag:s2] =	dma.local @!p0 [hbm:s0], s1  }
0x54: {  	s0 =	simm.s32 @!p0 $0x1  }
0x55: {  	_ =	swait.ge @!p0 [sflag:s0], s1  }
0x56: {  	s1 =	ssub.s32 @!p0 $0x0, s1;
	[sflag:s0] =	ssyncset.done @!p0 $0x0  }
0x57: {  	[sflag:s0] =	ssyncadd.s32 @!p0 s1  }
0x58: {  	[bflag:$0x3] =	sbarrier.arrive $0xFFFF  }
0x59: {  	_ =	shalt  }

</sc_bundles>
